<compile_context>
chip_gen: v7x
topology: tpu7x:2x2x1
jax: 0.10.2.dev20260603
libtpu: 0.0.44.dev20260713+nightly
codegen_flags: <defaults>
</compile_context>

<pallas_src>
import functools
import jax
import jax.numpy as jnp
from jax import lax
from jax.experimental import pallas as pl
from jax.experimental.pallas import tpu as pltpu
from jax.experimental.pallas import tpu_sc as plsc

N_NODES = 10000
N_EDGES = 320000
IN_DIM = 128
G1 = 10
G2 = 10
BATCH = 4
D = BATCH * G1
NROW = 10112
NC = 2
NS = 16
NW = NC * NS
CH = 128
NCH = 80
EPW = CH * NCH
E_PAD = EPW * NW
ROWS_PER_TILE = NROW // NS
EPS = 1e-5

def _deg_body(src_hbm, dst_hbm, out_hbm, sv, dv, hs, hd):
    w = lax.axis_index("s") * NC + lax.axis_index("c")
    base = w * EPW
    pltpu.sync_copy(src_hbm.at[pl.ds(base, EPW)], sv)
    pltpu.sync_copy(dst_hbm.at[pl.ds(base, EPW)], dv)

    zeros16 = jnp.zeros((16,), jnp.float32)

    def zero_body(i, _):
        hs[pl.ds(i * 16, 16)] = zeros16
        hd[pl.ds(i * 16, 16)] = zeros16
        return 0

    lax.fori_loop(0, NROW // 16, zero_body, 0, unroll=4)

    ones16 = jnp.ones((16,), jnp.float32)

    def hist_body(i, _):
        s16 = sv[pl.ds(i * 16, 16)]
        plsc.addupdate_scatter(hs, [s16], ones16)
        d16 = dv[pl.ds(i * 16, 16)]
        plsc.addupdate_scatter(hd, [d16], ones16)
        return 0

    lax.fori_loop(0, EPW // 16, hist_body, 0, unroll=4)

    pltpu.sync_copy(hs, out_hbm.at[w, 0])
    pltpu.sync_copy(hd, out_hbm.at[w, 1])


NSLOT = 8


def _edge_body(table_hbm, src_hbm, dst_hbm, zeros_hbm, out_hbm,
               acc, tbl, sv, dv,
               rb0, rb1, rb2, rb3, rb4, rb5, rb6, rb7,
               gs0, gs1, gs2, gs3, gs4, gs5, gs6, gs7,
               ss0, ss1, ss2, ss3, ss4, ss5, ss6, ss7):
    c = lax.axis_index("c")
    s = lax.axis_index("s")
    w = s * NC + c

    pltpu.sync_copy(zeros_hbm.at[pl.ds(s * ROWS_PER_TILE, ROWS_PER_TILE)],
                    acc.at[pl.ds(s * ROWS_PER_TILE, ROWS_PER_TILE)])
    pltpu.sync_copy(table_hbm.at[pl.ds(s * ROWS_PER_TILE, ROWS_PER_TILE)],
                    tbl.at[pl.ds(s * ROWS_PER_TILE, ROWS_PER_TILE)])
    plsc.subcore_barrier()

    pltpu.sync_copy(src_hbm.at[w], sv)
    pltpu.sync_copy(dst_hbm.at[w], dv)

    rbs = (rb0, rb1, rb2, rb3, rb4, rb5, rb6, rb7)
    gsems = (gs0, gs1, gs2, gs3, gs4, gs5, gs6, gs7)
    ssems = (ss0, ss1, ss2, ss3, ss4, ss5, ss6, ss7)
    for b in range(NSLOT):
        pltpu.async_copy(tbl.at[sv.at[b]], rbs[b], gsems[b])

    def body(i, _):
        k0 = NSLOT * i
        for b in range(NSLOT):
            k = k0 + b
            pltpu.make_async_copy(tbl.at[sv.at[k]], rbs[b],
                                  gsems[b]).wait()
            pltpu.async_copy(rbs[b], acc.at[dv.at[k]], ssems[b], add=True)
        for b in range(NSLOT):
            k = k0 + b
            pltpu.make_async_copy(rbs[b], acc.at[dv.at[k]], ssems[b]).wait()

            @pl.when(k + NSLOT < NCH)
            def _():
                pltpu.async_copy(tbl.at[sv.at[k + NSLOT]], rbs[b],
                                 gsems[b])
        return 0

    lax.fori_loop(0, NCH // NSLOT, body, 0)

    plsc.subcore_barrier()
    pltpu.sync_copy(acc.at[pl.ds(s * ROWS_PER_TILE, ROWS_PER_TILE)],
                    out_hbm.at[c, pl.ds(s * ROWS_PER_TILE, ROWS_PER_TILE)])


@functools.lru_cache(maxsize=None)
def _sc_kernels():
    mesh = plsc.VectorSubcoreMesh(core_axis_name="c", subcore_axis_name="s",
                                  num_cores=NC, num_subcores=NS)
    sc_params = pltpu.CompilerParams(needs_layout_passes=False,
                                     use_tc_tiling_on_sc=False)
    deg_kernel = pl.kernel(
        _deg_body,
        out_type=jax.ShapeDtypeStruct((NW, 2, NROW), jnp.float32),
        mesh=mesh,
        compiler_params=sc_params,
        scratch_types=[
            pltpu.VMEM((EPW,), jnp.int32),
            pltpu.VMEM((EPW,), jnp.int32),
            pltpu.VMEM((NROW,), jnp.float32),
            pltpu.VMEM((NROW,), jnp.float32),
        ],
    )
    edge_kernel = pl.kernel(
        _edge_body,
        out_type=jax.ShapeDtypeStruct((NC, NROW, D), jnp.float32),
        mesh=mesh,
        compiler_params=sc_params,
        scratch_types=[
            pltpu.VMEM_SHARED((NROW, D), jnp.float32),
            pltpu.VMEM_SHARED((NROW, D), jnp.float32),
            pltpu.VMEM((NCH, CH), jnp.int32),
            pltpu.VMEM((NCH, CH), jnp.int32),
        ] + [pltpu.VMEM((CH, D), jnp.float32)] * NSLOT
          + [pltpu.SemaphoreType.DMA] * (2 * NSLOT),
    )
    return deg_kernel, edge_kernel


def _proj_body(xr_ref, w1_ref, degp_ref, out_ref, norms_ref):
    deg = jnp.sum(degp_ref[...], axis=0)
    norms = lax.rsqrt(jnp.maximum(deg, 1.0))
    norms_ref[...] = norms
    nsrc = norms[0]
    w1 = w1_ref[...]
    outs = []
    for b in range(BATCH):
        xb = xr_ref[b] * nsrc[None, :]
        r = lax.dot_general(xb, w1, (((0,), (0,)), ((), ())),
                            preferred_element_type=jnp.float32)
        outs.append(r)
    out_ref[...] = jnp.concatenate(outs, axis=1)


_NB = 2048


def _project(xr, W1, degp):
    return pl.pallas_call(
        _proj_body,
        grid=(5,),
        in_specs=[
            pl.BlockSpec((BATCH, IN_DIM, _NB), lambda i: (0, 0, i)),
            pl.BlockSpec((IN_DIM, G1), lambda i: (0, 0)),
            pl.BlockSpec((NW, 2, _NB), lambda i: (0, 0, i)),
        ],
        out_specs=[pl.BlockSpec((_NB, D), lambda i: (i, 0)),
                   pl.BlockSpec((2, _NB), lambda i: (0, i))],
        out_shape=[jax.ShapeDtypeStruct((NROW, D), jnp.float32),
                   jax.ShapeDtypeStruct((2, NROW), jnp.float32)],
    )(xr, W1, degp)


def _colsum(h):
    n = h.shape[0]
    p = 1 << (n - 1).bit_length()
    if p != n:
        h = jnp.concatenate(
            [h, jnp.zeros((p - n,) + h.shape[1:], h.dtype)], axis=0)
    while p > 8:
        p //= 2
        h = h[:p] + h[p:]
    return jnp.sum(h, axis=0)


def _mid_body(parts_ref, norms_ref, w2b_ref, b1t_ref, g1g_ref, g1b_ref, out_ref):
    a = parts_ref[0, :N_NODES] + parts_ref[1, :N_NODES]
    nsrc = norms_ref[0, :N_NODES]
    ndst = norms_ref[1, :N_NODES]
    h = a * ndst[:, None] + b1t_ref[...]
    mean = _colsum(h) * (1.0 / N_NODES)
    cen = h - mean
    var = _colsum(cen * cen) * (1.0 / N_NODES)
    hn = jax.nn.relu(g1g_ref[...] * cen / jnp.sqrt(var + EPS) + g1b_ref[...])
    hn = hn * nsrc[:, None]
    h2 = lax.dot_general(hn, w2b_ref[...], (((1,), (0,)), ((), ())),
                         preferred_element_type=jnp.float32)
    out_ref[...] = jnp.concatenate(
        [h2, jnp.zeros((NROW - N_NODES, D), jnp.float32)], axis=0)


def _mid(parts, norms, W2blk, b1t, g1gt, g1bt):
    return pl.pallas_call(
        _mid_body,
        out_shape=jax.ShapeDtypeStruct((NROW, D), jnp.float32),
    )(parts, norms, W2blk, b1t, g1gt, g1bt)


def _final_body(parts_ref, norms_ref, b2t_ref, g2g_ref, g2b_ref,
                n1g_ref, n1b_ref, u_ref, v_ref, out_ref):
    a = parts_ref[0, :N_NODES] + parts_ref[1, :N_NODES]
    ndst = norms_ref[1, :N_NODES]
    h = a * ndst[:, None] + b2t_ref[...]
    mean = _colsum(h) * (1.0 / N_NODES)
    cen = h - mean
    var = _colsum(cen * cen) * (1.0 / N_NODES)
    hn = jax.nn.relu(g2g_ref[...] * cen / jnp.sqrt(var + EPS) + g2b_ref[...])
    m = _colsum(hn) * (1.0 / N_NODES)
    mb = lax.dot_general(u_ref[...] * m[None, :], v_ref[...],
                         (((1,), (0,)), ((), ())),
                         precision=lax.Precision.HIGHEST,
                         preferred_element_type=jnp.float32)
    mu = jnp.mean(mb, axis=0)
    cb = mb - mu
    vb = jnp.mean(cb * cb, axis=0)
    out_ref[...] = n1g_ref[...] * cb / jnp.sqrt(vb + EPS) + n1b_ref[...]


def _final(parts, norms, b2t, g2gt, g2bt, n1_gamma, n1_beta):
    ks = jnp.arange(D)
    u = (ks[None, :] // G2 == jnp.arange(BATCH)[:, None]).astype(jnp.float32)
    v = (ks[:, None] % G2 == jnp.arange(G2)[None, :]).astype(jnp.float32)
    return pl.pallas_call(
        _final_body,
        out_shape=jax.ShapeDtypeStruct((BATCH, G2), jnp.float32),
    )(parts, norms, b2t, g2gt, g2bt, n1_gamma, n1_beta, u, v)


def kernel(x, edge_index, W1, b1, W2, b2, g1_gamma, g1_beta,
           g2_gamma, g2_beta, n1_gamma, n1_beta):
    src = edge_index[0]
    dst = edge_index[1]
    pad = jnp.full((E_PAD - N_EDGES,), N_NODES, jnp.int32)
    src_p = jnp.concatenate([src, pad])
    dst_p = jnp.concatenate([dst, pad])
    src2d = src_p.reshape(NW, NCH, CH)
    dst2d = dst_p.reshape(NW, NCH, CH)

    xr = x.reshape(BATCH, IN_DIM, N_NODES)

    deg_kernel, edge_kernel = _sc_kernels()
    degp = deg_kernel(src_p, dst_p)
    table1, norms = _project(xr, W1, degp)

    zrs = jnp.zeros((NROW, D), jnp.float32)
    parts1 = edge_kernel(table1, src2d, dst2d, zrs)

    eye = jnp.eye(BATCH, dtype=jnp.float32)
    W2blk = jnp.kron(eye, W2)
    b1t = jnp.tile(b1, BATCH)
    g1gt = jnp.tile(g1_gamma, BATCH)
    g1bt = jnp.tile(g1_beta, BATCH)
    table2 = _mid(parts1, norms, W2blk, b1t, g1gt, g1bt)

    parts2 = edge_kernel(table2, src2d, dst2d, zrs)

    b2t = jnp.tile(b2, BATCH)
    g2gt = jnp.tile(g2_gamma, BATCH)
    g2bt = jnp.tile(g2_beta, BATCH)
    return _final(parts2, norms, b2t, g2gt, g2bt, n1_gamma, n1_beta)

# --- scband reference (transcript-rebuilt; emitter-appended) ---
"""Pipeline reference for scband-gcn-66288525247270 (READ-ONLY COPY).

The authoritative reference and input builder live on the scoring server;
editing this copy changes nothing except your own understanding.
"""

import jax, jax.numpy as jnp
import numpy as np

N_NODES = 10000
N_EDGES = 320000
IN_DIM = 128
G1 = 10
G2 = 10
BATCH = 4


def _batchnorm(x, gamma, beta, eps=1e-5):
    # training-mode BatchNorm1d: batch statistics over dim 0
    mean = jnp.mean(x, axis=0)
    var = jnp.var(x, axis=0)
    return gamma * (x - mean) / jnp.sqrt(var + eps) + beta


def _graph_conv(feat, src, dst, W, b):
    # DGL GraphConv with norm='both': D_in^{-1/2} A D_out^{-1/2} X W + b
    ones = jnp.ones((N_EDGES,), feat.dtype)
    deg_out = jnp.zeros((N_NODES,), feat.dtype).at[src].add(ones)
    deg_in = jnp.zeros((N_NODES,), feat.dtype).at[dst].add(ones)
    norm_src = jnp.clip(deg_out, 1.0, None) ** -0.5
    norm_dst = jnp.clip(deg_in, 1.0, None) ** -0.5
    h = feat * norm_src[:, None]
    # in_feats >= out_feats: project first, then aggregate (same math either way)
    h = h @ W
    msg = h[src]
    agg = jnp.zeros((N_NODES, h.shape[1]), h.dtype).at[dst].add(msg)
    return agg * norm_dst[:, None] + b


def setup_inputs(seed: int = 0) -> dict:
    key = jax.random.key(seed)
    ks = jax.random.split(key, 12)
    x = jax.random.normal(ks[0], (BATCH, IN_DIM * N_NODES), dtype=jnp.float32)
    edge_index = jax.random.randint(ks[1], (2, N_EDGES), 0, N_NODES, dtype=jnp.int32)
    W1 = jax.random.normal(ks[2], (IN_DIM, G1), dtype=jnp.float32) * (1.0 / np.sqrt(IN_DIM))
    b1 = jnp.zeros((G1,), jnp.float32)
    W2 = jax.random.normal(ks[3], (G1, G2), dtype=jnp.float32) * (1.0 / np.sqrt(G1))
    b2 = jnp.zeros((G2,), jnp.float32)
    g1_gamma = jnp.ones((G1,), jnp.float32)
    g1_beta = jnp.zeros((G1,), jnp.float32)
    g2_gamma = jnp.ones((G2,), jnp.float32)
    g2_beta = jnp.zeros((G2,), jnp.float32)
    n1_gamma = jnp.ones((G2,), jnp.float32)
    n1_beta = jnp.zeros((G2,), jnp.float32)
    return {"x": x, "edge_index": edge_index, "W1": W1, "b1": b1, "W2": W2, "b2": b2,
            "g1_gamma": g1_gamma, "g1_beta": g1_beta, "g2_gamma": g2_gamma, "g2_beta": g2_beta,
            "n1_gamma": n1_gamma, "n1_beta": n1_beta}


def reference(x, edge_index, W1, b1, W2, b2, g1_gamma, g1_beta, g2_gamma, g2_beta, n1_gamma, n1_beta):
    src = edge_index[0]
    dst = edge_index[1]
    # reshape (B, in_dim*N) -> (B, in_dim, N) -> (B, N, in_dim)
    xb = x.reshape(BATCH, IN_DIM, N_NODES).transpose(0, 2, 1)

    def per_sample(feat):
        h = _graph_conv(feat, src, dst, W1, b1)
        h = jax.nn.relu(_batchnorm(h, g1_gamma, g1_beta))
        h = _graph_conv(h, src, dst, W2, b2)
        h = jax.nn.relu(_batchnorm(h, g2_gamma, g2_beta))
        # dgl.mean_nodes on a batch_size=1 graph -> (1, G2); reshape(-1) -> (G2,)
        return jnp.mean(h, axis=0)

    out = jnp.stack([per_sample(xb[i]) for i in range(BATCH)], axis=0)
    out = _batchnorm(out, n1_gamma, n1_beta)
    # dropout is identity in eval / reference mode
    return out

if __name__ == "__main__":
    import jax
    _d = setup_inputs()
    print(jax.jit(kernel)(*tuple(_d.values())))

</pallas_src>

<mosaic_0001>
#map = affine_map<(d0, d1) -> (0)>
#map1 = affine_map<(d0, d1) -> (0, 0, 0)>
module attributes {stable_mosaic.version = 14 : i64} {
  func.func @_deg_body(%arg0: i32, %arg1: i32, %arg2: memref<327680xi32, #tpu.memory_space<hbm>>, %arg3: memref<327680xi32, #tpu.memory_space<hbm>>, %arg4: memref<32x2x10112xf32, #tpu.memory_space<hbm>>, %arg5: memref<10240xi32, #tpu.memory_space<vmem>>, %arg6: memref<10240xi32, #tpu.memory_space<vmem>>, %arg7: memref<10112xf32, #tpu.memory_space<vmem>>, %arg8: memref<10112xf32, #tpu.memory_space<vmem>>) attributes {dimension_semantics = [#tpu.dimension_semantics<core_parallel>, #tpu.dimension_semantics<subcore_parallel>], iteration_bounds = array<i64: 2, 16>, scalar_prefetch = 0 : i64, scratch_operands = 4 : i64, tpu.core_type = #tpu.core_type<sc_vector_subcore>, window_params = [{transform_indices = #map}, {transform_indices = #map}, {transform_indices = #map1}]} {
    %mul3A = arith.constant 2 : i32
    %mul3A_0 = arith.muli %arg1, %mul3A : i32
    %add3A = arith.addi %mul3A_0, %arg0 : i32
    %mul3A_1 = arith.constant 10240 : i32
    %mul3A_2 = arith.muli %add3A, %mul3A_1 : i32
    "tpu.region"() ({
      %run_scoped3A_20 = tpu.sem_alloc : memref<!tpu.dma_semaphore, #tpu.memory_space<semaphore_mem>>
      %dma_start3A = tpu.memref_slice %arg2[%mul3A_2] : memref<327680xi32, #tpu.memory_space<hbm>> -> memref<10240xi32, #tpu.memory_space<hbm>>
      %dma_start3A_21 = tpu.memref_slice %arg2[%mul3A_2] : memref<327680xi32, #tpu.memory_space<hbm>> -> memref<10240xi32, #tpu.memory_space<hbm>>
      tpu.enqueue_dma source(%dma_start3A_21 : memref<10240xi32, #tpu.memory_space<hbm>>) target(%arg5 : memref<10240xi32, #tpu.memory_space<vmem>>) target_semaphore(%run_scoped3A_20 : memref<!tpu.dma_semaphore, #tpu.memory_space<semaphore_mem>>)
      %dma_wait3A = tpu.memref_slice %arg2[%mul3A_2] : memref<327680xi32, #tpu.memory_space<hbm>> -> memref<10240xi32, #tpu.memory_space<hbm>>
      %dma_wait3A_22 = tpu.memref_slice %arg2[%mul3A_2] : memref<327680xi32, #tpu.memory_space<hbm>> -> memref<10240xi32, #tpu.memory_space<hbm>>
      tpu.wait_dma2 semaphore(%run_scoped3A_20 : memref<!tpu.dma_semaphore, #tpu.memory_space<semaphore_mem>>) src(%dma_wait3A_22 : memref<10240xi32, #tpu.memory_space<hbm>>) dst(%arg5 : memref<10240xi32, #tpu.memory_space<vmem>>)
      tpu.yield
    }) : () -> ()
    "tpu.region"() ({
      %run_scoped3A_20 = tpu.sem_alloc : memref<!tpu.dma_semaphore, #tpu.memory_space<semaphore_mem>>
      %dma_start3A = tpu.memref_slice %arg3[%mul3A_2] : memref<327680xi32, #tpu.memory_space<hbm>> -> memref<10240xi32, #tpu.memory_space<hbm>>
      %dma_start3A_21 = tpu.memref_slice %arg3[%mul3A_2] : memref<327680xi32, #tpu.memory_space<hbm>> -> memref<10240xi32, #tpu.memory_space<hbm>>
      tpu.enqueue_dma source(%dma_start3A_21 : memref<10240xi32, #tpu.memory_space<hbm>>) target(%arg6 : memref<10240xi32, #tpu.memory_space<vmem>>) target_semaphore(%run_scoped3A_20 : memref<!tpu.dma_semaphore, #tpu.memory_space<semaphore_mem>>)
      %dma_wait3A = tpu.memref_slice %arg3[%mul3A_2] : memref<327680xi32, #tpu.memory_space<hbm>> -> memref<10240xi32, #tpu.memory_space<hbm>>
      %dma_wait3A_22 = tpu.memref_slice %arg3[%mul3A_2] : memref<327680xi32, #tpu.memory_space<hbm>> -> memref<10240xi32, #tpu.memory_space<hbm>>
      tpu.wait_dma2 semaphore(%run_scoped3A_20 : memref<!tpu.dma_semaphore, #tpu.memory_space<semaphore_mem>>) src(%dma_wait3A_22 : memref<10240xi32, #tpu.memory_space<hbm>>) dst(%arg6 : memref<10240xi32, #tpu.memory_space<vmem>>)
      tpu.yield
    }) : () -> ()
    %broadcast_in_dim3A = arith.constant 0.000000e+00 : f32
    %broadcast_in_dim3A_3 = vector.broadcast %broadcast_in_dim3A : f32 to vector<16xf32>
    %scan3A = arith.constant 0 : i32
    %scan3A_4 = arith.constant 0 : i32
    %scan3A_5 = arith.constant 632 : i32
    %scan3A_6 = arith.addi %scan3A_4, %scan3A_5 : i32
    %scan3A_7 = arith.constant 4 : i32
    %scan3A_8 = scf.for %scan3A_20 = %scan3A_4 to %scan3A_6 step %scan3A_7 iter_args(%scan3A_21 = %scan3A) -> (i32)  : i32 {
      %mul3A_22 = arith.constant 16 : i32
      %mul3A_23 = arith.muli %scan3A_20, %mul3A_22 : i32
      %swap3A = arith.index_cast %mul3A_23 : i32 to index
      %swap3A_24 = tpu.vector_load %arg7[%swap3A] {strides = array<i32>} : memref<10112xf32, #tpu.memory_space<vmem>>, vector<16xf32>,
      tpu.vector_store %arg7[%swap3A], %broadcast_in_dim3A_3 {strides = array<i32>} : memref<10112xf32, #tpu.memory_space<vmem>>, vector<16xf32>,
      %mul3A_25 = arith.constant 16 : i32
      %mul3A_26 = arith.muli %scan3A_20, %mul3A_25 : i32
      %swap3A_27 = arith.index_cast %mul3A_26 : i32 to index
      %swap3A_28 = tpu.vector_load %arg8[%swap3A_27] {strides = array<i32>} : memref<10112xf32, #tpu.memory_space<vmem>>, vector<16xf32>,
      tpu.vector_store %arg8[%swap3A_27], %broadcast_in_dim3A_3 {strides = array<i32>} : memref<10112xf32, #tpu.memory_space<vmem>>, vector<16xf32>,
      %scan3A_29 = arith.constant 0 : i32
      %scan3A_30 = arith.constant 1 : i32
      %scan3A_31 = arith.addi %scan3A_20, %scan3A_30 : i32
      %mul3A_32 = arith.constant 16 : i32
      %mul3A_33 = arith.muli %scan3A_31, %mul3A_32 : i32
      %swap3A_34 = arith.index_cast %mul3A_33 : i32 to index
      %swap3A_35 = tpu.vector_load %arg7[%swap3A_34] {strides = array<i32>} : memref<10112xf32, #tpu.memory_space<vmem>>, vector<16xf32>,
      tpu.vector_store %arg7[%swap3A_34], %broadcast_in_dim3A_3 {strides = array<i32>} : memref<10112xf32, #tpu.memory_space<vmem>>, vector<16xf32>,
      %mul3A_36 = arith.constant 16 : i32
      %mul3A_37 = arith.muli %scan3A_31, %mul3A_36 : i32
      %swap3A_38 = arith.index_cast %mul3A_37 : i32 to index
      %swap3A_39 = tpu.vector_load %arg8[%swap3A_38] {strides = array<i32>} : memref<10112xf32, #tpu.memory_space<vmem>>, vector<16xf32>,
      tpu.vector_store %arg8[%swap3A_38], %broadcast_in_dim3A_3 {strides = array<i32>} : memref<10112xf32, #tpu.memory_space<vmem>>, vector<16xf32>,
      %scan3A_40 = arith.constant 0 : i32
      %scan3A_41 = arith.constant 2 : i32
      %scan3A_42 = arith.addi %scan3A_20, %scan3A_41 : i32
      %mul3A_43 = arith.constant 16 : i32
      %mul3A_44 = arith.muli %scan3A_42, %mul3A_43 : i32
      %swap3A_45 = arith.index_cast %mul3A_44 : i32 to index
      %swap3A_46 = tpu.vector_load %arg7[%swap3A_45] {strides = array<i32>} : memref<10112xf32, #tpu.memory_space<vmem>>, vector<16xf32>,
      tpu.vector_store %arg7[%swap3A_45], %broadcast_in_dim3A_3 {strides = array<i32>} : memref<10112xf32, #tpu.memory_space<vmem>>, vector<16xf32>,
      %mul3A_47 = arith.constant 16 : i32
      %mul3A_48 = arith.muli %scan3A_42, %mul3A_47 : i32
      %swap3A_49 = arith.index_cast %mul3A_48 : i32 to index
      %swap3A_50 = tpu.vector_load %arg8[%swap3A_49] {strides = array<i32>} : memref<10112xf32, #tpu.memory_space<vmem>>, vector<16xf32>,
      tpu.vector_store %arg8[%swap3A_49], %broadcast_in_dim3A_3 {strides = array<i32>} : memref<10112xf32, #tpu.memory_space<vmem>>, vector<16xf32>,
      %scan3A_51 = arith.constant 0 : i32
      %scan3A_52 = arith.constant 3 : i32
      %scan3A_53 = arith.addi %scan3A_20, %scan3A_52 : i32
      %mul3A_54 = arith.constant 16 : i32
      %mul3A_55 = arith.muli %scan3A_53, %mul3A_54 : i32
      %swap3A_56 = arith.index_cast %mul3A_55 : i32 to index
      %swap3A_57 = tpu.vector_load %arg7[%swap3A_56] {strides = array<i32>} : memref<10112xf32, #tpu.memory_space<vmem>>, vector<16xf32>,
      tpu.vector_store %arg7[%swap3A_56], %broadcast_in_dim3A_3 {strides = array<i32>} : memref<10112xf32, #tpu.memory_space<vmem>>, vector<16xf32>,
      %mul3A_58 = arith.constant 16 : i32
      %mul3A_59 = arith.muli %scan3A_53, %mul3A_58 : i32
      %swap3A_60 = arith.index_cast %mul3A_59 : i32 to index
      %swap3A_61 = tpu.vector_load %arg8[%swap3A_60] {strides = array<i32>} : memref<10112xf32, #tpu.memory_space<vmem>>, vector<16xf32>,
      tpu.vector_store %arg8[%swap3A_60], %broadcast_in_dim3A_3 {strides = array<i32>} : memref<10112xf32, #tpu.memory_space<vmem>>, vector<16xf32>,
      %scan3A_62 = arith.constant 0 : i32
      scf.yield %scan3A_62 : i32
    }
    %scan3A_9 = arith.constant 632 : i32
    %broadcast_in_dim3A_10 = arith.constant 1.000000e+00 : f32
    %broadcast_in_dim3A_11 = vector.broadcast %broadcast_in_dim3A_10 : f32 to vector<16xf32>
    %scan3A_12 = arith.constant 0 : i32
    %scan3A_13 = arith.constant 0 : i32
    %scan3A_14 = arith.constant 640 : i32
    %scan3A_15 = arith.addi %scan3A_13, %scan3A_14 : i32
    %scan3A_16 = arith.constant 4 : i32
    %scan3A_17 = scf.for %scan3A_20 = %scan3A_13 to %scan3A_15 step %scan3A_16 iter_args(%scan3A_21 = %scan3A_12) -> (i32)  : i32 {
      %mul3A_22 = arith.constant 16 : i32
      %mul3A_23 = arith.muli %scan3A_20, %mul3A_22 : i32
      %get3A = arith.index_cast %mul3A_23 : i32 to index
      %get3A_24 = tpu.vector_load %arg5[%get3A] {strides = array<i32>} : memref<10240xi32, #tpu.memory_space<vmem>>, vector<16xi32>,
      tpu.vector_store_idx %arg7[%get3A_24], %broadcast_in_dim3A_11 {add = true} : memref<10112xf32, #tpu.memory_space<vmem>>[vector<16xi32>], vector<16xf32>,
      %mul3A_25 = arith.constant 16 : i32
      %mul3A_26 = arith.muli %scan3A_20, %mul3A_25 : i32
      %get3A_27 = arith.index_cast %mul3A_26 : i32 to index
      %get3A_28 = tpu.vector_load %arg6[%get3A_27] {strides = array<i32>} : memref<10240xi32, #tpu.memory_space<vmem>>, vector<16xi32>,
      tpu.vector_store_idx %arg8[%get3A_28], %broadcast_in_dim3A_11 {add = true} : memref<10112xf32, #tpu.memory_space<vmem>>[vector<16xi32>], vector<16xf32>,
      %scan3A_29 = arith.constant 0 : i32
      %scan3A_30 = arith.constant 1 : i32
      %scan3A_31 = arith.addi %scan3A_20, %scan3A_30 : i32
      %mul3A_32 = arith.constant 16 : i32
      %mul3A_33 = arith.muli %scan3A_31, %mul3A_32 : i32
      %get3A_34 = arith.index_cast %mul3A_33 : i32 to index
      %get3A_35 = tpu.vector_load %arg5[%get3A_34] {strides = array<i32>} : memref<10240xi32, #tpu.memory_space<vmem>>, vector<16xi32>,
      tpu.vector_store_idx %arg7[%get3A_35], %broadcast_in_dim3A_11 {add = true} : memref<10112xf32, #tpu.memory_space<vmem>>[vector<16xi32>], vector<16xf32>,
      %mul3A_36 = arith.constant 16 : i32
      %mul3A_37 = arith.muli %scan3A_31, %mul3A_36 : i32
      %get3A_38 = arith.index_cast %mul3A_37 : i32 to index
      %get3A_39 = tpu.vector_load %arg6[%get3A_38] {strides = array<i32>} : memref<10240xi32, #tpu.memory_space<vmem>>, vector<16xi32>,
      tpu.vector_store_idx %arg8[%get3A_39], %broadcast_in_dim3A_11 {add = true} : memref<10112xf32, #tpu.memory_space<vmem>>[vector<16xi32>], vector<16xf32>,
      %scan3A_40 = arith.constant 0 : i32
      %scan3A_41 = arith.constant 2 : i32
      %scan3A_42 = arith.addi %scan3A_20, %scan3A_41 : i32
      %mul3A_43 = arith.constant 16 : i32
      %mul3A_44 = arith.muli %scan3A_42, %mul3A_43 : i32
      %get3A_45 = arith.index_cast %mul3A_44 : i32 to index
      %get3A_46 = tpu.vector_load %arg5[%get3A_45] {strides = array<i32>} : memref<10240xi32, #tpu.memory_space<vmem>>, vector<16xi32>,
      tpu.vector_store_idx %arg7[%get3A_46], %broadcast_in_dim3A_11 {add = true} : memref<10112xf32, #tpu.memory_space<vmem>>[vector<16xi32>], vector<16xf32>,
      %mul3A_47 = arith.constant 16 : i32
      %mul3A_48 = arith.muli %scan3A_42, %mul3A_47 : i32
      %get3A_49 = arith.index_cast %mul3A_48 : i32 to index
      %get3A_50 = tpu.vector_load %arg6[%get3A_49] {strides = array<i32>} : memref<10240xi32, #tpu.memory_space<vmem>>, vector<16xi32>,
      tpu.vector_store_idx %arg8[%get3A_50], %broadcast_in_dim3A_11 {add = true} : memref<10112xf32, #tpu.memory_space<vmem>>[vector<16xi32>], vector<16xf32>,
      %scan3A_51 = arith.constant 0 : i32
      %scan3A_52 = arith.constant 3 : i32
      %scan3A_53 = arith.addi %scan3A_20, %scan3A_52 : i32
      %mul3A_54 = arith.constant 16 : i32
      %mul3A_55 = arith.muli %scan3A_53, %mul3A_54 : i32
      %get3A_56 = arith.index_cast %mul3A_55 : i32 to index
      %get3A_57 = tpu.vector_load %arg5[%get3A_56] {strides = array<i32>} : memref<10240xi32, #tpu.memory_space<vmem>>, vector<16xi32>,
      tpu.vector_store_idx %arg7[%get3A_57], %broadcast_in_dim3A_11 {add = true} : memref<10112xf32, #tpu.memory_space<vmem>>[vector<16xi32>], vector<16xf32>,
      %mul3A_58 = arith.constant 16 : i32
      %mul3A_59 = arith.muli %scan3A_53, %mul3A_58 : i32
      %get3A_60 = arith.index_cast %mul3A_59 : i32 to index
      %get3A_61 = tpu.vector_load %arg6[%get3A_60] {strides = array<i32>} : memref<10240xi32, #tpu.memory_space<vmem>>, vector<16xi32>,
      tpu.vector_store_idx %arg8[%get3A_61], %broadcast_in_dim3A_11 {add = true} : memref<10112xf32, #tpu.memory_space<vmem>>[vector<16xi32>], vector<16xf32>,
      %scan3A_62 = arith.constant 0 : i32
      scf.yield %scan3A_62 : i32
    }
    %scan3A_18 = arith.constant 640 : i32
    %run_scoped3A = arith.constant 0 : i32
    "tpu.region"() ({
      %run_scoped3A_20 = tpu.sem_alloc : memref<!tpu.dma_semaphore, #tpu.memory_space<semaphore_mem>>
      %dma_start3A = arith.constant 0 : i32
      %dma_start3A_21 = tpu.memref_slice %arg4[%add3A, %run_scoped3A, %dma_start3A] : memref<32x2x10112xf32, #tpu.memory_space<hbm>> -> memref<1x1x10112xf32, #tpu.memory_space<hbm>>
      %dma_start3A_22 = tpu.memref_squeeze %dma_start3A_21 : memref<1x1x10112xf32, #tpu.memory_space<hbm>> -> memref<10112xf32, #tpu.memory_space<hbm>>
      %dma_start3A_23 = arith.constant 0 : i32
      %dma_start3A_24 = tpu.memref_slice %arg4[%add3A, %run_scoped3A, %dma_start3A_23] : memref<32x2x10112xf32, #tpu.memory_space<hbm>> -> memref<1x1x10112xf32, #tpu.memory_space<hbm>>
      %dma_start3A_25 = tpu.memref_squeeze %dma_start3A_24 : memref<1x1x10112xf32, #tpu.memory_space<hbm>> -> memref<10112xf32, #tpu.memory_space<hbm>>
      tpu.enqueue_dma source(%arg7 : memref<10112xf32, #tpu.memory_space<vmem>>) target(%dma_start3A_25 : memref<10112xf32, #tpu.memory_space<hbm>>) target_semaphore(%run_scoped3A_20 : memref<!tpu.dma_semaphore, #tpu.memory_space<semaphore_mem>>)
      %dma_wait3A = arith.constant 0 : i32
      %dma_wait3A_26 = tpu.memref_slice %arg4[%add3A, %run_scoped3A, %dma_wait3A] : memref<32x2x10112xf32, #tpu.memory_space<hbm>> -> memref<1x1x10112xf32, #tpu.memory_space<hbm>>
      %dma_wait3A_27 = tpu.memref_squeeze %dma_wait3A_26 : memref<1x1x10112xf32, #tpu.memory_space<hbm>> -> memref<10112xf32, #tpu.memory_space<hbm>>
      %dma_wait3A_28 = arith.constant 0 : i32
      %dma_wait3A_29 = tpu.memref_slice %arg4[%add3A, %run_scoped3A, %dma_wait3A_28] : memref<32x2x10112xf32, #tpu.memory_space<hbm>> -> memref<1x1x10112xf32, #tpu.memory_space<hbm>>
      %dma_wait3A_30 = tpu.memref_squeeze %dma_wait3A_29 : memref<1x1x10112xf32, #tpu.memory_space<hbm>> -> memref<10112xf32, #tpu.memory_space<hbm>>
      tpu.wait_dma2 semaphore(%run_scoped3A_20 : memref<!tpu.dma_semaphore, #tpu.memory_space<semaphore_mem>>) src(%arg7 : memref<10112xf32, #tpu.memory_space<vmem>>) dst(%dma_wait3A_30 : memref<10112xf32, #tpu.memory_space<hbm>>)
      tpu.yield
    }) : () -> ()
    %run_scoped3A_19 = arith.constant 1 : i32
    "tpu.region"() ({
      %run_scoped3A_20 = tpu.sem_alloc : memref<!tpu.dma_semaphore, #tpu.memory_space<semaphore_mem>>
      %dma_start3A = arith.constant 0 : i32
      %dma_start3A_21 = tpu.memref_slice %arg4[%add3A, %run_scoped3A_19, %dma_start3A] : memref<32x2x10112xf32, #tpu.memory_space<hbm>> -> memref<1x1x10112xf32, #tpu.memory_space<hbm>>
      %dma_start3A_22 = tpu.memref_squeeze %dma_start3A_21 : memref<1x1x10112xf32, #tpu.memory_space<hbm>> -> memref<10112xf32, #tpu.memory_space<hbm>>
      %dma_start3A_23 = arith.constant 0 : i32
      %dma_start3A_24 = tpu.memref_slice %arg4[%add3A, %run_scoped3A_19, %dma_start3A_23] : memref<32x2x10112xf32, #tpu.memory_space<hbm>> -> memref<1x1x10112xf32, #tpu.memory_space<hbm>>
      %dma_start3A_25 = tpu.memref_squeeze %dma_start3A_24 : memref<1x1x10112xf32, #tpu.memory_space<hbm>> -> memref<10112xf32, #tpu.memory_space<hbm>>
      tpu.enqueue_dma source(%arg8 : memref<10112xf32, #tpu.memory_space<vmem>>) target(%dma_start3A_25 : memref<10112xf32, #tpu.memory_space<hbm>>) target_semaphore(%run_scoped3A_20 : memref<!tpu.dma_semaphore, #tpu.memory_space<semaphore_mem>>)
      %dma_wait3A = arith.constant 0 : i32
      %dma_wait3A_26 = tpu.memref_slice %arg4[%add3A, %run_scoped3A_19, %dma_wait3A] : memref<32x2x10112xf32, #tpu.memory_space<hbm>> -> memref<1x1x10112xf32, #tpu.memory_space<hbm>>
      %dma_wait3A_27 = tpu.memref_squeeze %dma_wait3A_26 : memref<1x1x10112xf32, #tpu.memory_space<hbm>> -> memref<10112xf32, #tpu.memory_space<hbm>>
      %dma_wait3A_28 = arith.constant 0 : i32
      %dma_wait3A_29 = tpu.memref_slice %arg4[%add3A, %run_scoped3A_19, %dma_wait3A_28] : memref<32x2x10112xf32, #tpu.memory_space<hbm>> -> memref<1x1x10112xf32, #tpu.memory_space<hbm>>
      %dma_wait3A_30 = tpu.memref_squeeze %dma_wait3A_29 : memref<1x1x10112xf32, #tpu.memory_space<hbm>> -> memref<10112xf32, #tpu.memory_space<hbm>>
      tpu.wait_dma2 semaphore(%run_scoped3A_20 : memref<!tpu.dma_semaphore, #tpu.memory_space<semaphore_mem>>) src(%arg8 : memref<10112xf32, #tpu.memory_space<vmem>>) dst(%dma_wait3A_30 : memref<10112xf32, #tpu.memory_space<hbm>>)
      tpu.yield
    }) : () -> ()
    return
  }
}

#map = affine_map<(d0, d1) -> (0, 0)>
#map1 = affine_map<(d0, d1) -> (0, 0, 0)>
module attributes {stable_mosaic.version = 14 : i64} {
  func.func @_edge_body(%arg0: i32, %arg1: i32, %arg2: memref<10112x40xf32, #tpu.memory_space<hbm>>, %arg3: memref<32x80x128xi32, #tpu.memory_space<hbm>>, %arg4: memref<32x80x128xi32, #tpu.memory_space<hbm>>, %arg5: memref<10112x40xf32, #tpu.memory_space<hbm>>, %arg6: memref<2x10112x40xf32, #tpu.memory_space<hbm>>, %arg7: memref<10112x40xf32, #tpu.memory_space<vmem_shared>>, %arg8: memref<10112x40xf32, #tpu.memory_space<vmem_shared>>, %arg9: memref<80x128xi32, #tpu.memory_space<vmem>>, %arg10: memref<80x128xi32, #tpu.memory_space<vmem>>, %arg11: memref<128x40xf32, #tpu.memory_space<vmem>>, %arg12: memref<128x40xf32, #tpu.memory_space<vmem>>, %arg13: memref<128x40xf32, #tpu.memory_space<vmem>>, %arg14: memref<128x40xf32, #tpu.memory_space<vmem>>, %arg15: memref<128x40xf32, #tpu.memory_space<vmem>>, %arg16: memref<128x40xf32, #tpu.memory_space<vmem>>, %arg17: memref<128x40xf32, #tpu.memory_space<vmem>>, %arg18: memref<128x40xf32, #tpu.memory_space<vmem>>, %arg19: memref<!tpu.dma_semaphore, #tpu.memory_space<semaphore_mem>>, %arg20: memref<!tpu.dma_semaphore, #tpu.memory_space<semaphore_mem>>, %arg21: memref<!tpu.dma_semaphore, #tpu.memory_space<semaphore_mem>>, %arg22: memref<!tpu.dma_semaphore, #tpu.memory_space<semaphore_mem>>, %arg23: memref<!tpu.dma_semaphore, #tpu.memory_space<semaphore_mem>>, %arg24: memref<!tpu.dma_semaphore, #tpu.memory_space<semaphore_mem>>, %arg25: memref<!tpu.dma_semaphore, #tpu.memory_space<semaphore_mem>>, %arg26: memref<!tpu.dma_semaphore, #tpu.memory_space<semaphore_mem>>, %arg27: memref<!tpu.dma_semaphore, #tpu.memory_space<semaphore_mem>>, %arg28: memref<!tpu.dma_semaphore, #tpu.memory_space<semaphore_mem>>, %arg29: memref<!tpu.dma_semaphore, #tpu.memory_space<semaphore_mem>>, %arg30: memref<!tpu.dma_semaphore, #tpu.memory_space<semaphore_mem>>, %arg31: memref<!tpu.dma_semaphore, #tpu.memory_space<semaphore_mem>>, %arg32: memref<!tpu.dma_semaphore, #tpu.memory_space<semaphore_mem>>, %arg33: memref<!tpu.dma_semaphore, #tpu.memory_space<semaphore_mem>>, %arg34: memref<!tpu.dma_semaphore, #tpu.memory_space<semaphore_mem>>) attributes {dimension_semantics = [#tpu.dimension_semantics<core_parallel>, #tpu.dimension_semantics<subcore_parallel>], iteration_bounds = array<i64: 2, 16>, scalar_prefetch = 0 : i64, scratch_operands = 28 : i64, tpu.core_type = #tpu.core_type<sc_vector_subcore>, window_params = [{transform_indices = #map}, {transform_indices = #map1}, {transform_indices = #map1}, {transform_indices = #map}, {transform_indices = #map1}]} {
    %mul3A = arith.constant 2 : i32
    %mul3A_0 = arith.muli %arg1, %mul3A : i32
    %add3A = arith.addi %mul3A_0, %arg0 : i32
    %mul3A_1 = arith.constant 632 : i32
    %mul3A_2 = arith.muli %arg1, %mul3A_1 : i32
    %mul3A_3 = arith.constant 632 : i32
    %mul3A_4 = arith.muli %arg1, %mul3A_3 : i32
    "tpu.region"() ({
      %run_scoped3A = tpu.sem_alloc : memref<!tpu.dma_semaphore, #tpu.memory_space<semaphore_mem>>
      %dma_start3A_75 = arith.constant 0 : i32
      %dma_start3A_76 = tpu.memref_slice %arg7[%mul3A_4, %dma_start3A_75] : memref<10112x40xf32, #tpu.memory_space<vmem_shared>> -> memref<632x40xf32, #tpu.memory_space<vmem_shared>>
      %dma_start3A_77 = arith.constant 0 : i32
      %dma_start3A_78 = tpu.memref_slice %arg5[%mul3A_2, %dma_start3A_77] : memref<10112x40xf32, #tpu.memory_space<hbm>> -> memref<632x40xf32, #tpu.memory_space<hbm>>
      tpu.enqueue_dma source(%dma_start3A_78 : memref<632x40xf32, #tpu.memory_space<hbm>>) target(%dma_start3A_76 : memref<632x40xf32, #tpu.memory_space<vmem_shared>>) target_semaphore(%run_scoped3A : memref<!tpu.dma_semaphore, #tpu.memory_space<semaphore_mem>>)
      %dma_wait3A = arith.constant 0 : i32
      %dma_wait3A_79 = tpu.memref_slice %arg7[%mul3A_4, %dma_wait3A] : memref<10112x40xf32, #tpu.memory_space<vmem_shared>> -> memref<632x40xf32, #tpu.memory_space<vmem_shared>>
      %dma_wait3A_80 = arith.constant 0 : i32
      %dma_wait3A_81 = tpu.memref_slice %arg5[%mul3A_2, %dma_wait3A_80] : memref<10112x40xf32, #tpu.memory_space<hbm>> -> memref<632x40xf32, #tpu.memory_space<hbm>>
      tpu.wait_dma2 semaphore(%run_scoped3A : memref<!tpu.dma_semaphore, #tpu.memory_space<semaphore_mem>>) src(%dma_wait3A_81 : memref<632x40xf32, #tpu.memory_space<hbm>>) dst(%dma_wait3A_79 : memref<632x40xf32, #tpu.memory_space<vmem_shared>>)
      tpu.yield
    }) : () -> ()
    %mul3A_5 = arith.constant 632 : i32
    %mul3A_6 = arith.muli %arg1, %mul3A_5 : i32
    %mul3A_7 = arith.constant 632 : i32
    %mul3A_8 = arith.muli %arg1, %mul3A_7 : i32
    "tpu.region"() ({
      %run_scoped3A = tpu.sem_alloc : memref<!tpu.dma_semaphore, #tpu.memory_space<semaphore_mem>>
      %dma_start3A_75 = arith.constant 0 : i32
      %dma_start3A_76 = tpu.memref_slice %arg8[%mul3A_8, %dma_start3A_75] : memref<10112x40xf32, #tpu.memory_space<vmem_shared>> -> memref<632x40xf32, #tpu.memory_space<vmem_shared>>
      %dma_start3A_77 = arith.constant 0 : i32
      %dma_start3A_78 = tpu.memref_slice %arg2[%mul3A_6, %dma_start3A_77] : memref<10112x40xf32, #tpu.memory_space<hbm>> -> memref<632x40xf32, #tpu.memory_space<hbm>>
      tpu.enqueue_dma source(%dma_start3A_78 : memref<632x40xf32, #tpu.memory_space<hbm>>) target(%dma_start3A_76 : memref<632x40xf32, #tpu.memory_space<vmem_shared>>) target_semaphore(%run_scoped3A : memref<!tpu.dma_semaphore, #tpu.memory_space<semaphore_mem>>)
      %dma_wait3A = arith.constant 0 : i32
      %dma_wait3A_79 = tpu.memref_slice %arg8[%mul3A_8, %dma_wait3A] : memref<10112x40xf32, #tpu.memory_space<vmem_shared>> -> memref<632x40xf32, #tpu.memory_space<vmem_shared>>
      %dma_wait3A_80 = arith.constant 0 : i32
      %dma_wait3A_81 = tpu.memref_slice %arg2[%mul3A_6, %dma_wait3A_80] : memref<10112x40xf32, #tpu.memory_space<hbm>> -> memref<632x40xf32, #tpu.memory_space<hbm>>
      tpu.wait_dma2 semaphore(%run_scoped3A : memref<!tpu.dma_semaphore, #tpu.memory_space<semaphore_mem>>) src(%dma_wait3A_81 : memref<632x40xf32, #tpu.memory_space<hbm>>) dst(%dma_wait3A_79 : memref<632x40xf32, #tpu.memory_space<vmem_shared>>)
      tpu.yield
    }) : () -> ()
    %barrier3A = arith.constant 0 : index
    tpu.barrier barrier_id(%barrier3A)
    "tpu.region"() ({
      %run_scoped3A = tpu.sem_alloc : memref<!tpu.dma_semaphore, #tpu.memory_space<semaphore_mem>>
      %dma_start3A_75 = arith.constant 0 : i32
      %dma_start3A_76 = arith.constant 0 : i32
      %dma_start3A_77 = tpu.memref_slice %arg3[%add3A, %dma_start3A_75, %dma_start3A_76] : memref<32x80x128xi32, #tpu.memory_space<hbm>> -> memref<1x80x128xi32, #tpu.memory_space<hbm>>
      %dma_start3A_78 = tpu.memref_squeeze %dma_start3A_77 : memref<1x80x128xi32, #tpu.memory_space<hbm>> -> memref<80x128xi32, #tpu.memory_space<hbm>>
      %dma_start3A_79 = arith.constant 0 : i32
      %dma_start3A_80 = arith.constant 0 : i32
      %dma_start3A_81 = tpu.memref_slice %arg3[%add3A, %dma_start3A_79, %dma_start3A_80] : memref<32x80x128xi32, #tpu.memory_space<hbm>> -> memref<1x80x128xi32, #tpu.memory_space<hbm>>
      %dma_start3A_82 = tpu.memref_squeeze %dma_start3A_81 : memref<1x80x128xi32, #tpu.memory_space<hbm>> -> memref<80x128xi32, #tpu.memory_space<hbm>>
      tpu.enqueue_dma source(%dma_start3A_82 : memref<80x128xi32, #tpu.memory_space<hbm>>) target(%arg9 : memref<80x128xi32, #tpu.memory_space<vmem>>) target_semaphore(%run_scoped3A : memref<!tpu.dma_semaphore, #tpu.memory_space<semaphore_mem>>)
      %dma_wait3A = arith.constant 0 : i32
      %dma_wait3A_83 = arith.constant 0 : i32
      %dma_wait3A_84 = tpu.memref_slice %arg3[%add3A, %dma_wait3A, %dma_wait3A_83] : memref<32x80x128xi32, #tpu.memory_space<hbm>> -> memref<1x80x128xi32, #tpu.memory_space<hbm>>
      %dma_wait3A_85 = tpu.memref_squeeze %dma_wait3A_84 : memref<1x80x128xi32, #tpu.memory_space<hbm>> -> memref<80x128xi32, #tpu.memory_space<hbm>>
      %dma_wait3A_86 = arith.constant 0 : i32
      %dma_wait3A_87 = arith.constant 0 : i32
      %dma_wait3A_88 = tpu.memref_slice %arg3[%add3A, %dma_wait3A_86, %dma_wait3A_87] : memref<32x80x128xi32, #tpu.memory_space<hbm>> -> memref<1x80x128xi32, #tpu.memory_space<hbm>>
      %dma_wait3A_89 = tpu.memref_squeeze %dma_wait3A_88 : memref<1x80x128xi32, #tpu.memory_space<hbm>> -> memref<80x128xi32, #tpu.memory_space<hbm>>
      tpu.wait_dma2 semaphore(%run_scoped3A : memref<!tpu.dma_semaphore, #tpu.memory_space<semaphore_mem>>) src(%dma_wait3A_89 : memref<80x128xi32, #tpu.memory_space<hbm>>) dst(%arg9 : memref<80x128xi32, #tpu.memory_space<vmem>>)
      tpu.yield
    }) : () -> ()
    "tpu.region"() ({
      %run_scoped3A = tpu.sem_alloc : memref<!tpu.dma_semaphore, #tpu.memory_space<semaphore_mem>>
      %dma_start3A_75 = arith.constant 0 : i32
      %dma_start3A_76 = arith.constant 0 : i32
      %dma_start3A_77 = tpu.memref_slice %arg4[%add3A, %dma_start3A_75, %dma_start3A_76] : memref<32x80x128xi32, #tpu.memory_space<hbm>> -> memref<1x80x128xi32, #tpu.memory_space<hbm>>
      %dma_start3A_78 = tpu.memref_squeeze %dma_start3A_77 : memref<1x80x128xi32, #tpu.memory_space<hbm>> -> memref<80x128xi32, #tpu.memory_space<hbm>>
      %dma_start3A_79 = arith.constant 0 : i32
      %dma_start3A_80 = arith.constant 0 : i32
      %dma_start3A_81 = tpu.memref_slice %arg4[%add3A, %dma_start3A_79, %dma_start3A_80] : memref<32x80x128xi32, #tpu.memory_space<hbm>> -> memref<1x80x128xi32, #tpu.memory_space<hbm>>
      %dma_start3A_82 = tpu.memref_squeeze %dma_start3A_81 : memref<1x80x128xi32, #tpu.memory_space<hbm>> -> memref<80x128xi32, #tpu.memory_space<hbm>>
      tpu.enqueue_dma source(%dma_start3A_82 : memref<80x128xi32, #tpu.memory_space<hbm>>) target(%arg10 : memref<80x128xi32, #tpu.memory_space<vmem>>) target_semaphore(%run_scoped3A : memref<!tpu.dma_semaphore, #tpu.memory_space<semaphore_mem>>)
      %dma_wait3A = arith.constant 0 : i32
      %dma_wait3A_83 = arith.constant 0 : i32
      %dma_wait3A_84 = tpu.memref_slice %arg4[%add3A, %dma_wait3A, %dma_wait3A_83] : memref<32x80x128xi32, #tpu.memory_space<hbm>> -> memref<1x80x128xi32, #tpu.memory_space<hbm>>
      %dma_wait3A_85 = tpu.memref_squeeze %dma_wait3A_84 : memref<1x80x128xi32, #tpu.memory_space<hbm>> -> memref<80x128xi32, #tpu.memory_space<hbm>>
      %dma_wait3A_86 = arith.constant 0 : i32
      %dma_wait3A_87 = arith.constant 0 : i32
      %dma_wait3A_88 = tpu.memref_slice %arg4[%add3A, %dma_wait3A_86, %dma_wait3A_87] : memref<32x80x128xi32, #tpu.memory_space<hbm>> -> memref<1x80x128xi32, #tpu.memory_space<hbm>>
      %dma_wait3A_89 = tpu.memref_squeeze %dma_wait3A_88 : memref<1x80x128xi32, #tpu.memory_space<hbm>> -> memref<80x128xi32, #tpu.memory_space<hbm>>
      tpu.wait_dma2 semaphore(%run_scoped3A : memref<!tpu.dma_semaphore, #tpu.memory_space<semaphore_mem>>) src(%dma_wait3A_89 : memref<80x128xi32, #tpu.memory_space<hbm>>) dst(%arg10 : memref<80x128xi32, #tpu.memory_space<vmem>>)
      tpu.yield
    }) : () -> ()
    %dma_start3A = arith.constant 0 : i32
    %dma_start3A_9 = arith.constant 0 : i32
    %dma_start3A_10 = tpu.memref_slice %arg9[%dma_start3A, %dma_start3A_9] : memref<80x128xi32, #tpu.memory_space<vmem>> -> memref<1x128xi32, #tpu.memory_space<vmem>>
    %dma_start3A_11 = tpu.memref_squeeze %dma_start3A_10 : memref<1x128xi32, #tpu.memory_space<vmem>> -> memref<128xi32, #tpu.memory_space<vmem>>
    %dma_start3A_12 = arith.constant 0 : i32
    %dma_start3A_13 = arith.constant 0 : i32
    %dma_start3A_14 = tpu.memref_slice %arg8[%dma_start3A_12, %dma_start3A_13] : memref<10112x40xf32, #tpu.memory_space<vmem_shared>> -> memref<10112x40xf32, #tpu.memory_space<vmem_shared>>
    tpu.enqueue_indirect_dma source(%dma_start3A_14 : memref<10112x40xf32, #tpu.memory_space<vmem_shared>>) target(%arg11 : memref<128x40xf32, #tpu.memory_space<vmem>>) offsets(%dma_start3A_11 : memref<128xi32, #tpu.memory_space<vmem>>) semaphore(%arg19 : memref<!tpu.dma_semaphore, #tpu.memory_space<semaphore_mem>>)
    %dma_start3A_15 = arith.constant 1 : i32
    %dma_start3A_16 = arith.constant 0 : i32
    %dma_start3A_17 = tpu.memref_slice %arg9[%dma_start3A_15, %dma_start3A_16] : memref<80x128xi32, #tpu.memory_space<vmem>> -> memref<1x128xi32, #tpu.memory_space<vmem>>
    %dma_start3A_18 = tpu.memref_squeeze %dma_start3A_17 : memref<1x128xi32, #tpu.memory_space<vmem>> -> memref<128xi32, #tpu.memory_space<vmem>>
    %dma_start3A_19 = arith.constant 0 : i32
    %dma_start3A_20 = arith.constant 0 : i32
    %dma_start3A_21 = tpu.memref_slice %arg8[%dma_start3A_19, %dma_start3A_20] : memref<10112x40xf32, #tpu.memory_space<vmem_shared>> -> memref<10112x40xf32, #tpu.memory_space<vmem_shared>>
    tpu.enqueue_indirect_dma source(%dma_start3A_21 : memref<10112x40xf32, #tpu.memory_space<vmem_shared>>) target(%arg12 : memref<128x40xf32, #tpu.memory_space<vmem>>) offsets(%dma_start3A_18 : memref<128xi32, #tpu.memory_space<vmem>>) semaphore(%arg20 : memref<!tpu.dma_semaphore, #tpu.memory_space<semaphore_mem>>)
    %dma_start3A_22 = arith.constant 2 : i32
    %dma_start3A_23 = arith.constant 0 : i32
    %dma_start3A_24 = tpu.memref_slice %arg9[%dma_start3A_22, %dma_start3A_23] : memref<80x128xi32, #tpu.memory_space<vmem>> -> memref<1x128xi32, #tpu.memory_space<vmem>>
    %dma_start3A_25 = tpu.memref_squeeze %dma_start3A_24 : memref<1x128xi32, #tpu.memory_space<vmem>> -> memref<128xi32, #tpu.memory_space<vmem>>
    %dma_start3A_26 = arith.constant 0 : i32
    %dma_start3A_27 = arith.constant 0 : i32
    %dma_start3A_28 = tpu.memref_slice %arg8[%dma_start3A_26, %dma_start3A_27] : memref<10112x40xf32, #tpu.memory_space<vmem_shared>> -> memref<10112x40xf32, #tpu.memory_space<vmem_shared>>
    tpu.enqueue_indirect_dma source(%dma_start3A_28 : memref<10112x40xf32, #tpu.memory_space<vmem_shared>>) target(%arg13 : memref<128x40xf32, #tpu.memory_space<vmem>>) offsets(%dma_start3A_25 : memref<128xi32, #tpu.memory_space<vmem>>) semaphore(%arg21 : memref<!tpu.dma_semaphore, #tpu.memory_space<semaphore_mem>>)
    %dma_start3A_29 = arith.constant 3 : i32
    %dma_start3A_30 = arith.constant 0 : i32
    %dma_start3A_31 = tpu.memref_slice %arg9[%dma_start3A_29, %dma_start3A_30] : memref<80x128xi32, #tpu.memory_space<vmem>> -> memref<1x128xi32, #tpu.memory_space<vmem>>
    %dma_start3A_32 = tpu.memref_squeeze %dma_start3A_31 : memref<1x128xi32, #tpu.memory_space<vmem>> -> memref<128xi32, #tpu.memory_space<vmem>>
    %dma_start3A_33 = arith.constant 0 : i32
    %dma_start3A_34 = arith.constant 0 : i32
    %dma_start3A_35 = tpu.memref_slice %arg8[%dma_start3A_33, %dma_start3A_34] : memref<10112x40xf32, #tpu.memory_space<vmem_shared>> -> memref<10112x40xf32, #tpu.memory_space<vmem_shared>>
    tpu.enqueue_indirect_dma source(%dma_start3A_35 : memref<10112x40xf32, #tpu.memory_space<vmem_shared>>) target(%arg14 : memref<128x40xf32, #tpu.memory_space<vmem>>) offsets(%dma_start3A_32 : memref<128xi32, #tpu.memory_space<vmem>>) semaphore(%arg22 : memref<!tpu.dma_semaphore, #tpu.memory_space<semaphore_mem>>)
    %dma_start3A_36 = arith.constant 4 : i32
    %dma_start3A_37 = arith.constant 0 : i32
    %dma_start3A_38 = tpu.memref_slice %arg9[%dma_start3A_36, %dma_start3A_37] : memref<80x128xi32, #tpu.memory_space<vmem>> -> memref<1x128xi32, #tpu.memory_space<vmem>>
    %dma_start3A_39 = tpu.memref_squeeze %dma_start3A_38 : memref<1x128xi32, #tpu.memory_space<vmem>> -> memref<128xi32, #tpu.memory_space<vmem>>
    %dma_start3A_40 = arith.constant 0 : i32
    %dma_start3A_41 = arith.constant 0 : i32
    %dma_start3A_42 = tpu.memref_slice %arg8[%dma_start3A_40, %dma_start3A_41] : memref<10112x40xf32, #tpu.memory_space<vmem_shared>> -> memref<10112x40xf32, #tpu.memory_space<vmem_shared>>
    tpu.enqueue_indirect_dma source(%dma_start3A_42 : memref<10112x40xf32, #tpu.memory_space<vmem_shared>>) target(%arg15 : memref<128x40xf32, #tpu.memory_space<vmem>>) offsets(%dma_start3A_39 : memref<128xi32, #tpu.memory_space<vmem>>) semaphore(%arg23 : memref<!tpu.dma_semaphore, #tpu.memory_space<semaphore_mem>>)
    %dma_start3A_43 = arith.constant 5 : i32
    %dma_start3A_44 = arith.constant 0 : i32
    %dma_start3A_45 = tpu.memref_slice %arg9[%dma_start3A_43, %dma_start3A_44] : memref<80x128xi32, #tpu.memory_space<vmem>> -> memref<1x128xi32, #tpu.memory_space<vmem>>
    %dma_start3A_46 = tpu.memref_squeeze %dma_start3A_45 : memref<1x128xi32, #tpu.memory_space<vmem>> -> memref<128xi32, #tpu.memory_space<vmem>>
    %dma_start3A_47 = arith.constant 0 : i32
    %dma_start3A_48 = arith.constant 0 : i32
    %dma_start3A_49 = tpu.memref_slice %arg8[%dma_start3A_47, %dma_start3A_48] : memref<10112x40xf32, #tpu.memory_space<vmem_shared>> -> memref<10112x40xf32, #tpu.memory_space<vmem_shared>>
    tpu.enqueue_indirect_dma source(%dma_start3A_49 : memref<10112x40xf32, #tpu.memory_space<vmem_shared>>) target(%arg16 : memref<128x40xf32, #tpu.memory_space<vmem>>) offsets(%dma_start3A_46 : memref<128xi32, #tpu.memory_space<vmem>>) semaphore(%arg24 : memref<!tpu.dma_semaphore, #tpu.memory_space<semaphore_mem>>)
    %dma_start3A_50 = arith.constant 6 : i32
    %dma_start3A_51 = arith.constant 0 : i32
    %dma_start3A_52 = tpu.memref_slice %arg9[%dma_start3A_50, %dma_start3A_51] : memref<80x128xi32, #tpu.memory_space<vmem>> -> memref<1x128xi32, #tpu.memory_space<vmem>>
    %dma_start3A_53 = tpu.memref_squeeze %dma_start3A_52 : memref<1x128xi32, #tpu.memory_space<vmem>> -> memref<128xi32, #tpu.memory_space<vmem>>
    %dma_start3A_54 = arith.constant 0 : i32
    %dma_start3A_55 = arith.constant 0 : i32
    %dma_start3A_56 = tpu.memref_slice %arg8[%dma_start3A_54, %dma_start3A_55] : memref<10112x40xf32, #tpu.memory_space<vmem_shared>> -> memref<10112x40xf32, #tpu.memory_space<vmem_shared>>
    tpu.enqueue_indirect_dma source(%dma_start3A_56 : memref<10112x40xf32, #tpu.memory_space<vmem_shared>>) target(%arg17 : memref<128x40xf32, #tpu.memory_space<vmem>>) offsets(%dma_start3A_53 : memref<128xi32, #tpu.memory_space<vmem>>) semaphore(%arg25 : memref<!tpu.dma_semaphore, #tpu.memory_space<semaphore_mem>>)
    %dma_start3A_57 = arith.constant 7 : i32
    %dma_start3A_58 = arith.constant 0 : i32
    %dma_start3A_59 = tpu.memref_slice %arg9[%dma_start3A_57, %dma_start3A_58] : memref<80x128xi32, #tpu.memory_space<vmem>> -> memref<1x128xi32, #tpu.memory_space<vmem>>
    %dma_start3A_60 = tpu.memref_squeeze %dma_start3A_59 : memref<1x128xi32, #tpu.memory_space<vmem>> -> memref<128xi32, #tpu.memory_space<vmem>>
    %dma_start3A_61 = arith.constant 0 : i32
    %dma_start3A_62 = arith.constant 0 : i32
    %dma_start3A_63 = tpu.memref_slice %arg8[%dma_start3A_61, %dma_start3A_62] : memref<10112x40xf32, #tpu.memory_space<vmem_shared>> -> memref<10112x40xf32, #tpu.memory_space<vmem_shared>>
    tpu.enqueue_indirect_dma source(%dma_start3A_63 : memref<10112x40xf32, #tpu.memory_space<vmem_shared>>) target(%arg18 : memref<128x40xf32, #tpu.memory_space<vmem>>) offsets(%dma_start3A_60 : memref<128xi32, #tpu.memory_space<vmem>>) semaphore(%arg26 : memref<!tpu.dma_semaphore, #tpu.memory_space<semaphore_mem>>)
    %scan3A = arith.constant 0 : i32
    %scan3A_64 = arith.constant 0 : i32
    %scan3A_65 = arith.constant 10 : i32
    %scan3A_66 = arith.addi %scan3A_64, %scan3A_65 : i32
    %scan3A_67 = arith.constant 1 : i32
    %scan3A_68 = scf.for %scan3A_75 = %scan3A_64 to %scan3A_66 step %scan3A_67 iter_args(%scan3A_76 = %scan3A) -> (i32)  : i32 {
      %mul3A_77 = arith.constant 8 : i32
      %mul3A_78 = arith.muli %mul3A_77, %scan3A_75 : i32
      %add3A_79 = arith.constant 0 : i32
      %add3A_80 = arith.addi %mul3A_78, %add3A_79 : i32
      %dma_wait3A = arith.constant 0 : i32
      %dma_wait3A_81 = tpu.memref_slice %arg9[%add3A_80, %dma_wait3A] : memref<80x128xi32, #tpu.memory_space<vmem>> -> memref<1x128xi32, #tpu.memory_space<vmem>>
      %dma_wait3A_82 = tpu.memref_squeeze %dma_wait3A_81 : memref<1x128xi32, #tpu.memory_space<vmem>> -> memref<128xi32, #tpu.memory_space<vmem>>
      %dma_wait3A_83 = arith.constant 0 : i32
      %dma_wait3A_84 = arith.constant 0 : i32
      %dma_wait3A_85 = tpu.memref_slice %arg8[%dma_wait3A_83, %dma_wait3A_84] : memref<10112x40xf32, #tpu.memory_space<vmem_shared>> -> memref<10112x40xf32, #tpu.memory_space<vmem_shared>>
      tpu.wait_indirect_dma semaphore(%arg19 : memref<!tpu.dma_semaphore, #tpu.memory_space<semaphore_mem>>) src(%dma_wait3A_85 : memref<10112x40xf32, #tpu.memory_space<vmem_shared>>) dst(%arg11 : memref<128x40xf32, #tpu.memory_space<vmem>>)
      %dma_start3A_86 = arith.constant 0 : i32
      %dma_start3A_87 = tpu.memref_slice %arg10[%add3A_80, %dma_start3A_86] : memref<80x128xi32, #tpu.memory_space<vmem>> -> memref<1x128xi32, #tpu.memory_space<vmem>>
      %dma_start3A_88 = tpu.memref_squeeze %dma_start3A_87 : memref<1x128xi32, #tpu.memory_space<vmem>> -> memref<128xi32, #tpu.memory_space<vmem>>
      %dma_start3A_89 = arith.constant 0 : i32
      %dma_start3A_90 = arith.constant 0 : i32
      %dma_start3A_91 = tpu.memref_slice %arg7[%dma_start3A_89, %dma_start3A_90] : memref<10112x40xf32, #tpu.memory_space<vmem_shared>> -> memref<10112x40xf32, #tpu.memory_space<vmem_shared>>
      tpu.enqueue_indirect_dma source(%arg11 : memref<128x40xf32, #tpu.memory_space<vmem>>) target(%dma_start3A_91 : memref<10112x40xf32, #tpu.memory_space<vmem_shared>>) offsets(%dma_start3A_88 : memref<128xi32, #tpu.memory_space<vmem>>) semaphore(%arg27 : memref<!tpu.dma_semaphore, #tpu.memory_space<semaphore_mem>>) {add = true}
      %add3A_92 = arith.constant 1 : i32
      %add3A_93 = arith.addi %mul3A_78, %add3A_92 : i32
      %dma_wait3A_94 = arith.constant 0 : i32
      %dma_wait3A_95 = tpu.memref_slice %arg9[%add3A_93, %dma_wait3A_94] : memref<80x128xi32, #tpu.memory_space<vmem>> -> memref<1x128xi32, #tpu.memory_space<vmem>>
      %dma_wait3A_96 = tpu.memref_squeeze %dma_wait3A_95 : memref<1x128xi32, #tpu.memory_space<vmem>> -> memref<128xi32, #tpu.memory_space<vmem>>
      %dma_wait3A_97 = arith.constant 0 : i32
      %dma_wait3A_98 = arith.constant 0 : i32
      %dma_wait3A_99 = tpu.memref_slice %arg8[%dma_wait3A_97, %dma_wait3A_98] : memref<10112x40xf32, #tpu.memory_space<vmem_shared>> -> memref<10112x40xf32, #tpu.memory_space<vmem_shared>>
      tpu.wait_indirect_dma semaphore(%arg20 : memref<!tpu.dma_semaphore, #tpu.memory_space<semaphore_mem>>) src(%dma_wait3A_99 : memref<10112x40xf32, #tpu.memory_space<vmem_shared>>) dst(%arg12 : memref<128x40xf32, #tpu.memory_space<vmem>>)
      %dma_start3A_100 = arith.constant 0 : i32
      %dma_start3A_101 = tpu.memref_slice %arg10[%add3A_93, %dma_start3A_100] : memref<80x128xi32, #tpu.memory_space<vmem>> -> memref<1x128xi32, #tpu.memory_space<vmem>>
      %dma_start3A_102 = tpu.memref_squeeze %dma_start3A_101 : memref<1x128xi32, #tpu.memory_space<vmem>> -> memref<128xi32, #tpu.memory_space<vmem>>
      %dma_start3A_103 = arith.constant 0 : i32
      %dma_start3A_104 = arith.constant 0 : i32
      %dma_start3A_105 = tpu.memref_slice %arg7[%dma_start3A_103, %dma_start3A_104] : memref<10112x40xf32, #tpu.memory_space<vmem_shared>> -> memref<10112x40xf32, #tpu.memory_space<vmem_shared>>
      tpu.enqueue_indirect_dma source(%arg12 : memref<128x40xf32, #tpu.memory_space<vmem>>) target(%dma_start3A_105 : memref<10112x40xf32, #tpu.memory_space<vmem_shared>>) offsets(%dma_start3A_102 : memref<128xi32, #tpu.memory_space<vmem>>) semaphore(%arg28 : memref<!tpu.dma_semaphore, #tpu.memory_space<semaphore_mem>>) {add = true}
      %add3A_106 = arith.constant 2 : i32
      %add3A_107 = arith.addi %mul3A_78, %add3A_106 : i32
      %dma_wait3A_108 = arith.constant 0 : i32
      %dma_wait3A_109 = tpu.memref_slice %arg9[%add3A_107, %dma_wait3A_108] : memref<80x128xi32, #tpu.memory_space<vmem>> -> memref<1x128xi32, #tpu.memory_space<vmem>>
      %dma_wait3A_110 = tpu.memref_squeeze %dma_wait3A_109 : memref<1x128xi32, #tpu.memory_space<vmem>> -> memref<128xi32, #tpu.memory_space<vmem>>
      %dma_wait3A_111 = arith.constant 0 : i32
      %dma_wait3A_112 = arith.constant 0 : i32
      %dma_wait3A_113 = tpu.memref_slice %arg8[%dma_wait3A_111, %dma_wait3A_112] : memref<10112x40xf32, #tpu.memory_space<vmem_shared>> -> memref<10112x40xf32, #tpu.memory_space<vmem_shared>>
      tpu.wait_indirect_dma semaphore(%arg21 : memref<!tpu.dma_semaphore, #tpu.memory_space<semaphore_mem>>) src(%dma_wait3A_113 : memref<10112x40xf32, #tpu.memory_space<vmem_shared>>) dst(%arg13 : memref<128x40xf32, #tpu.memory_space<vmem>>)
      %dma_start3A_114 = arith.constant 0 : i32
      %dma_start3A_115 = tpu.memref_slice %arg10[%add3A_107, %dma_start3A_114] : memref<80x128xi32, #tpu.memory_space<vmem>> -> memref<1x128xi32, #tpu.memory_space<vmem>>
      %dma_start3A_116 = tpu.memref_squeeze %dma_start3A_115 : memref<1x128xi32, #tpu.memory_space<vmem>> -> memref<128xi32, #tpu.memory_space<vmem>>
      %dma_start3A_117 = arith.constant 0 : i32
      %dma_start3A_118 = arith.constant 0 : i32
      %dma_start3A_119 = tpu.memref_slice %arg7[%dma_start3A_117, %dma_start3A_118] : memref<10112x40xf32, #tpu.memory_space<vmem_shared>> -> memref<10112x40xf32, #tpu.memory_space<vmem_shared>>
      tpu.enqueue_indirect_dma source(%arg13 : memref<128x40xf32, #tpu.memory_space<vmem>>) target(%dma_start3A_119 : memref<10112x40xf32, #tpu.memory_space<vmem_shared>>) offsets(%dma_start3A_116 : memref<128xi32, #tpu.memory_space<vmem>>) semaphore(%arg29 : memref<!tpu.dma_semaphore, #tpu.memory_space<semaphore_mem>>) {add = true}
      %add3A_120 = arith.constant 3 : i32
      %add3A_121 = arith.addi %mul3A_78, %add3A_120 : i32
      %dma_wait3A_122 = arith.constant 0 : i32
      %dma_wait3A_123 = tpu.memref_slice %arg9[%add3A_121, %dma_wait3A_122] : memref<80x128xi32, #tpu.memory_space<vmem>> -> memref<1x128xi32, #tpu.memory_space<vmem>>
      %dma_wait3A_124 = tpu.memref_squeeze %dma_wait3A_123 : memref<1x128xi32, #tpu.memory_space<vmem>> -> memref<128xi32, #tpu.memory_space<vmem>>
      %dma_wait3A_125 = arith.constant 0 : i32
      %dma_wait3A_126 = arith.constant 0 : i32
      %dma_wait3A_127 = tpu.memref_slice %arg8[%dma_wait3A_125, %dma_wait3A_126] : memref<10112x40xf32, #tpu.memory_space<vmem_shared>> -> memref<10112x40xf32, #tpu.memory_space<vmem_shared>>
      tpu.wait_indirect_dma semaphore(%arg22 : memref<!tpu.dma_semaphore, #tpu.memory_space<semaphore_mem>>) src(%dma_wait3A_127 : memref<10112x40xf32, #tpu.memory_space<vmem_shared>>) dst(%arg14 : memref<128x40xf32, #tpu.memory_space<vmem>>)
      %dma_start3A_128 = arith.constant 0 : i32
      %dma_start3A_129 = tpu.memref_slice %arg10[%add3A_121, %dma_start3A_128] : memref<80x128xi32, #tpu.memory_space<vmem>> -> memref<1x128xi32, #tpu.memory_space<vmem>>
      %dma_start3A_130 = tpu.memref_squeeze %dma_start3A_129 : memref<1x128xi32, #tpu.memory_space<vmem>> -> memref<128xi32, #tpu.memory_space<vmem>>
      %dma_start3A_131 = arith.constant 0 : i32
      %dma_start3A_132 = arith.constant 0 : i32
      %dma_start3A_133 = tpu.memref_slice %arg7[%dma_start3A_131, %dma_start3A_132] : memref<10112x40xf32, #tpu.memory_space<vmem_shared>> -> memref<10112x40xf32, #tpu.memory_space<vmem_shared>>
      tpu.enqueue_indirect_dma source(%arg14 : memref<128x40xf32, #tpu.memory_space<vmem>>) target(%dma_start3A_133 : memref<10112x40xf32, #tpu.memory_space<vmem_shared>>) offsets(%dma_start3A_130 : memref<128xi32, #tpu.memory_space<vmem>>) semaphore(%arg30 : memref<!tpu.dma_semaphore, #tpu.memory_space<semaphore_mem>>) {add = true}
      %add3A_134 = arith.constant 4 : i32
      %add3A_135 = arith.addi %mul3A_78, %add3A_134 : i32
      %dma_wait3A_136 = arith.constant 0 : i32
      %dma_wait3A_137 = tpu.memref_slice %arg9[%add3A_135, %dma_wait3A_136] : memref<80x128xi32, #tpu.memory_space<vmem>> -> memref<1x128xi32, #tpu.memory_space<vmem>>
      %dma_wait3A_138 = tpu.memref_squeeze %dma_wait3A_137 : memref<1x128xi32, #tpu.memory_space<vmem>> -> memref<128xi32, #tpu.memory_space<vmem>>
      %dma_wait3A_139 = arith.constant 0 : i32
      %dma_wait3A_140 = arith.constant 0 : i32
      %dma_wait3A_141 = tpu.memref_slice %arg8[%dma_wait3A_139, %dma_wait3A_140] : memref<10112x40xf32, #tpu.memory_space<vmem_shared>> -> memref<10112x40xf32, #tpu.memory_space<vmem_shared>>
      tpu.wait_indirect_dma semaphore(%arg23 : memref<!tpu.dma_semaphore, #tpu.memory_space<semaphore_mem>>) src(%dma_wait3A_141 : memref<10112x40xf32, #tpu.memory_space<vmem_shared>>) dst(%arg15 : memref<128x40xf32, #tpu.memory_space<vmem>>)
      %dma_start3A_142 = arith.constant 0 : i32
      %dma_start3A_143 = tpu.memref_slice %arg10[%add3A_135, %dma_start3A_142] : memref<80x128xi32, #tpu.memory_space<vmem>> -> memref<1x128xi32, #tpu.memory_space<vmem>>
      %dma_start3A_144 = tpu.memref_squeeze %dma_start3A_143 : memref<1x128xi32, #tpu.memory_space<vmem>> -> memref<128xi32, #tpu.memory_space<vmem>>
      %dma_start3A_145 = arith.constant 0 : i32
      %dma_start3A_146 = arith.constant 0 : i32
      %dma_start3A_147 = tpu.memref_slice %arg7[%dma_start3A_145, %dma_start3A_146] : memref<10112x40xf32, #tpu.memory_space<vmem_shared>> -> memref<10112x40xf32, #tpu.memory_space<vmem_shared>>
      tpu.enqueue_indirect_dma source(%arg15 : memref<128x40xf32, #tpu.memory_space<vmem>>) target(%dma_start3A_147 : memref<10112x40xf32, #tpu.memory_space<vmem_shared>>) offsets(%dma_start3A_144 : memref<128xi32, #tpu.memory_space<vmem>>) semaphore(%arg31 : memref<!tpu.dma_semaphore, #tpu.memory_space<semaphore_mem>>) {add = true}
      %add3A_148 = arith.constant 5 : i32
      %add3A_149 = arith.addi %mul3A_78, %add3A_148 : i32
      %dma_wait3A_150 = arith.constant 0 : i32
      %dma_wait3A_151 = tpu.memref_slice %arg9[%add3A_149, %dma_wait3A_150] : memref<80x128xi32, #tpu.memory_space<vmem>> -> memref<1x128xi32, #tpu.memory_space<vmem>>
      %dma_wait3A_152 = tpu.memref_squeeze %dma_wait3A_151 : memref<1x128xi32, #tpu.memory_space<vmem>> -> memref<128xi32, #tpu.memory_space<vmem>>
      %dma_wait3A_153 = arith.constant 0 : i32
      %dma_wait3A_154 = arith.constant 0 : i32
      %dma_wait3A_155 = tpu.memref_slice %arg8[%dma_wait3A_153, %dma_wait3A_154] : memref<10112x40xf32, #tpu.memory_space<vmem_shared>> -> memref<10112x40xf32, #tpu.memory_space<vmem_shared>>
      tpu.wait_indirect_dma semaphore(%arg24 : memref<!tpu.dma_semaphore, #tpu.memory_space<semaphore_mem>>) src(%dma_wait3A_155 : memref<10112x40xf32, #tpu.memory_space<vmem_shared>>) dst(%arg16 : memref<128x40xf32, #tpu.memory_space<vmem>>)
      %dma_start3A_156 = arith.constant 0 : i32
      %dma_start3A_157 = tpu.memref_slice %arg10[%add3A_149, %dma_start3A_156] : memref<80x128xi32, #tpu.memory_space<vmem>> -> memref<1x128xi32, #tpu.memory_space<vmem>>
      %dma_start3A_158 = tpu.memref_squeeze %dma_start3A_157 : memref<1x128xi32, #tpu.memory_space<vmem>> -> memref<128xi32, #tpu.memory_space<vmem>>
      %dma_start3A_159 = arith.constant 0 : i32
      %dma_start3A_160 = arith.constant 0 : i32
      %dma_start3A_161 = tpu.memref_slice %arg7[%dma_start3A_159, %dma_start3A_160] : memref<10112x40xf32, #tpu.memory_space<vmem_shared>> -> memref<10112x40xf32, #tpu.memory_space<vmem_shared>>
      tpu.enqueue_indirect_dma source(%arg16 : memref<128x40xf32, #tpu.memory_space<vmem>>) target(%dma_start3A_161 : memref<10112x40xf32, #tpu.memory_space<vmem_shared>>) offsets(%dma_start3A_158 : memref<128xi32, #tpu.memory_space<vmem>>) semaphore(%arg32 : memref<!tpu.dma_semaphore, #tpu.memory_space<semaphore_mem>>) {add = true}
      %add3A_162 = arith.constant 6 : i32
      %add3A_163 = arith.addi %mul3A_78, %add3A_162 : i32
      %dma_wait3A_164 = arith.constant 0 : i32
      %dma_wait3A_165 = tpu.memref_slice %arg9[%add3A_163, %dma_wait3A_164] : memref<80x128xi32, #tpu.memory_space<vmem>> -> memref<1x128xi32, #tpu.memory_space<vmem>>
      %dma_wait3A_166 = tpu.memref_squeeze %dma_wait3A_165 : memref<1x128xi32, #tpu.memory_space<vmem>> -> memref<128xi32, #tpu.memory_space<vmem>>
      %dma_wait3A_167 = arith.constant 0 : i32
      %dma_wait3A_168 = arith.constant 0 : i32
      %dma_wait3A_169 = tpu.memref_slice %arg8[%dma_wait3A_167, %dma_wait3A_168] : memref<10112x40xf32, #tpu.memory_space<vmem_shared>> -> memref<10112x40xf32, #tpu.memory_space<vmem_shared>>
      tpu.wait_indirect_dma semaphore(%arg25 : memref<!tpu.dma_semaphore, #tpu.memory_space<semaphore_mem>>) src(%dma_wait3A_169 : memref<10112x40xf32, #tpu.memory_space<vmem_shared>>) dst(%arg17 : memref<128x40xf32, #tpu.memory_space<vmem>>)
      %dma_start3A_170 = arith.constant 0 : i32
      %dma_start3A_171 = tpu.memref_slice %arg10[%add3A_163, %dma_start3A_170] : memref<80x128xi32, #tpu.memory_space<vmem>> -> memref<1x128xi32, #tpu.memory_space<vmem>>
      %dma_start3A_172 = tpu.memref_squeeze %dma_start3A_171 : memref<1x128xi32, #tpu.memory_space<vmem>> -> memref<128xi32, #tpu.memory_space<vmem>>
      %dma_start3A_173 = arith.constant 0 : i32
      %dma_start3A_174 = arith.constant 0 : i32
      %dma_start3A_175 = tpu.memref_slice %arg7[%dma_start3A_173, %dma_start3A_174] : memref<10112x40xf32, #tpu.memory_space<vmem_shared>> -> memref<10112x40xf32, #tpu.memory_space<vmem_shared>>
      tpu.enqueue_indirect_dma source(%arg17 : memref<128x40xf32, #tpu.memory_space<vmem>>) target(%dma_start3A_175 : memref<10112x40xf32, #tpu.memory_space<vmem_shared>>) offsets(%dma_start3A_172 : memref<128xi32, #tpu.memory_space<vmem>>) semaphore(%arg33 : memref<!tpu.dma_semaphore, #tpu.memory_space<semaphore_mem>>) {add = true}
      %add3A_176 = arith.constant 7 : i32
      %add3A_177 = arith.addi %mul3A_78, %add3A_176 : i32
      %dma_wait3A_178 = arith.constant 0 : i32
      %dma_wait3A_179 = tpu.memref_slice %arg9[%add3A_177, %dma_wait3A_178] : memref<80x128xi32, #tpu.memory_space<vmem>> -> memref<1x128xi32, #tpu.memory_space<vmem>>
      %dma_wait3A_180 = tpu.memref_squeeze %dma_wait3A_179 : memref<1x128xi32, #tpu.memory_space<vmem>> -> memref<128xi32, #tpu.memory_space<vmem>>
      %dma_wait3A_181 = arith.constant 0 : i32
      %dma_wait3A_182 = arith.constant 0 : i32
      %dma_wait3A_183 = tpu.memref_slice %arg8[%dma_wait3A_181, %dma_wait3A_182] : memref<10112x40xf32, #tpu.memory_space<vmem_shared>> -> memref<10112x40xf32, #tpu.memory_space<vmem_shared>>
      tpu.wait_indirect_dma semaphore(%arg26 : memref<!tpu.dma_semaphore, #tpu.memory_space<semaphore_mem>>) src(%dma_wait3A_183 : memref<10112x40xf32, #tpu.memory_space<vmem_shared>>) dst(%arg18 : memref<128x40xf32, #tpu.memory_space<vmem>>)
      %dma_start3A_184 = arith.constant 0 : i32
      %dma_start3A_185 = tpu.memref_slice %arg10[%add3A_177, %dma_start3A_184] : memref<80x128xi32, #tpu.memory_space<vmem>> -> memref<1x128xi32, #tpu.memory_space<vmem>>
      %dma_start3A_186 = tpu.memref_squeeze %dma_start3A_185 : memref<1x128xi32, #tpu.memory_space<vmem>> -> memref<128xi32, #tpu.memory_space<vmem>>
      %dma_start3A_187 = arith.constant 0 : i32
      %dma_start3A_188 = arith.constant 0 : i32
      %dma_start3A_189 = tpu.memref_slice %arg7[%dma_start3A_187, %dma_start3A_188] : memref<10112x40xf32, #tpu.memory_space<vmem_shared>> -> memref<10112x40xf32, #tpu.memory_space<vmem_shared>>
      tpu.enqueue_indirect_dma source(%arg18 : memref<128x40xf32, #tpu.memory_space<vmem>>) target(%dma_start3A_189 : memref<10112x40xf32, #tpu.memory_space<vmem_shared>>) offsets(%dma_start3A_186 : memref<128xi32, #tpu.memory_space<vmem>>) semaphore(%arg34 : memref<!tpu.dma_semaphore, #tpu.memory_space<semaphore_mem>>) {add = true}
      %add3A_190 = arith.constant 0 : i32
      %add3A_191 = arith.addi %mul3A_78, %add3A_190 : i32
      %dma_wait3A_192 = arith.constant 0 : i32
      %dma_wait3A_193 = tpu.memref_slice %arg10[%add3A_191, %dma_wait3A_192] : memref<80x128xi32, #tpu.memory_space<vmem>> -> memref<1x128xi32, #tpu.memory_space<vmem>>
      %dma_wait3A_194 = tpu.memref_squeeze %dma_wait3A_193 : memref<1x128xi32, #tpu.memory_space<vmem>> -> memref<128xi32, #tpu.memory_space<vmem>>
      %dma_wait3A_195 = arith.constant 0 : i32
      %dma_wait3A_196 = arith.constant 0 : i32
      %dma_wait3A_197 = tpu.memref_slice %arg7[%dma_wait3A_195, %dma_wait3A_196] : memref<10112x40xf32, #tpu.memory_space<vmem_shared>> -> memref<10112x40xf32, #tpu.memory_space<vmem_shared>>
      tpu.wait_indirect_dma semaphore(%arg27 : memref<!tpu.dma_semaphore, #tpu.memory_space<semaphore_mem>>) src(%arg11 : memref<128x40xf32, #tpu.memory_space<vmem>>) dst(%dma_wait3A_197 : memref<10112x40xf32, #tpu.memory_space<vmem_shared>>)
      %add3A_198 = arith.constant 8 : i32
      %add3A_199 = arith.addi %add3A_191, %add3A_198 : i32
      %lt3A = arith.constant 80 : i32
      %lt3A_200 = arith.cmpi slt, %add3A_199, %lt3A : i32
      %convert_element_type3A = arith.extui %lt3A_200 : i1 to i32
      %cond3A = arith.constant 0 : i32
      %cond3A_201 = arith.cmpi ne, %convert_element_type3A, %cond3A : i32
      scf.if %cond3A_201 {
        %add3A_308 = arith.constant 8 : i32
        %add3A_309 = arith.addi %add3A_191, %add3A_308 : i32
        %dma_start3A_310 = arith.constant 0 : i32
        %dma_start3A_311 = tpu.memref_slice %arg9[%add3A_309, %dma_start3A_310] : memref<80x128xi32, #tpu.memory_space<vmem>> -> memref<1x128xi32, #tpu.memory_space<vmem>>
        %dma_start3A_312 = tpu.memref_squeeze %dma_start3A_311 : memref<1x128xi32, #tpu.memory_space<vmem>> -> memref<128xi32, #tpu.memory_space<vmem>>
        %dma_start3A_313 = arith.constant 0 : i32
        %dma_start3A_314 = arith.constant 0 : i32
        %dma_start3A_315 = tpu.memref_slice %arg8[%dma_start3A_313, %dma_start3A_314] : memref<10112x40xf32, #tpu.memory_space<vmem_shared>> -> memref<10112x40xf32, #tpu.memory_space<vmem_shared>>
        tpu.enqueue_indirect_dma source(%dma_start3A_315 : memref<10112x40xf32, #tpu.memory_space<vmem_shared>>) target(%arg11 : memref<128x40xf32, #tpu.memory_space<vmem>>) offsets(%dma_start3A_312 : memref<128xi32, #tpu.memory_space<vmem>>) semaphore(%arg19 : memref<!tpu.dma_semaphore, #tpu.memory_space<semaphore_mem>>)
      } else {
      }
      %add3A_202 = arith.constant 1 : i32
      %add3A_203 = arith.addi %mul3A_78, %add3A_202 : i32
      %dma_wait3A_204 = arith.constant 0 : i32
      %dma_wait3A_205 = tpu.memref_slice %arg10[%add3A_203, %dma_wait3A_204] : memref<80x128xi32, #tpu.memory_space<vmem>> -> memref<1x128xi32, #tpu.memory_space<vmem>>
      %dma_wait3A_206 = tpu.memref_squeeze %dma_wait3A_205 : memref<1x128xi32, #tpu.memory_space<vmem>> -> memref<128xi32, #tpu.memory_space<vmem>>
      %dma_wait3A_207 = arith.constant 0 : i32
      %dma_wait3A_208 = arith.constant 0 : i32
      %dma_wait3A_209 = tpu.memref_slice %arg7[%dma_wait3A_207, %dma_wait3A_208] : memref<10112x40xf32, #tpu.memory_space<vmem_shared>> -> memref<10112x40xf32, #tpu.memory_space<vmem_shared>>
      tpu.wait_indirect_dma semaphore(%arg28 : memref<!tpu.dma_semaphore, #tpu.memory_space<semaphore_mem>>) src(%arg12 : memref<128x40xf32, #tpu.memory_space<vmem>>) dst(%dma_wait3A_209 : memref<10112x40xf32, #tpu.memory_space<vmem_shared>>)
      %add3A_210 = arith.constant 8 : i32
      %add3A_211 = arith.addi %add3A_203, %add3A_210 : i32
      %lt3A_212 = arith.constant 80 : i32
      %lt3A_213 = arith.cmpi slt, %add3A_211, %lt3A_212 : i32
      %convert_element_type3A_214 = arith.extui %lt3A_213 : i1 to i32
      %cond3A_215 = arith.constant 0 : i32
      %cond3A_216 = arith.cmpi ne, %convert_element_type3A_214, %cond3A_215 : i32
      scf.if %cond3A_216 {
        %add3A_308 = arith.constant 8 : i32
        %add3A_309 = arith.addi %add3A_203, %add3A_308 : i32
        %dma_start3A_310 = arith.constant 0 : i32
        %dma_start3A_311 = tpu.memref_slice %arg9[%add3A_309, %dma_start3A_310] : memref<80x128xi32, #tpu.memory_space<vmem>> -> memref<1x128xi32, #tpu.memory_space<vmem>>
        %dma_start3A_312 = tpu.memref_squeeze %dma_start3A_311 : memref<1x128xi32, #tpu.memory_space<vmem>> -> memref<128xi32, #tpu.memory_space<vmem>>
        %dma_start3A_313 = arith.constant 0 : i32
        %dma_start3A_314 = arith.constant 0 : i32
        %dma_start3A_315 = tpu.memref_slice %arg8[%dma_start3A_313, %dma_start3A_314] : memref<10112x40xf32, #tpu.memory_space<vmem_shared>> -> memref<10112x40xf32, #tpu.memory_space<vmem_shared>>
        tpu.enqueue_indirect_dma source(%dma_start3A_315 : memref<10112x40xf32, #tpu.memory_space<vmem_shared>>) target(%arg12 : memref<128x40xf32, #tpu.memory_space<vmem>>) offsets(%dma_start3A_312 : memref<128xi32, #tpu.memory_space<vmem>>) semaphore(%arg20 : memref<!tpu.dma_semaphore, #tpu.memory_space<semaphore_mem>>)
      } else {
      }
      %add3A_217 = arith.constant 2 : i32
      %add3A_218 = arith.addi %mul3A_78, %add3A_217 : i32
      %dma_wait3A_219 = arith.constant 0 : i32
      %dma_wait3A_220 = tpu.memref_slice %arg10[%add3A_218, %dma_wait3A_219] : memref<80x128xi32, #tpu.memory_space<vmem>> -> memref<1x128xi32, #tpu.memory_space<vmem>>
      %dma_wait3A_221 = tpu.memref_squeeze %dma_wait3A_220 : memref<1x128xi32, #tpu.memory_space<vmem>> -> memref<128xi32, #tpu.memory_space<vmem>>
      %dma_wait3A_222 = arith.constant 0 : i32
      %dma_wait3A_223 = arith.constant 0 : i32
      %dma_wait3A_224 = tpu.memref_slice %arg7[%dma_wait3A_222, %dma_wait3A_223] : memref<10112x40xf32, #tpu.memory_space<vmem_shared>> -> memref<10112x40xf32, #tpu.memory_space<vmem_shared>>
      tpu.wait_indirect_dma semaphore(%arg29 : memref<!tpu.dma_semaphore, #tpu.memory_space<semaphore_mem>>) src(%arg13 : memref<128x40xf32, #tpu.memory_space<vmem>>) dst(%dma_wait3A_224 : memref<10112x40xf32, #tpu.memory_space<vmem_shared>>)
      %add3A_225 = arith.constant 8 : i32
      %add3A_226 = arith.addi %add3A_218, %add3A_225 : i32
      %lt3A_227 = arith.constant 80 : i32
      %lt3A_228 = arith.cmpi slt, %add3A_226, %lt3A_227 : i32
      %convert_element_type3A_229 = arith.extui %lt3A_228 : i1 to i32
      %cond3A_230 = arith.constant 0 : i32
      %cond3A_231 = arith.cmpi ne, %convert_element_type3A_229, %cond3A_230 : i32
      scf.if %cond3A_231 {
        %add3A_308 = arith.constant 8 : i32
        %add3A_309 = arith.addi %add3A_218, %add3A_308 : i32
        %dma_start3A_310 = arith.constant 0 : i32
        %dma_start3A_311 = tpu.memref_slice %arg9[%add3A_309, %dma_start3A_310] : memref<80x128xi32, #tpu.memory_space<vmem>> -> memref<1x128xi32, #tpu.memory_space<vmem>>
        %dma_start3A_312 = tpu.memref_squeeze %dma_start3A_311 : memref<1x128xi32, #tpu.memory_space<vmem>> -> memref<128xi32, #tpu.memory_space<vmem>>
        %dma_start3A_313 = arith.constant 0 : i32
        %dma_start3A_314 = arith.constant 0 : i32
        %dma_start3A_315 = tpu.memref_slice %arg8[%dma_start3A_313, %dma_start3A_314] : memref<10112x40xf32, #tpu.memory_space<vmem_shared>> -> memref<10112x40xf32, #tpu.memory_space<vmem_shared>>
        tpu.enqueue_indirect_dma source(%dma_start3A_315 : memref<10112x40xf32, #tpu.memory_space<vmem_shared>>) target(%arg13 : memref<128x40xf32, #tpu.memory_space<vmem>>) offsets(%dma_start3A_312 : memref<128xi32, #tpu.memory_space<vmem>>) semaphore(%arg21 : memref<!tpu.dma_semaphore, #tpu.memory_space<semaphore_mem>>)
      } else {
      }
      %add3A_232 = arith.constant 3 : i32
      %add3A_233 = arith.addi %mul3A_78, %add3A_232 : i32
      %dma_wait3A_234 = arith.constant 0 : i32
      %dma_wait3A_235 = tpu.memref_slice %arg10[%add3A_233, %dma_wait3A_234] : memref<80x128xi32, #tpu.memory_space<vmem>> -> memref<1x128xi32, #tpu.memory_space<vmem>>
      %dma_wait3A_236 = tpu.memref_squeeze %dma_wait3A_235 : memref<1x128xi32, #tpu.memory_space<vmem>> -> memref<128xi32, #tpu.memory_space<vmem>>
      %dma_wait3A_237 = arith.constant 0 : i32
      %dma_wait3A_238 = arith.constant 0 : i32
      %dma_wait3A_239 = tpu.memref_slice %arg7[%dma_wait3A_237, %dma_wait3A_238] : memref<10112x40xf32, #tpu.memory_space<vmem_shared>> -> memref<10112x40xf32, #tpu.memory_space<vmem_shared>>
      tpu.wait_indirect_dma semaphore(%arg30 : memref<!tpu.dma_semaphore, #tpu.memory_space<semaphore_mem>>) src(%arg14 : memref<128x40xf32, #tpu.memory_space<vmem>>) dst(%dma_wait3A_239 : memref<10112x40xf32, #tpu.memory_space<vmem_shared>>)
      %add3A_240 = arith.constant 8 : i32
      %add3A_241 = arith.addi %add3A_233, %add3A_240 : i32
      %lt3A_242 = arith.constant 80 : i32
      %lt3A_243 = arith.cmpi slt, %add3A_241, %lt3A_242 : i32
      %convert_element_type3A_244 = arith.extui %lt3A_243 : i1 to i32
      %cond3A_245 = arith.constant 0 : i32
      %cond3A_246 = arith.cmpi ne, %convert_element_type3A_244, %cond3A_245 : i32
      scf.if %cond3A_246 {
        %add3A_308 = arith.constant 8 : i32
        %add3A_309 = arith.addi %add3A_233, %add3A_308 : i32
        %dma_start3A_310 = arith.constant 0 : i32
        %dma_start3A_311 = tpu.memref_slice %arg9[%add3A_309, %dma_start3A_310] : memref<80x128xi32, #tpu.memory_space<vmem>> -> memref<1x128xi32, #tpu.memory_space<vmem>>
        %dma_start3A_312 = tpu.memref_squeeze %dma_start3A_311 : memref<1x128xi32, #tpu.memory_space<vmem>> -> memref<128xi32, #tpu.memory_space<vmem>>
        %dma_start3A_313 = arith.constant 0 : i32
        %dma_start3A_314 = arith.constant 0 : i32
        %dma_start3A_315 = tpu.memref_slice %arg8[%dma_start3A_313, %dma_start3A_314] : memref<10112x40xf32, #tpu.memory_space<vmem_shared>> -> memref<10112x40xf32, #tpu.memory_space<vmem_shared>>
        tpu.enqueue_indirect_dma source(%dma_start3A_315 : memref<10112x40xf32, #tpu.memory_space<vmem_shared>>) target(%arg14 : memref<128x40xf32, #tpu.memory_space<vmem>>) offsets(%dma_start3A_312 : memref<128xi32, #tpu.memory_space<vmem>>) semaphore(%arg22 : memref<!tpu.dma_semaphore, #tpu.memory_space<semaphore_mem>>)
      } else {
      }
      %add3A_247 = arith.constant 4 : i32
      %add3A_248 = arith.addi %mul3A_78, %add3A_247 : i32
      %dma_wait3A_249 = arith.constant 0 : i32
      %dma_wait3A_250 = tpu.memref_slice %arg10[%add3A_248, %dma_wait3A_249] : memref<80x128xi32, #tpu.memory_space<vmem>> -> memref<1x128xi32, #tpu.memory_space<vmem>>
      %dma_wait3A_251 = tpu.memref_squeeze %dma_wait3A_250 : memref<1x128xi32, #tpu.memory_space<vmem>> -> memref<128xi32, #tpu.memory_space<vmem>>
      %dma_wait3A_252 = arith.constant 0 : i32
      %dma_wait3A_253 = arith.constant 0 : i32
      %dma_wait3A_254 = tpu.memref_slice %arg7[%dma_wait3A_252, %dma_wait3A_253] : memref<10112x40xf32, #tpu.memory_space<vmem_shared>> -> memref<10112x40xf32, #tpu.memory_space<vmem_shared>>
      tpu.wait_indirect_dma semaphore(%arg31 : memref<!tpu.dma_semaphore, #tpu.memory_space<semaphore_mem>>) src(%arg15 : memref<128x40xf32, #tpu.memory_space<vmem>>) dst(%dma_wait3A_254 : memref<10112x40xf32, #tpu.memory_space<vmem_shared>>)
      %add3A_255 = arith.constant 8 : i32
      %add3A_256 = arith.addi %add3A_248, %add3A_255 : i32
      %lt3A_257 = arith.constant 80 : i32
      %lt3A_258 = arith.cmpi slt, %add3A_256, %lt3A_257 : i32
      %convert_element_type3A_259 = arith.extui %lt3A_258 : i1 to i32
      %cond3A_260 = arith.constant 0 : i32
      %cond3A_261 = arith.cmpi ne, %convert_element_type3A_259, %cond3A_260 : i32
      scf.if %cond3A_261 {
        %add3A_308 = arith.constant 8 : i32
        %add3A_309 = arith.addi %add3A_248, %add3A_308 : i32
        %dma_start3A_310 = arith.constant 0 : i32
        %dma_start3A_311 = tpu.memref_slice %arg9[%add3A_309, %dma_start3A_310] : memref<80x128xi32, #tpu.memory_space<vmem>> -> memref<1x128xi32, #tpu.memory_space<vmem>>
        %dma_start3A_312 = tpu.memref_squeeze %dma_start3A_311 : memref<1x128xi32, #tpu.memory_space<vmem>> -> memref<128xi32, #tpu.memory_space<vmem>>
        %dma_start3A_313 = arith.constant 0 : i32
        %dma_start3A_314 = arith.constant 0 : i32
        %dma_start3A_315 = tpu.memref_slice %arg8[%dma_start3A_313, %dma_start3A_314] : memref<10112x40xf32, #tpu.memory_space<vmem_shared>> -> memref<10112x40xf32, #tpu.memory_space<vmem_shared>>
        tpu.enqueue_indirect_dma source(%dma_start3A_315 : memref<10112x40xf32, #tpu.memory_space<vmem_shared>>) target(%arg15 : memref<128x40xf32, #tpu.memory_space<vmem>>) offsets(%dma_start3A_312 : memref<128xi32, #tpu.memory_space<vmem>>) semaphore(%arg23 : memref<!tpu.dma_semaphore, #tpu.memory_space<semaphore_mem>>)
      } else {
      }
      %add3A_262 = arith.constant 5 : i32
      %add3A_263 = arith.addi %mul3A_78, %add3A_262 : i32
      %dma_wait3A_264 = arith.constant 0 : i32
      %dma_wait3A_265 = tpu.memref_slice %arg10[%add3A_263, %dma_wait3A_264] : memref<80x128xi32, #tpu.memory_space<vmem>> -> memref<1x128xi32, #tpu.memory_space<vmem>>
      %dma_wait3A_266 = tpu.memref_squeeze %dma_wait3A_265 : memref<1x128xi32, #tpu.memory_space<vmem>> -> memref<128xi32, #tpu.memory_space<vmem>>
      %dma_wait3A_267 = arith.constant 0 : i32
      %dma_wait3A_268 = arith.constant 0 : i32
      %dma_wait3A_269 = tpu.memref_slice %arg7[%dma_wait3A_267, %dma_wait3A_268] : memref<10112x40xf32, #tpu.memory_space<vmem_shared>> -> memref<10112x40xf32, #tpu.memory_space<vmem_shared>>
      tpu.wait_indirect_dma semaphore(%arg32 : memref<!tpu.dma_semaphore, #tpu.memory_space<semaphore_mem>>) src(%arg16 : memref<128x40xf32, #tpu.memory_space<vmem>>) dst(%dma_wait3A_269 : memref<10112x40xf32, #tpu.memory_space<vmem_shared>>)
      %add3A_270 = arith.constant 8 : i32
      %add3A_271 = arith.addi %add3A_263, %add3A_270 : i32
      %lt3A_272 = arith.constant 80 : i32
      %lt3A_273 = arith.cmpi slt, %add3A_271, %lt3A_272 : i32
      %convert_element_type3A_274 = arith.extui %lt3A_273 : i1 to i32
      %cond3A_275 = arith.constant 0 : i32
      %cond3A_276 = arith.cmpi ne, %convert_element_type3A_274, %cond3A_275 : i32
      scf.if %cond3A_276 {
        %add3A_308 = arith.constant 8 : i32
        %add3A_309 = arith.addi %add3A_263, %add3A_308 : i32
        %dma_start3A_310 = arith.constant 0 : i32
        %dma_start3A_311 = tpu.memref_slice %arg9[%add3A_309, %dma_start3A_310] : memref<80x128xi32, #tpu.memory_space<vmem>> -> memref<1x128xi32, #tpu.memory_space<vmem>>
        %dma_start3A_312 = tpu.memref_squeeze %dma_start3A_311 : memref<1x128xi32, #tpu.memory_space<vmem>> -> memref<128xi32, #tpu.memory_space<vmem>>
        %dma_start3A_313 = arith.constant 0 : i32
        %dma_start3A_314 = arith.constant 0 : i32
        %dma_start3A_315 = tpu.memref_slice %arg8[%dma_start3A_313, %dma_start3A_314] : memref<10112x40xf32, #tpu.memory_space<vmem_shared>> -> memref<10112x40xf32, #tpu.memory_space<vmem_shared>>
        tpu.enqueue_indirect_dma source(%dma_start3A_315 : memref<10112x40xf32, #tpu.memory_space<vmem_shared>>) target(%arg16 : memref<128x40xf32, #tpu.memory_space<vmem>>) offsets(%dma_start3A_312 : memref<128xi32, #tpu.memory_space<vmem>>) semaphore(%arg24 : memref<!tpu.dma_semaphore, #tpu.memory_space<semaphore_mem>>)
      } else {
      }
      %add3A_277 = arith.constant 6 : i32
      %add3A_278 = arith.addi %mul3A_78, %add3A_277 : i32
      %dma_wait3A_279 = arith.constant 0 : i32
      %dma_wait3A_280 = tpu.memref_slice %arg10[%add3A_278, %dma_wait3A_279] : memref<80x128xi32, #tpu.memory_space<vmem>> -> memref<1x128xi32, #tpu.memory_space<vmem>>
      %dma_wait3A_281 = tpu.memref_squeeze %dma_wait3A_280 : memref<1x128xi32, #tpu.memory_space<vmem>> -> memref<128xi32, #tpu.memory_space<vmem>>
      %dma_wait3A_282 = arith.constant 0 : i32
      %dma_wait3A_283 = arith.constant 0 : i32
      %dma_wait3A_284 = tpu.memref_slice %arg7[%dma_wait3A_282, %dma_wait3A_283] : memref<10112x40xf32, #tpu.memory_space<vmem_shared>> -> memref<10112x40xf32, #tpu.memory_space<vmem_shared>>
      tpu.wait_indirect_dma semaphore(%arg33 : memref<!tpu.dma_semaphore, #tpu.memory_space<semaphore_mem>>) src(%arg17 : memref<128x40xf32, #tpu.memory_space<vmem>>) dst(%dma_wait3A_284 : memref<10112x40xf32, #tpu.memory_space<vmem_shared>>)
      %add3A_285 = arith.constant 8 : i32
      %add3A_286 = arith.addi %add3A_278, %add3A_285 : i32
      %lt3A_287 = arith.constant 80 : i32
      %lt3A_288 = arith.cmpi slt, %add3A_286, %lt3A_287 : i32
      %convert_element_type3A_289 = arith.extui %lt3A_288 : i1 to i32
      %cond3A_290 = arith.constant 0 : i32
      %cond3A_291 = arith.cmpi ne, %convert_element_type3A_289, %cond3A_290 : i32
      scf.if %cond3A_291 {
        %add3A_308 = arith.constant 8 : i32
        %add3A_309 = arith.addi %add3A_278, %add3A_308 : i32
        %dma_start3A_310 = arith.constant 0 : i32
        %dma_start3A_311 = tpu.memref_slice %arg9[%add3A_309, %dma_start3A_310] : memref<80x128xi32, #tpu.memory_space<vmem>> -> memref<1x128xi32, #tpu.memory_space<vmem>>
        %dma_start3A_312 = tpu.memref_squeeze %dma_start3A_311 : memref<1x128xi32, #tpu.memory_space<vmem>> -> memref<128xi32, #tpu.memory_space<vmem>>
        %dma_start3A_313 = arith.constant 0 : i32
        %dma_start3A_314 = arith.constant 0 : i32
        %dma_start3A_315 = tpu.memref_slice %arg8[%dma_start3A_313, %dma_start3A_314] : memref<10112x40xf32, #tpu.memory_space<vmem_shared>> -> memref<10112x40xf32, #tpu.memory_space<vmem_shared>>
        tpu.enqueue_indirect_dma source(%dma_start3A_315 : memref<10112x40xf32, #tpu.memory_space<vmem_shared>>) target(%arg17 : memref<128x40xf32, #tpu.memory_space<vmem>>) offsets(%dma_start3A_312 : memref<128xi32, #tpu.memory_space<vmem>>) semaphore(%arg25 : memref<!tpu.dma_semaphore, #tpu.memory_space<semaphore_mem>>)
      } else {
      }
      %add3A_292 = arith.constant 7 : i32
      %add3A_293 = arith.addi %mul3A_78, %add3A_292 : i32
      %dma_wait3A_294 = arith.constant 0 : i32
      %dma_wait3A_295 = tpu.memref_slice %arg10[%add3A_293, %dma_wait3A_294] : memref<80x128xi32, #tpu.memory_space<vmem>> -> memref<1x128xi32, #tpu.memory_space<vmem>>
      %dma_wait3A_296 = tpu.memref_squeeze %dma_wait3A_295 : memref<1x128xi32, #tpu.memory_space<vmem>> -> memref<128xi32, #tpu.memory_space<vmem>>
      %dma_wait3A_297 = arith.constant 0 : i32
      %dma_wait3A_298 = arith.constant 0 : i32
      %dma_wait3A_299 = tpu.memref_slice %arg7[%dma_wait3A_297, %dma_wait3A_298] : memref<10112x40xf32, #tpu.memory_space<vmem_shared>> -> memref<10112x40xf32, #tpu.memory_space<vmem_shared>>
      tpu.wait_indirect_dma semaphore(%arg34 : memref<!tpu.dma_semaphore, #tpu.memory_space<semaphore_mem>>) src(%arg18 : memref<128x40xf32, #tpu.memory_space<vmem>>) dst(%dma_wait3A_299 : memref<10112x40xf32, #tpu.memory_space<vmem_shared>>)
      %add3A_300 = arith.constant 8 : i32
      %add3A_301 = arith.addi %add3A_293, %add3A_300 : i32
      %lt3A_302 = arith.constant 80 : i32
      %lt3A_303 = arith.cmpi slt, %add3A_301, %lt3A_302 : i32
      %convert_element_type3A_304 = arith.extui %lt3A_303 : i1 to i32
      %cond3A_305 = arith.constant 0 : i32
      %cond3A_306 = arith.cmpi ne, %convert_element_type3A_304, %cond3A_305 : i32
      scf.if %cond3A_306 {
        %add3A_308 = arith.constant 8 : i32
        %add3A_309 = arith.addi %add3A_293, %add3A_308 : i32
        %dma_start3A_310 = arith.constant 0 : i32
        %dma_start3A_311 = tpu.memref_slice %arg9[%add3A_309, %dma_start3A_310] : memref<80x128xi32, #tpu.memory_space<vmem>> -> memref<1x128xi32, #tpu.memory_space<vmem>>
        %dma_start3A_312 = tpu.memref_squeeze %dma_start3A_311 : memref<1x128xi32, #tpu.memory_space<vmem>> -> memref<128xi32, #tpu.memory_space<vmem>>
        %dma_start3A_313 = arith.constant 0 : i32
        %dma_start3A_314 = arith.constant 0 : i32
        %dma_start3A_315 = tpu.memref_slice %arg8[%dma_start3A_313, %dma_start3A_314] : memref<10112x40xf32, #tpu.memory_space<vmem_shared>> -> memref<10112x40xf32, #tpu.memory_space<vmem_shared>>
        tpu.enqueue_indirect_dma source(%dma_start3A_315 : memref<10112x40xf32, #tpu.memory_space<vmem_shared>>) target(%arg18 : memref<128x40xf32, #tpu.memory_space<vmem>>) offsets(%dma_start3A_312 : memref<128xi32, #tpu.memory_space<vmem>>) semaphore(%arg26 : memref<!tpu.dma_semaphore, #tpu.memory_space<semaphore_mem>>)
      } else {
      }
      %scan3A_307 = arith.constant 0 : i32
      scf.yield %scan3A_307 : i32
    }
    %scan3A_69 = arith.constant 10 : i32
    %barrier3A_70 = arith.constant 0 : index
    tpu.barrier barrier_id(%barrier3A_70)
    %mul3A_71 = arith.constant 632 : i32
    %mul3A_72 = arith.muli %arg1, %mul3A_71 : i32
    %mul3A_73 = arith.constant 632 : i32
    %mul3A_74 = arith.muli %arg1, %mul3A_73 : i32
    "tpu.region"() ({
      %run_scoped3A = tpu.sem_alloc : memref<!tpu.dma_semaphore, #tpu.memory_space<semaphore_mem>>
      %dma_start3A_75 = arith.constant 0 : i32
      %dma_start3A_76 = tpu.memref_slice %arg6[%arg0, %mul3A_74, %dma_start3A_75] : memref<2x10112x40xf32, #tpu.memory_space<hbm>> -> memref<1x632x40xf32, #tpu.memory_space<hbm>>
      %dma_start3A_77 = tpu.memref_squeeze %dma_start3A_76 : memref<1x632x40xf32, #tpu.memory_space<hbm>> -> memref<632x40xf32, #tpu.memory_space<hbm>>
      %dma_start3A_78 = arith.constant 0 : i32
      %dma_start3A_79 = tpu.memref_slice %arg7[%mul3A_72, %dma_start3A_78] : memref<10112x40xf32, #tpu.memory_space<vmem_shared>> -> memref<632x40xf32, #tpu.memory_space<vmem_shared>>
      tpu.enqueue_dma source(%dma_start3A_79 : memref<632x40xf32, #tpu.memory_space<vmem_shared>>) target(%dma_start3A_77 : memref<632x40xf32, #tpu.memory_space<hbm>>) target_semaphore(%run_scoped3A : memref<!tpu.dma_semaphore, #tpu.memory_space<semaphore_mem>>)
      %dma_wait3A = arith.constant 0 : i32
      %dma_wait3A_80 = tpu.memref_slice %arg6[%arg0, %mul3A_74, %dma_wait3A] : memref<2x10112x40xf32, #tpu.memory_space<hbm>> -> memref<1x632x40xf32, #tpu.memory_space<hbm>>
      %dma_wait3A_81 = tpu.memref_squeeze %dma_wait3A_80 : memref<1x632x40xf32, #tpu.memory_space<hbm>> -> memref<632x40xf32, #tpu.memory_space<hbm>>
      %dma_wait3A_82 = arith.constant 0 : i32
      %dma_wait3A_83 = tpu.memref_slice %arg7[%mul3A_72, %dma_wait3A_82] : memref<10112x40xf32, #tpu.memory_space<vmem_shared>> -> memref<632x40xf32, #tpu.memory_space<vmem_shared>>
      tpu.wait_dma2 semaphore(%run_scoped3A : memref<!tpu.dma_semaphore, #tpu.memory_space<semaphore_mem>>) src(%dma_wait3A_83 : memref<632x40xf32, #tpu.memory_space<vmem_shared>>) dst(%dma_wait3A_81 : memref<632x40xf32, #tpu.memory_space<hbm>>)
      tpu.yield
    }) : () -> ()
    return
  }
}

#map = affine_map<(d0, d1) -> (0, 0)>
#map1 = affine_map<(d0, d1) -> (0, 0, 0)>
module attributes {stable_mosaic.version = 14 : i64} {
  func.func @_edge_body(%arg0: i32, %arg1: i32, %arg2: memref<10112x40xf32, #tpu.memory_space<hbm>>, %arg3: memref<32x80x128xi32, #tpu.memory_space<hbm>>, %arg4: memref<32x80x128xi32, #tpu.memory_space<hbm>>, %arg5: memref<10112x40xf32, #tpu.memory_space<hbm>>, %arg6: memref<2x10112x40xf32, #tpu.memory_space<hbm>>, %arg7: memref<10112x40xf32, #tpu.memory_space<vmem_shared>>, %arg8: memref<10112x40xf32, #tpu.memory_space<vmem_shared>>, %arg9: memref<80x128xi32, #tpu.memory_space<vmem>>, %arg10: memref<80x128xi32, #tpu.memory_space<vmem>>, %arg11: memref<128x40xf32, #tpu.memory_space<vmem>>, %arg12: memref<128x40xf32, #tpu.memory_space<vmem>>, %arg13: memref<128x40xf32, #tpu.memory_space<vmem>>, %arg14: memref<128x40xf32, #tpu.memory_space<vmem>>, %arg15: memref<128x40xf32, #tpu.memory_space<vmem>>, %arg16: memref<128x40xf32, #tpu.memory_space<vmem>>, %arg17: memref<128x40xf32, #tpu.memory_space<vmem>>, %arg18: memref<128x40xf32, #tpu.memory_space<vmem>>, %arg19: memref<!tpu.dma_semaphore, #tpu.memory_space<semaphore_mem>>, %arg20: memref<!tpu.dma_semaphore, #tpu.memory_space<semaphore_mem>>, %arg21: memref<!tpu.dma_semaphore, #tpu.memory_space<semaphore_mem>>, %arg22: memref<!tpu.dma_semaphore, #tpu.memory_space<semaphore_mem>>, %arg23: memref<!tpu.dma_semaphore, #tpu.memory_space<semaphore_mem>>, %arg24: memref<!tpu.dma_semaphore, #tpu.memory_space<semaphore_mem>>, %arg25: memref<!tpu.dma_semaphore, #tpu.memory_space<semaphore_mem>>, %arg26: memref<!tpu.dma_semaphore, #tpu.memory_space<semaphore_mem>>, %arg27: memref<!tpu.dma_semaphore, #tpu.memory_space<semaphore_mem>>, %arg28: memref<!tpu.dma_semaphore, #tpu.memory_space<semaphore_mem>>, %arg29: memref<!tpu.dma_semaphore, #tpu.memory_space<semaphore_mem>>, %arg30: memref<!tpu.dma_semaphore, #tpu.memory_space<semaphore_mem>>, %arg31: memref<!tpu.dma_semaphore, #tpu.memory_space<semaphore_mem>>, %arg32: memref<!tpu.dma_semaphore, #tpu.memory_space<semaphore_mem>>, %arg33: memref<!tpu.dma_semaphore, #tpu.memory_space<semaphore_mem>>, %arg34: memref<!tpu.dma_semaphore, #tpu.memory_space<semaphore_mem>>) attributes {dimension_semantics = [#tpu.dimension_semantics<core_parallel>, #tpu.dimension_semantics<subcore_parallel>], iteration_bounds = array<i64: 2, 16>, scalar_prefetch = 0 : i64, scratch_operands = 28 : i64, tpu.core_type = #tpu.core_type<sc_vector_subcore>, window_params = [{transform_indices = #map}, {transform_indices = #map1}, {transform_indices = #map1}, {transform_indices = #map}, {transform_indices = #map1}]} {
    %mul3A = arith.constant 2 : i32
    %mul3A_0 = arith.muli %arg1, %mul3A : i32
    %add3A = arith.addi %mul3A_0, %arg0 : i32
    %mul3A_1 = arith.constant 632 : i32
    %mul3A_2 = arith.muli %arg1, %mul3A_1 : i32
    %mul3A_3 = arith.constant 632 : i32
    %mul3A_4 = arith.muli %arg1, %mul3A_3 : i32
    "tpu.region"() ({
      %run_scoped3A = tpu.sem_alloc : memref<!tpu.dma_semaphore, #tpu.memory_space<semaphore_mem>>
      %dma_start3A_75 = arith.constant 0 : i32
      %dma_start3A_76 = tpu.memref_slice %arg7[%mul3A_4, %dma_start3A_75] : memref<10112x40xf32, #tpu.memory_space<vmem_shared>> -> memref<632x40xf32, #tpu.memory_space<vmem_shared>>
      %dma_start3A_77 = arith.constant 0 : i32
      %dma_start3A_78 = tpu.memref_slice %arg5[%mul3A_2, %dma_start3A_77] : memref<10112x40xf32, #tpu.memory_space<hbm>> -> memref<632x40xf32, #tpu.memory_space<hbm>>
      tpu.enqueue_dma source(%dma_start3A_78 : memref<632x40xf32, #tpu.memory_space<hbm>>) target(%dma_start3A_76 : memref<632x40xf32, #tpu.memory_space<vmem_shared>>) target_semaphore(%run_scoped3A : memref<!tpu.dma_semaphore, #tpu.memory_space<semaphore_mem>>)
      %dma_wait3A = arith.constant 0 : i32
      %dma_wait3A_79 = tpu.memref_slice %arg7[%mul3A_4, %dma_wait3A] : memref<10112x40xf32, #tpu.memory_space<vmem_shared>> -> memref<632x40xf32, #tpu.memory_space<vmem_shared>>
      %dma_wait3A_80 = arith.constant 0 : i32
      %dma_wait3A_81 = tpu.memref_slice %arg5[%mul3A_2, %dma_wait3A_80] : memref<10112x40xf32, #tpu.memory_space<hbm>> -> memref<632x40xf32, #tpu.memory_space<hbm>>
      tpu.wait_dma2 semaphore(%run_scoped3A : memref<!tpu.dma_semaphore, #tpu.memory_space<semaphore_mem>>) src(%dma_wait3A_81 : memref<632x40xf32, #tpu.memory_space<hbm>>) dst(%dma_wait3A_79 : memref<632x40xf32, #tpu.memory_space<vmem_shared>>)
      tpu.yield
    }) : () -> ()
    %mul3A_5 = arith.constant 632 : i32
    %mul3A_6 = arith.muli %arg1, %mul3A_5 : i32
    %mul3A_7 = arith.constant 632 : i32
    %mul3A_8 = arith.muli %arg1, %mul3A_7 : i32
    "tpu.region"() ({
      %run_scoped3A = tpu.sem_alloc : memref<!tpu.dma_semaphore, #tpu.memory_space<semaphore_mem>>
      %dma_start3A_75 = arith.constant 0 : i32
      %dma_start3A_76 = tpu.memref_slice %arg8[%mul3A_8, %dma_start3A_75] : memref<10112x40xf32, #tpu.memory_space<vmem_shared>> -> memref<632x40xf32, #tpu.memory_space<vmem_shared>>
      %dma_start3A_77 = arith.constant 0 : i32
      %dma_start3A_78 = tpu.memref_slice %arg2[%mul3A_6, %dma_start3A_77] : memref<10112x40xf32, #tpu.memory_space<hbm>> -> memref<632x40xf32, #tpu.memory_space<hbm>>
      tpu.enqueue_dma source(%dma_start3A_78 : memref<632x40xf32, #tpu.memory_space<hbm>>) target(%dma_start3A_76 : memref<632x40xf32, #tpu.memory_space<vmem_shared>>) target_semaphore(%run_scoped3A : memref<!tpu.dma_semaphore, #tpu.memory_space<semaphore_mem>>)
      %dma_wait3A = arith.constant 0 : i32
      %dma_wait3A_79 = tpu.memref_slice %arg8[%mul3A_8, %dma_wait3A] : memref<10112x40xf32, #tpu.memory_space<vmem_shared>> -> memref<632x40xf32, #tpu.memory_space<vmem_shared>>
      %dma_wait3A_80 = arith.constant 0 : i32
      %dma_wait3A_81 = tpu.memref_slice %arg2[%mul3A_6, %dma_wait3A_80] : memref<10112x40xf32, #tpu.memory_space<hbm>> -> memref<632x40xf32, #tpu.memory_space<hbm>>
      tpu.wait_dma2 semaphore(%run_scoped3A : memref<!tpu.dma_semaphore, #tpu.memory_space<semaphore_mem>>) src(%dma_wait3A_81 : memref<632x40xf32, #tpu.memory_space<hbm>>) dst(%dma_wait3A_79 : memref<632x40xf32, #tpu.memory_space<vmem_shared>>)
      tpu.yield
    }) : () -> ()
    %barrier3A = arith.constant 0 : index
    tpu.barrier barrier_id(%barrier3A)
    "tpu.region"() ({
      %run_scoped3A = tpu.sem_alloc : memref<!tpu.dma_semaphore, #tpu.memory_space<semaphore_mem>>
      %dma_start3A_75 = arith.constant 0 : i32
      %dma_start3A_76 = arith.constant 0 : i32
      %dma_start3A_77 = tpu.memref_slice %arg3[%add3A, %dma_start3A_75, %dma_start3A_76] : memref<32x80x128xi32, #tpu.memory_space<hbm>> -> memref<1x80x128xi32, #tpu.memory_space<hbm>>
      %dma_start3A_78 = tpu.memref_squeeze %dma_start3A_77 : memref<1x80x128xi32, #tpu.memory_space<hbm>> -> memref<80x128xi32, #tpu.memory_space<hbm>>
      %dma_start3A_79 = arith.constant 0 : i32
      %dma_start3A_80 = arith.constant 0 : i32
      %dma_start3A_81 = tpu.memref_slice %arg3[%add3A, %dma_start3A_79, %dma_start3A_80] : memref<32x80x128xi32, #tpu.memory_space<hbm>> -> memref<1x80x128xi32, #tpu.memory_space<hbm>>
      %dma_start3A_82 = tpu.memref_squeeze %dma_start3A_81 : memref<1x80x128xi32, #tpu.memory_space<hbm>> -> memref<80x128xi32, #tpu.memory_space<hbm>>
      tpu.enqueue_dma source(%dma_start3A_82 : memref<80x128xi32, #tpu.memory_space<hbm>>) target(%arg9 : memref<80x128xi32, #tpu.memory_space<vmem>>) target_semaphore(%run_scoped3A : memref<!tpu.dma_semaphore, #tpu.memory_space<semaphore_mem>>)
      %dma_wait3A = arith.constant 0 : i32
      %dma_wait3A_83 = arith.constant 0 : i32
      %dma_wait3A_84 = tpu.memref_slice %arg3[%add3A, %dma_wait3A, %dma_wait3A_83] : memref<32x80x128xi32, #tpu.memory_space<hbm>> -> memref<1x80x128xi32, #tpu.memory_space<hbm>>
      %dma_wait3A_85 = tpu.memref_squeeze %dma_wait3A_84 : memref<1x80x128xi32, #tpu.memory_space<hbm>> -> memref<80x128xi32, #tpu.memory_space<hbm>>
      %dma_wait3A_86 = arith.constant 0 : i32
      %dma_wait3A_87 = arith.constant 0 : i32
      %dma_wait3A_88 = tpu.memref_slice %arg3[%add3A, %dma_wait3A_86, %dma_wait3A_87] : memref<32x80x128xi32, #tpu.memory_space<hbm>> -> memref<1x80x128xi32, #tpu.memory_space<hbm>>
      %dma_wait3A_89 = tpu.memref_squeeze %dma_wait3A_88 : memref<1x80x128xi32, #tpu.memory_space<hbm>> -> memref<80x128xi32, #tpu.memory_space<hbm>>
      tpu.wait_dma2 semaphore(%run_scoped3A : memref<!tpu.dma_semaphore, #tpu.memory_space<semaphore_mem>>) src(%dma_wait3A_89 : memref<80x128xi32, #tpu.memory_space<hbm>>) dst(%arg9 : memref<80x128xi32, #tpu.memory_space<vmem>>)
      tpu.yield
    }) : () -> ()
    "tpu.region"() ({
      %run_scoped3A = tpu.sem_alloc : memref<!tpu.dma_semaphore, #tpu.memory_space<semaphore_mem>>
      %dma_start3A_75 = arith.constant 0 : i32
      %dma_start3A_76 = arith.constant 0 : i32
      %dma_start3A_77 = tpu.memref_slice %arg4[%add3A, %dma_start3A_75, %dma_start3A_76] : memref<32x80x128xi32, #tpu.memory_space<hbm>> -> memref<1x80x128xi32, #tpu.memory_space<hbm>>
      %dma_start3A_78 = tpu.memref_squeeze %dma_start3A_77 : memref<1x80x128xi32, #tpu.memory_space<hbm>> -> memref<80x128xi32, #tpu.memory_space<hbm>>
      %dma_start3A_79 = arith.constant 0 : i32
      %dma_start3A_80 = arith.constant 0 : i32
      %dma_start3A_81 = tpu.memref_slice %arg4[%add3A, %dma_start3A_79, %dma_start3A_80] : memref<32x80x128xi32, #tpu.memory_space<hbm>> -> memref<1x80x128xi32, #tpu.memory_space<hbm>>
      %dma_start3A_82 = tpu.memref_squeeze %dma_start3A_81 : memref<1x80x128xi32, #tpu.memory_space<hbm>> -> memref<80x128xi32, #tpu.memory_space<hbm>>
      tpu.enqueue_dma source(%dma_start3A_82 : memref<80x128xi32, #tpu.memory_space<hbm>>) target(%arg10 : memref<80x128xi32, #tpu.memory_space<vmem>>) target_semaphore(%run_scoped3A : memref<!tpu.dma_semaphore, #tpu.memory_space<semaphore_mem>>)
      %dma_wait3A = arith.constant 0 : i32
      %dma_wait3A_83 = arith.constant 0 : i32
      %dma_wait3A_84 = tpu.memref_slice %arg4[%add3A, %dma_wait3A, %dma_wait3A_83] : memref<32x80x128xi32, #tpu.memory_space<hbm>> -> memref<1x80x128xi32, #tpu.memory_space<hbm>>
      %dma_wait3A_85 = tpu.memref_squeeze %dma_wait3A_84 : memref<1x80x128xi32, #tpu.memory_space<hbm>> -> memref<80x128xi32, #tpu.memory_space<hbm>>
      %dma_wait3A_86 = arith.constant 0 : i32
      %dma_wait3A_87 = arith.constant 0 : i32
      %dma_wait3A_88 = tpu.memref_slice %arg4[%add3A, %dma_wait3A_86, %dma_wait3A_87] : memref<32x80x128xi32, #tpu.memory_space<hbm>> -> memref<1x80x128xi32, #tpu.memory_space<hbm>>
      %dma_wait3A_89 = tpu.memref_squeeze %dma_wait3A_88 : memref<1x80x128xi32, #tpu.memory_space<hbm>> -> memref<80x128xi32, #tpu.memory_space<hbm>>
      tpu.wait_dma2 semaphore(%run_scoped3A : memref<!tpu.dma_semaphore, #tpu.memory_space<semaphore_mem>>) src(%dma_wait3A_89 : memref<80x128xi32, #tpu.memory_space<hbm>>) dst(%arg10 : memref<80x128xi32, #tpu.memory_space<vmem>>)
      tpu.yield
    }) : () -> ()
    %dma_start3A = arith.constant 0 : i32
    %dma_start3A_9 = arith.constant 0 : i32
    %dma_start3A_10 = tpu.memref_slice %arg9[%dma_start3A, %dma_start3A_9] : memref<80x128xi32, #tpu.memory_space<vmem>> -> memref<1x128xi32, #tpu.memory_space<vmem>>
    %dma_start3A_11 = tpu.memref_squeeze %dma_start3A_10 : memref<1x128xi32, #tpu.memory_space<vmem>> -> memref<128xi32, #tpu.memory_space<vmem>>
    %dma_start3A_12 = arith.constant 0 : i32
    %dma_start3A_13 = arith.constant 0 : i32
    %dma_start3A_14 = tpu.memref_slice %arg8[%dma_start3A_12, %dma_start3A_13] : memref<10112x40xf32, #tpu.memory_space<vmem_shared>> -> memref<10112x40xf32, #tpu.memory_space<vmem_shared>>
    tpu.enqueue_indirect_dma source(%dma_start3A_14 : memref<10112x40xf32, #tpu.memory_space<vmem_shared>>) target(%arg11 : memref<128x40xf32, #tpu.memory_space<vmem>>) offsets(%dma_start3A_11 : memref<128xi32, #tpu.memory_space<vmem>>) semaphore(%arg19 : memref<!tpu.dma_semaphore, #tpu.memory_space<semaphore_mem>>)
    %dma_start3A_15 = arith.constant 1 : i32
    %dma_start3A_16 = arith.constant 0 : i32
    %dma_start3A_17 = tpu.memref_slice %arg9[%dma_start3A_15, %dma_start3A_16] : memref<80x128xi32, #tpu.memory_space<vmem>> -> memref<1x128xi32, #tpu.memory_space<vmem>>
    %dma_start3A_18 = tpu.memref_squeeze %dma_start3A_17 : memref<1x128xi32, #tpu.memory_space<vmem>> -> memref<128xi32, #tpu.memory_space<vmem>>
    %dma_start3A_19 = arith.constant 0 : i32
    %dma_start3A_20 = arith.constant 0 : i32
    %dma_start3A_21 = tpu.memref_slice %arg8[%dma_start3A_19, %dma_start3A_20] : memref<10112x40xf32, #tpu.memory_space<vmem_shared>> -> memref<10112x40xf32, #tpu.memory_space<vmem_shared>>
    tpu.enqueue_indirect_dma source(%dma_start3A_21 : memref<10112x40xf32, #tpu.memory_space<vmem_shared>>) target(%arg12 : memref<128x40xf32, #tpu.memory_space<vmem>>) offsets(%dma_start3A_18 : memref<128xi32, #tpu.memory_space<vmem>>) semaphore(%arg20 : memref<!tpu.dma_semaphore, #tpu.memory_space<semaphore_mem>>)
    %dma_start3A_22 = arith.constant 2 : i32
    %dma_start3A_23 = arith.constant 0 : i32
    %dma_start3A_24 = tpu.memref_slice %arg9[%dma_start3A_22, %dma_start3A_23] : memref<80x128xi32, #tpu.memory_space<vmem>> -> memref<1x128xi32, #tpu.memory_space<vmem>>
    %dma_start3A_25 = tpu.memref_squeeze %dma_start3A_24 : memref<1x128xi32, #tpu.memory_space<vmem>> -> memref<128xi32, #tpu.memory_space<vmem>>
    %dma_start3A_26 = arith.constant 0 : i32
    %dma_start3A_27 = arith.constant 0 : i32
    %dma_start3A_28 = tpu.memref_slice %arg8[%dma_start3A_26, %dma_start3A_27] : memref<10112x40xf32, #tpu.memory_space<vmem_shared>> -> memref<10112x40xf32, #tpu.memory_space<vmem_shared>>
    tpu.enqueue_indirect_dma source(%dma_start3A_28 : memref<10112x40xf32, #tpu.memory_space<vmem_shared>>) target(%arg13 : memref<128x40xf32, #tpu.memory_space<vmem>>) offsets(%dma_start3A_25 : memref<128xi32, #tpu.memory_space<vmem>>) semaphore(%arg21 : memref<!tpu.dma_semaphore, #tpu.memory_space<semaphore_mem>>)
    %dma_start3A_29 = arith.constant 3 : i32
    %dma_start3A_30 = arith.constant 0 : i32
    %dma_start3A_31 = tpu.memref_slice %arg9[%dma_start3A_29, %dma_start3A_30] : memref<80x128xi32, #tpu.memory_space<vmem>> -> memref<1x128xi32, #tpu.memory_space<vmem>>
    %dma_start3A_32 = tpu.memref_squeeze %dma_start3A_31 : memref<1x128xi32, #tpu.memory_space<vmem>> -> memref<128xi32, #tpu.memory_space<vmem>>
    %dma_start3A_33 = arith.constant 0 : i32
    %dma_start3A_34 = arith.constant 0 : i32
    %dma_start3A_35 = tpu.memref_slice %arg8[%dma_start3A_33, %dma_start3A_34] : memref<10112x40xf32, #tpu.memory_space<vmem_shared>> -> memref<10112x40xf32, #tpu.memory_space<vmem_shared>>
    tpu.enqueue_indirect_dma source(%dma_start3A_35 : memref<10112x40xf32, #tpu.memory_space<vmem_shared>>) target(%arg14 : memref<128x40xf32, #tpu.memory_space<vmem>>) offsets(%dma_start3A_32 : memref<128xi32, #tpu.memory_space<vmem>>) semaphore(%arg22 : memref<!tpu.dma_semaphore, #tpu.memory_space<semaphore_mem>>)
    %dma_start3A_36 = arith.constant 4 : i32
    %dma_start3A_37 = arith.constant 0 : i32
    %dma_start3A_38 = tpu.memref_slice %arg9[%dma_start3A_36, %dma_start3A_37] : memref<80x128xi32, #tpu.memory_space<vmem>> -> memref<1x128xi32, #tpu.memory_space<vmem>>
    %dma_start3A_39 = tpu.memref_squeeze %dma_start3A_38 : memref<1x128xi32, #tpu.memory_space<vmem>> -> memref<128xi32, #tpu.memory_space<vmem>>
    %dma_start3A_40 = arith.constant 0 : i32
    %dma_start3A_41 = arith.constant 0 : i32
    %dma_start3A_42 = tpu.memref_slice %arg8[%dma_start3A_40, %dma_start3A_41] : memref<10112x40xf32, #tpu.memory_space<vmem_shared>> -> memref<10112x40xf32, #tpu.memory_space<vmem_shared>>
    tpu.enqueue_indirect_dma source(%dma_start3A_42 : memref<10112x40xf32, #tpu.memory_space<vmem_shared>>) target(%arg15 : memref<128x40xf32, #tpu.memory_space<vmem>>) offsets(%dma_start3A_39 : memref<128xi32, #tpu.memory_space<vmem>>) semaphore(%arg23 : memref<!tpu.dma_semaphore, #tpu.memory_space<semaphore_mem>>)
    %dma_start3A_43 = arith.constant 5 : i32
    %dma_start3A_44 = arith.constant 0 : i32
    %dma_start3A_45 = tpu.memref_slice %arg9[%dma_start3A_43, %dma_start3A_44] : memref<80x128xi32, #tpu.memory_space<vmem>> -> memref<1x128xi32, #tpu.memory_space<vmem>>
    %dma_start3A_46 = tpu.memref_squeeze %dma_start3A_45 : memref<1x128xi32, #tpu.memory_space<vmem>> -> memref<128xi32, #tpu.memory_space<vmem>>
    %dma_start3A_47 = arith.constant 0 : i32
    %dma_start3A_48 = arith.constant 0 : i32
    %dma_start3A_49 = tpu.memref_slice %arg8[%dma_start3A_47, %dma_start3A_48] : memref<10112x40xf32, #tpu.memory_space<vmem_shared>> -> memref<10112x40xf32, #tpu.memory_space<vmem_shared>>
    tpu.enqueue_indirect_dma source(%dma_start3A_49 : memref<10112x40xf32, #tpu.memory_space<vmem_shared>>) target(%arg16 : memref<128x40xf32, #tpu.memory_space<vmem>>) offsets(%dma_start3A_46 : memref<128xi32, #tpu.memory_space<vmem>>) semaphore(%arg24 : memref<!tpu.dma_semaphore, #tpu.memory_space<semaphore_mem>>)
    %dma_start3A_50 = arith.constant 6 : i32
    %dma_start3A_51 = arith.constant 0 : i32
    %dma_start3A_52 = tpu.memref_slice %arg9[%dma_start3A_50, %dma_start3A_51] : memref<80x128xi32, #tpu.memory_space<vmem>> -> memref<1x128xi32, #tpu.memory_space<vmem>>
    %dma_start3A_53 = tpu.memref_squeeze %dma_start3A_52 : memref<1x128xi32, #tpu.memory_space<vmem>> -> memref<128xi32, #tpu.memory_space<vmem>>
    %dma_start3A_54 = arith.constant 0 : i32
    %dma_start3A_55 = arith.constant 0 : i32
    %dma_start3A_56 = tpu.memref_slice %arg8[%dma_start3A_54, %dma_start3A_55] : memref<10112x40xf32, #tpu.memory_space<vmem_shared>> -> memref<10112x40xf32, #tpu.memory_space<vmem_shared>>
    tpu.enqueue_indirect_dma source(%dma_start3A_56 : memref<10112x40xf32, #tpu.memory_space<vmem_shared>>) target(%arg17 : memref<128x40xf32, #tpu.memory_space<vmem>>) offsets(%dma_start3A_53 : memref<128xi32, #tpu.memory_space<vmem>>) semaphore(%arg25 : memref<!tpu.dma_semaphore, #tpu.memory_space<semaphore_mem>>)
    %dma_start3A_57 = arith.constant 7 : i32
    %dma_start3A_58 = arith.constant 0 : i32
    %dma_start3A_59 = tpu.memref_slice %arg9[%dma_start3A_57, %dma_start3A_58] : memref<80x128xi32, #tpu.memory_space<vmem>> -> memref<1x128xi32, #tpu.memory_space<vmem>>
    %dma_start3A_60 = tpu.memref_squeeze %dma_start3A_59 : memref<1x128xi32, #tpu.memory_space<vmem>> -> memref<128xi32, #tpu.memory_space<vmem>>
    %dma_start3A_61 = arith.constant 0 : i32
    %dma_start3A_62 = arith.constant 0 : i32
    %dma_start3A_63 = tpu.memref_slice %arg8[%dma_start3A_61, %dma_start3A_62] : memref<10112x40xf32, #tpu.memory_space<vmem_shared>> -> memref<10112x40xf32, #tpu.memory_space<vmem_shared>>
    tpu.enqueue_indirect_dma source(%dma_start3A_63 : memref<10112x40xf32, #tpu.memory_space<vmem_shared>>) target(%arg18 : memref<128x40xf32, #tpu.memory_space<vmem>>) offsets(%dma_start3A_60 : memref<128xi32, #tpu.memory_space<vmem>>) semaphore(%arg26 : memref<!tpu.dma_semaphore, #tpu.memory_space<semaphore_mem>>)
    %scan3A = arith.constant 0 : i32
    %scan3A_64 = arith.constant 0 : i32
    %scan3A_65 = arith.constant 10 : i32
    %scan3A_66 = arith.addi %scan3A_64, %scan3A_65 : i32
    %scan3A_67 = arith.constant 1 : i32
    %scan3A_68 = scf.for %scan3A_75 = %scan3A_64 to %scan3A_66 step %scan3A_67 iter_args(%scan3A_76 = %scan3A) -> (i32)  : i32 {
      %mul3A_77 = arith.constant 8 : i32
      %mul3A_78 = arith.muli %mul3A_77, %scan3A_75 : i32
      %add3A_79 = arith.constant 0 : i32
      %add3A_80 = arith.addi %mul3A_78, %add3A_79 : i32
      %dma_wait3A = arith.constant 0 : i32
      %dma_wait3A_81 = tpu.memref_slice %arg9[%add3A_80, %dma_wait3A] : memref<80x128xi32, #tpu.memory_space<vmem>> -> memref<1x128xi32, #tpu.memory_space<vmem>>
      %dma_wait3A_82 = tpu.memref_squeeze %dma_wait3A_81 : memref<1x128xi32, #tpu.memory_space<vmem>> -> memref<128xi32, #tpu.memory_space<vmem>>
      %dma_wait3A_83 = arith.constant 0 : i32
      %dma_wait3A_84 = arith.constant 0 : i32
      %dma_wait3A_85 = tpu.memref_slice %arg8[%dma_wait3A_83, %dma_wait3A_84] : memref<10112x40xf32, #tpu.memory_space<vmem_shared>> -> memref<10112x40xf32, #tpu.memory_space<vmem_shared>>
      tpu.wait_indirect_dma semaphore(%arg19 : memref<!tpu.dma_semaphore, #tpu.memory_space<semaphore_mem>>) src(%dma_wait3A_85 : memref<10112x40xf32, #tpu.memory_space<vmem_shared>>) dst(%arg11 : memref<128x40xf32, #tpu.memory_space<vmem>>)
      %dma_start3A_86 = arith.constant 0 : i32
      %dma_start3A_87 = tpu.memref_slice %arg10[%add3A_80, %dma_start3A_86] : memref<80x128xi32, #tpu.memory_space<vmem>> -> memref<1x128xi32, #tpu.memory_space<vmem>>
      %dma_start3A_88 = tpu.memref_squeeze %dma_start3A_87 : memref<1x128xi32, #tpu.memory_space<vmem>> -> memref<128xi32, #tpu.memory_space<vmem>>
      %dma_start3A_89 = arith.constant 0 : i32
      %dma_start3A_90 = arith.constant 0 : i32
      %dma_start3A_91 = tpu.memref_slice %arg7[%dma_start3A_89, %dma_start3A_90] : memref<10112x40xf32, #tpu.memory_space<vmem_shared>> -> memref<10112x40xf32, #tpu.memory_space<vmem_shared>>
      tpu.enqueue_indirect_dma source(%arg11 : memref<128x40xf32, #tpu.memory_space<vmem>>) target(%dma_start3A_91 : memref<10112x40xf32, #tpu.memory_space<vmem_shared>>) offsets(%dma_start3A_88 : memref<128xi32, #tpu.memory_space<vmem>>) semaphore(%arg27 : memref<!tpu.dma_semaphore, #tpu.memory_space<semaphore_mem>>) {add = true}
      %add3A_92 = arith.constant 1 : i32
      %add3A_93 = arith.addi %mul3A_78, %add3A_92 : i32
      %dma_wait3A_94 = arith.constant 0 : i32
      %dma_wait3A_95 = tpu.memref_slice %arg9[%add3A_93, %dma_wait3A_94] : memref<80x128xi32, #tpu.memory_space<vmem>> -> memref<1x128xi32, #tpu.memory_space<vmem>>
      %dma_wait3A_96 = tpu.memref_squeeze %dma_wait3A_95 : memref<1x128xi32, #tpu.memory_space<vmem>> -> memref<128xi32, #tpu.memory_space<vmem>>
      %dma_wait3A_97 = arith.constant 0 : i32
      %dma_wait3A_98 = arith.constant 0 : i32
      %dma_wait3A_99 = tpu.memref_slice %arg8[%dma_wait3A_97, %dma_wait3A_98] : memref<10112x40xf32, #tpu.memory_space<vmem_shared>> -> memref<10112x40xf32, #tpu.memory_space<vmem_shared>>
      tpu.wait_indirect_dma semaphore(%arg20 : memref<!tpu.dma_semaphore, #tpu.memory_space<semaphore_mem>>) src(%dma_wait3A_99 : memref<10112x40xf32, #tpu.memory_space<vmem_shared>>) dst(%arg12 : memref<128x40xf32, #tpu.memory_space<vmem>>)
      %dma_start3A_100 = arith.constant 0 : i32
      %dma_start3A_101 = tpu.memref_slice %arg10[%add3A_93, %dma_start3A_100] : memref<80x128xi32, #tpu.memory_space<vmem>> -> memref<1x128xi32, #tpu.memory_space<vmem>>
      %dma_start3A_102 = tpu.memref_squeeze %dma_start3A_101 : memref<1x128xi32, #tpu.memory_space<vmem>> -> memref<128xi32, #tpu.memory_space<vmem>>
      %dma_start3A_103 = arith.constant 0 : i32
      %dma_start3A_104 = arith.constant 0 : i32
      %dma_start3A_105 = tpu.memref_slice %arg7[%dma_start3A_103, %dma_start3A_104] : memref<10112x40xf32, #tpu.memory_space<vmem_shared>> -> memref<10112x40xf32, #tpu.memory_space<vmem_shared>>
      tpu.enqueue_indirect_dma source(%arg12 : memref<128x40xf32, #tpu.memory_space<vmem>>) target(%dma_start3A_105 : memref<10112x40xf32, #tpu.memory_space<vmem_shared>>) offsets(%dma_start3A_102 : memref<128xi32, #tpu.memory_space<vmem>>) semaphore(%arg28 : memref<!tpu.dma_semaphore, #tpu.memory_space<semaphore_mem>>) {add = true}
      %add3A_106 = arith.constant 2 : i32
      %add3A_107 = arith.addi %mul3A_78, %add3A_106 : i32
      %dma_wait3A_108 = arith.constant 0 : i32
      %dma_wait3A_109 = tpu.memref_slice %arg9[%add3A_107, %dma_wait3A_108] : memref<80x128xi32, #tpu.memory_space<vmem>> -> memref<1x128xi32, #tpu.memory_space<vmem>>
      %dma_wait3A_110 = tpu.memref_squeeze %dma_wait3A_109 : memref<1x128xi32, #tpu.memory_space<vmem>> -> memref<128xi32, #tpu.memory_space<vmem>>
      %dma_wait3A_111 = arith.constant 0 : i32
      %dma_wait3A_112 = arith.constant 0 : i32
      %dma_wait3A_113 = tpu.memref_slice %arg8[%dma_wait3A_111, %dma_wait3A_112] : memref<10112x40xf32, #tpu.memory_space<vmem_shared>> -> memref<10112x40xf32, #tpu.memory_space<vmem_shared>>
      tpu.wait_indirect_dma semaphore(%arg21 : memref<!tpu.dma_semaphore, #tpu.memory_space<semaphore_mem>>) src(%dma_wait3A_113 : memref<10112x40xf32, #tpu.memory_space<vmem_shared>>) dst(%arg13 : memref<128x40xf32, #tpu.memory_space<vmem>>)
      %dma_start3A_114 = arith.constant 0 : i32
      %dma_start3A_115 = tpu.memref_slice %arg10[%add3A_107, %dma_start3A_114] : memref<80x128xi32, #tpu.memory_space<vmem>> -> memref<1x128xi32, #tpu.memory_space<vmem>>
      %dma_start3A_116 = tpu.memref_squeeze %dma_start3A_115 : memref<1x128xi32, #tpu.memory_space<vmem>> -> memref<128xi32, #tpu.memory_space<vmem>>
      %dma_start3A_117 = arith.constant 0 : i32
      %dma_start3A_118 = arith.constant 0 : i32
      %dma_start3A_119 = tpu.memref_slice %arg7[%dma_start3A_117, %dma_start3A_118] : memref<10112x40xf32, #tpu.memory_space<vmem_shared>> -> memref<10112x40xf32, #tpu.memory_space<vmem_shared>>
      tpu.enqueue_indirect_dma source(%arg13 : memref<128x40xf32, #tpu.memory_space<vmem>>) target(%dma_start3A_119 : memref<10112x40xf32, #tpu.memory_space<vmem_shared>>) offsets(%dma_start3A_116 : memref<128xi32, #tpu.memory_space<vmem>>) semaphore(%arg29 : memref<!tpu.dma_semaphore, #tpu.memory_space<semaphore_mem>>) {add = true}
      %add3A_120 = arith.constant 3 : i32
      %add3A_121 = arith.addi %mul3A_78, %add3A_120 : i32
      %dma_wait3A_122 = arith.constant 0 : i32
      %dma_wait3A_123 = tpu.memref_slice %arg9[%add3A_121, %dma_wait3A_122] : memref<80x128xi32, #tpu.memory_space<vmem>> -> memref<1x128xi32, #tpu.memory_space<vmem>>
      %dma_wait3A_124 = tpu.memref_squeeze %dma_wait3A_123 : memref<1x128xi32, #tpu.memory_space<vmem>> -> memref<128xi32, #tpu.memory_space<vmem>>
      %dma_wait3A_125 = arith.constant 0 : i32
      %dma_wait3A_126 = arith.constant 0 : i32
      %dma_wait3A_127 = tpu.memref_slice %arg8[%dma_wait3A_125, %dma_wait3A_126] : memref<10112x40xf32, #tpu.memory_space<vmem_shared>> -> memref<10112x40xf32, #tpu.memory_space<vmem_shared>>
      tpu.wait_indirect_dma semaphore(%arg22 : memref<!tpu.dma_semaphore, #tpu.memory_space<semaphore_mem>>) src(%dma_wait3A_127 : memref<10112x40xf32, #tpu.memory_space<vmem_shared>>) dst(%arg14 : memref<128x40xf32, #tpu.memory_space<vmem>>)
      %dma_start3A_128 = arith.constant 0 : i32
      %dma_start3A_129 = tpu.memref_slice %arg10[%add3A_121, %dma_start3A_128] : memref<80x128xi32, #tpu.memory_space<vmem>> -> memref<1x128xi32, #tpu.memory_space<vmem>>
      %dma_start3A_130 = tpu.memref_squeeze %dma_start3A_129 : memref<1x128xi32, #tpu.memory_space<vmem>> -> memref<128xi32, #tpu.memory_space<vmem>>
      %dma_start3A_131 = arith.constant 0 : i32
      %dma_start3A_132 = arith.constant 0 : i32
      %dma_start3A_133 = tpu.memref_slice %arg7[%dma_start3A_131, %dma_start3A_132] : memref<10112x40xf32, #tpu.memory_space<vmem_shared>> -> memref<10112x40xf32, #tpu.memory_space<vmem_shared>>
      tpu.enqueue_indirect_dma source(%arg14 : memref<128x40xf32, #tpu.memory_space<vmem>>) target(%dma_start3A_133 : memref<10112x40xf32, #tpu.memory_space<vmem_shared>>) offsets(%dma_start3A_130 : memref<128xi32, #tpu.memory_space<vmem>>) semaphore(%arg30 : memref<!tpu.dma_semaphore, #tpu.memory_space<semaphore_mem>>) {add = true}
      %add3A_134 = arith.constant 4 : i32
      %add3A_135 = arith.addi %mul3A_78, %add3A_134 : i32
      %dma_wait3A_136 = arith.constant 0 : i32
      %dma_wait3A_137 = tpu.memref_slice %arg9[%add3A_135, %dma_wait3A_136] : memref<80x128xi32, #tpu.memory_space<vmem>> -> memref<1x128xi32, #tpu.memory_space<vmem>>
      %dma_wait3A_138 = tpu.memref_squeeze %dma_wait3A_137 : memref<1x128xi32, #tpu.memory_space<vmem>> -> memref<128xi32, #tpu.memory_space<vmem>>
      %dma_wait3A_139 = arith.constant 0 : i32
      %dma_wait3A_140 = arith.constant 0 : i32
      %dma_wait3A_141 = tpu.memref_slice %arg8[%dma_wait3A_139, %dma_wait3A_140] : memref<10112x40xf32, #tpu.memory_space<vmem_shared>> -> memref<10112x40xf32, #tpu.memory_space<vmem_shared>>
      tpu.wait_indirect_dma semaphore(%arg23 : memref<!tpu.dma_semaphore, #tpu.memory_space<semaphore_mem>>) src(%dma_wait3A_141 : memref<10112x40xf32, #tpu.memory_space<vmem_shared>>) dst(%arg15 : memref<128x40xf32, #tpu.memory_space<vmem>>)
      %dma_start3A_142 = arith.constant 0 : i32
      %dma_start3A_143 = tpu.memref_slice %arg10[%add3A_135, %dma_start3A_142] : memref<80x128xi32, #tpu.memory_space<vmem>> -> memref<1x128xi32, #tpu.memory_space<vmem>>
      %dma_start3A_144 = tpu.memref_squeeze %dma_start3A_143 : memref<1x128xi32, #tpu.memory_space<vmem>> -> memref<128xi32, #tpu.memory_space<vmem>>
      %dma_start3A_145 = arith.constant 0 : i32
      %dma_start3A_146 = arith.constant 0 : i32
      %dma_start3A_147 = tpu.memref_slice %arg7[%dma_start3A_145, %dma_start3A_146] : memref<10112x40xf32, #tpu.memory_space<vmem_shared>> -> memref<10112x40xf32, #tpu.memory_space<vmem_shared>>
      tpu.enqueue_indirect_dma source(%arg15 : memref<128x40xf32, #tpu.memory_space<vmem>>) target(%dma_start3A_147 : memref<10112x40xf32, #tpu.memory_space<vmem_shared>>) offsets(%dma_start3A_144 : memref<128xi32, #tpu.memory_space<vmem>>) semaphore(%arg31 : memref<!tpu.dma_semaphore, #tpu.memory_space<semaphore_mem>>) {add = true}
      %add3A_148 = arith.constant 5 : i32
      %add3A_149 = arith.addi %mul3A_78, %add3A_148 : i32
      %dma_wait3A_150 = arith.constant 0 : i32
      %dma_wait3A_151 = tpu.memref_slice %arg9[%add3A_149, %dma_wait3A_150] : memref<80x128xi32, #tpu.memory_space<vmem>> -> memref<1x128xi32, #tpu.memory_space<vmem>>
      %dma_wait3A_152 = tpu.memref_squeeze %dma_wait3A_151 : memref<1x128xi32, #tpu.memory_space<vmem>> -> memref<128xi32, #tpu.memory_space<vmem>>
      %dma_wait3A_153 = arith.constant 0 : i32
      %dma_wait3A_154 = arith.constant 0 : i32
      %dma_wait3A_155 = tpu.memref_slice %arg8[%dma_wait3A_153, %dma_wait3A_154] : memref<10112x40xf32, #tpu.memory_space<vmem_shared>> -> memref<10112x40xf32, #tpu.memory_space<vmem_shared>>
      tpu.wait_indirect_dma semaphore(%arg24 : memref<!tpu.dma_semaphore, #tpu.memory_space<semaphore_mem>>) src(%dma_wait3A_155 : memref<10112x40xf32, #tpu.memory_space<vmem_shared>>) dst(%arg16 : memref<128x40xf32, #tpu.memory_space<vmem>>)
      %dma_start3A_156 = arith.constant 0 : i32
      %dma_start3A_157 = tpu.memref_slice %arg10[%add3A_149, %dma_start3A_156] : memref<80x128xi32, #tpu.memory_space<vmem>> -> memref<1x128xi32, #tpu.memory_space<vmem>>
      %dma_start3A_158 = tpu.memref_squeeze %dma_start3A_157 : memref<1x128xi32, #tpu.memory_space<vmem>> -> memref<128xi32, #tpu.memory_space<vmem>>
      %dma_start3A_159 = arith.constant 0 : i32
      %dma_start3A_160 = arith.constant 0 : i32
      %dma_start3A_161 = tpu.memref_slice %arg7[%dma_start3A_159, %dma_start3A_160] : memref<10112x40xf32, #tpu.memory_space<vmem_shared>> -> memref<10112x40xf32, #tpu.memory_space<vmem_shared>>
      tpu.enqueue_indirect_dma source(%arg16 : memref<128x40xf32, #tpu.memory_space<vmem>>) target(%dma_start3A_161 : memref<10112x40xf32, #tpu.memory_space<vmem_shared>>) offsets(%dma_start3A_158 : memref<128xi32, #tpu.memory_space<vmem>>) semaphore(%arg32 : memref<!tpu.dma_semaphore, #tpu.memory_space<semaphore_mem>>) {add = true}
      %add3A_162 = arith.constant 6 : i32
      %add3A_163 = arith.addi %mul3A_78, %add3A_162 : i32
      %dma_wait3A_164 = arith.constant 0 : i32
      %dma_wait3A_165 = tpu.memref_slice %arg9[%add3A_163, %dma_wait3A_164] : memref<80x128xi32, #tpu.memory_space<vmem>> -> memref<1x128xi32, #tpu.memory_space<vmem>>
      %dma_wait3A_166 = tpu.memref_squeeze %dma_wait3A_165 : memref<1x128xi32, #tpu.memory_space<vmem>> -> memref<128xi32, #tpu.memory_space<vmem>>
      %dma_wait3A_167 = arith.constant 0 : i32
      %dma_wait3A_168 = arith.constant 0 : i32
      %dma_wait3A_169 = tpu.memref_slice %arg8[%dma_wait3A_167, %dma_wait3A_168] : memref<10112x40xf32, #tpu.memory_space<vmem_shared>> -> memref<10112x40xf32, #tpu.memory_space<vmem_shared>>
      tpu.wait_indirect_dma semaphore(%arg25 : memref<!tpu.dma_semaphore, #tpu.memory_space<semaphore_mem>>) src(%dma_wait3A_169 : memref<10112x40xf32, #tpu.memory_space<vmem_shared>>) dst(%arg17 : memref<128x40xf32, #tpu.memory_space<vmem>>)
      %dma_start3A_170 = arith.constant 0 : i32
      %dma_start3A_171 = tpu.memref_slice %arg10[%add3A_163, %dma_start3A_170] : memref<80x128xi32, #tpu.memory_space<vmem>> -> memref<1x128xi32, #tpu.memory_space<vmem>>
      %dma_start3A_172 = tpu.memref_squeeze %dma_start3A_171 : memref<1x128xi32, #tpu.memory_space<vmem>> -> memref<128xi32, #tpu.memory_space<vmem>>
      %dma_start3A_173 = arith.constant 0 : i32
      %dma_start3A_174 = arith.constant 0 : i32
      %dma_start3A_175 = tpu.memref_slice %arg7[%dma_start3A_173, %dma_start3A_174] : memref<10112x40xf32, #tpu.memory_space<vmem_shared>> -> memref<10112x40xf32, #tpu.memory_space<vmem_shared>>
      tpu.enqueue_indirect_dma source(%arg17 : memref<128x40xf32, #tpu.memory_space<vmem>>) target(%dma_start3A_175 : memref<10112x40xf32, #tpu.memory_space<vmem_shared>>) offsets(%dma_start3A_172 : memref<128xi32, #tpu.memory_space<vmem>>) semaphore(%arg33 : memref<!tpu.dma_semaphore, #tpu.memory_space<semaphore_mem>>) {add = true}
      %add3A_176 = arith.constant 7 : i32
      %add3A_177 = arith.addi %mul3A_78, %add3A_176 : i32
      %dma_wait3A_178 = arith.constant 0 : i32
      %dma_wait3A_179 = tpu.memref_slice %arg9[%add3A_177, %dma_wait3A_178] : memref<80x128xi32, #tpu.memory_space<vmem>> -> memref<1x128xi32, #tpu.memory_space<vmem>>
      %dma_wait3A_180 = tpu.memref_squeeze %dma_wait3A_179 : memref<1x128xi32, #tpu.memory_space<vmem>> -> memref<128xi32, #tpu.memory_space<vmem>>
      %dma_wait3A_181 = arith.constant 0 : i32
      %dma_wait3A_182 = arith.constant 0 : i32
      %dma_wait3A_183 = tpu.memref_slice %arg8[%dma_wait3A_181, %dma_wait3A_182] : memref<10112x40xf32, #tpu.memory_space<vmem_shared>> -> memref<10112x40xf32, #tpu.memory_space<vmem_shared>>
      tpu.wait_indirect_dma semaphore(%arg26 : memref<!tpu.dma_semaphore, #tpu.memory_space<semaphore_mem>>) src(%dma_wait3A_183 : memref<10112x40xf32, #tpu.memory_space<vmem_shared>>) dst(%arg18 : memref<128x40xf32, #tpu.memory_space<vmem>>)
      %dma_start3A_184 = arith.constant 0 : i32
      %dma_start3A_185 = tpu.memref_slice %arg10[%add3A_177, %dma_start3A_184] : memref<80x128xi32, #tpu.memory_space<vmem>> -> memref<1x128xi32, #tpu.memory_space<vmem>>
      %dma_start3A_186 = tpu.memref_squeeze %dma_start3A_185 : memref<1x128xi32, #tpu.memory_space<vmem>> -> memref<128xi32, #tpu.memory_space<vmem>>
      %dma_start3A_187 = arith.constant 0 : i32
      %dma_start3A_188 = arith.constant 0 : i32
      %dma_start3A_189 = tpu.memref_slice %arg7[%dma_start3A_187, %dma_start3A_188] : memref<10112x40xf32, #tpu.memory_space<vmem_shared>> -> memref<10112x40xf32, #tpu.memory_space<vmem_shared>>
      tpu.enqueue_indirect_dma source(%arg18 : memref<128x40xf32, #tpu.memory_space<vmem>>) target(%dma_start3A_189 : memref<10112x40xf32, #tpu.memory_space<vmem_shared>>) offsets(%dma_start3A_186 : memref<128xi32, #tpu.memory_space<vmem>>) semaphore(%arg34 : memref<!tpu.dma_semaphore, #tpu.memory_space<semaphore_mem>>) {add = true}
      %add3A_190 = arith.constant 0 : i32
      %add3A_191 = arith.addi %mul3A_78, %add3A_190 : i32
      %dma_wait3A_192 = arith.constant 0 : i32
      %dma_wait3A_193 = tpu.memref_slice %arg10[%add3A_191, %dma_wait3A_192] : memref<80x128xi32, #tpu.memory_space<vmem>> -> memref<1x128xi32, #tpu.memory_space<vmem>>
      %dma_wait3A_194 = tpu.memref_squeeze %dma_wait3A_193 : memref<1x128xi32, #tpu.memory_space<vmem>> -> memref<128xi32, #tpu.memory_space<vmem>>
      %dma_wait3A_195 = arith.constant 0 : i32
      %dma_wait3A_196 = arith.constant 0 : i32
      %dma_wait3A_197 = tpu.memref_slice %arg7[%dma_wait3A_195, %dma_wait3A_196] : memref<10112x40xf32, #tpu.memory_space<vmem_shared>> -> memref<10112x40xf32, #tpu.memory_space<vmem_shared>>
      tpu.wait_indirect_dma semaphore(%arg27 : memref<!tpu.dma_semaphore, #tpu.memory_space<semaphore_mem>>) src(%arg11 : memref<128x40xf32, #tpu.memory_space<vmem>>) dst(%dma_wait3A_197 : memref<10112x40xf32, #tpu.memory_space<vmem_shared>>)
      %add3A_198 = arith.constant 8 : i32
      %add3A_199 = arith.addi %add3A_191, %add3A_198 : i32
      %lt3A = arith.constant 80 : i32
      %lt3A_200 = arith.cmpi slt, %add3A_199, %lt3A : i32
      %convert_element_type3A = arith.extui %lt3A_200 : i1 to i32
      %cond3A = arith.constant 0 : i32
      %cond3A_201 = arith.cmpi ne, %convert_element_type3A, %cond3A : i32
      scf.if %cond3A_201 {
        %add3A_308 = arith.constant 8 : i32
        %add3A_309 = arith.addi %add3A_191, %add3A_308 : i32
        %dma_start3A_310 = arith.constant 0 : i32
        %dma_start3A_311 = tpu.memref_slice %arg9[%add3A_309, %dma_start3A_310] : memref<80x128xi32, #tpu.memory_space<vmem>> -> memref<1x128xi32, #tpu.memory_space<vmem>>
        %dma_start3A_312 = tpu.memref_squeeze %dma_start3A_311 : memref<1x128xi32, #tpu.memory_space<vmem>> -> memref<128xi32, #tpu.memory_space<vmem>>
        %dma_start3A_313 = arith.constant 0 : i32
        %dma_start3A_314 = arith.constant 0 : i32
        %dma_start3A_315 = tpu.memref_slice %arg8[%dma_start3A_313, %dma_start3A_314] : memref<10112x40xf32, #tpu.memory_space<vmem_shared>> -> memref<10112x40xf32, #tpu.memory_space<vmem_shared>>
        tpu.enqueue_indirect_dma source(%dma_start3A_315 : memref<10112x40xf32, #tpu.memory_space<vmem_shared>>) target(%arg11 : memref<128x40xf32, #tpu.memory_space<vmem>>) offsets(%dma_start3A_312 : memref<128xi32, #tpu.memory_space<vmem>>) semaphore(%arg19 : memref<!tpu.dma_semaphore, #tpu.memory_space<semaphore_mem>>)
      } else {
      }
      %add3A_202 = arith.constant 1 : i32
      %add3A_203 = arith.addi %mul3A_78, %add3A_202 : i32
      %dma_wait3A_204 = arith.constant 0 : i32
      %dma_wait3A_205 = tpu.memref_slice %arg10[%add3A_203, %dma_wait3A_204] : memref<80x128xi32, #tpu.memory_space<vmem>> -> memref<1x128xi32, #tpu.memory_space<vmem>>
      %dma_wait3A_206 = tpu.memref_squeeze %dma_wait3A_205 : memref<1x128xi32, #tpu.memory_space<vmem>> -> memref<128xi32, #tpu.memory_space<vmem>>
      %dma_wait3A_207 = arith.constant 0 : i32
      %dma_wait3A_208 = arith.constant 0 : i32
      %dma_wait3A_209 = tpu.memref_slice %arg7[%dma_wait3A_207, %dma_wait3A_208] : memref<10112x40xf32, #tpu.memory_space<vmem_shared>> -> memref<10112x40xf32, #tpu.memory_space<vmem_shared>>
      tpu.wait_indirect_dma semaphore(%arg28 : memref<!tpu.dma_semaphore, #tpu.memory_space<semaphore_mem>>) src(%arg12 : memref<128x40xf32, #tpu.memory_space<vmem>>) dst(%dma_wait3A_209 : memref<10112x40xf32, #tpu.memory_space<vmem_shared>>)
      %add3A_210 = arith.constant 8 : i32
      %add3A_211 = arith.addi %add3A_203, %add3A_210 : i32
      %lt3A_212 = arith.constant 80 : i32
      %lt3A_213 = arith.cmpi slt, %add3A_211, %lt3A_212 : i32
      %convert_element_type3A_214 = arith.extui %lt3A_213 : i1 to i32
      %cond3A_215 = arith.constant 0 : i32
      %cond3A_216 = arith.cmpi ne, %convert_element_type3A_214, %cond3A_215 : i32
      scf.if %cond3A_216 {
        %add3A_308 = arith.constant 8 : i32
        %add3A_309 = arith.addi %add3A_203, %add3A_308 : i32
        %dma_start3A_310 = arith.constant 0 : i32
        %dma_start3A_311 = tpu.memref_slice %arg9[%add3A_309, %dma_start3A_310] : memref<80x128xi32, #tpu.memory_space<vmem>> -> memref<1x128xi32, #tpu.memory_space<vmem>>
        %dma_start3A_312 = tpu.memref_squeeze %dma_start3A_311 : memref<1x128xi32, #tpu.memory_space<vmem>> -> memref<128xi32, #tpu.memory_space<vmem>>
        %dma_start3A_313 = arith.constant 0 : i32
        %dma_start3A_314 = arith.constant 0 : i32
        %dma_start3A_315 = tpu.memref_slice %arg8[%dma_start3A_313, %dma_start3A_314] : memref<10112x40xf32, #tpu.memory_space<vmem_shared>> -> memref<10112x40xf32, #tpu.memory_space<vmem_shared>>
        tpu.enqueue_indirect_dma source(%dma_start3A_315 : memref<10112x40xf32, #tpu.memory_space<vmem_shared>>) target(%arg12 : memref<128x40xf32, #tpu.memory_space<vmem>>) offsets(%dma_start3A_312 : memref<128xi32, #tpu.memory_space<vmem>>) semaphore(%arg20 : memref<!tpu.dma_semaphore, #tpu.memory_space<semaphore_mem>>)
      } else {
      }
      %add3A_217 = arith.constant 2 : i32
      %add3A_218 = arith.addi %mul3A_78, %add3A_217 : i32
      %dma_wait3A_219 = arith.constant 0 : i32
      %dma_wait3A_220 = tpu.memref_slice %arg10[%add3A_218, %dma_wait3A_219] : memref<80x128xi32, #tpu.memory_space<vmem>> -> memref<1x128xi32, #tpu.memory_space<vmem>>
      %dma_wait3A_221 = tpu.memref_squeeze %dma_wait3A_220 : memref<1x128xi32, #tpu.memory_space<vmem>> -> memref<128xi32, #tpu.memory_space<vmem>>
      %dma_wait3A_222 = arith.constant 0 : i32
      %dma_wait3A_223 = arith.constant 0 : i32
      %dma_wait3A_224 = tpu.memref_slice %arg7[%dma_wait3A_222, %dma_wait3A_223] : memref<10112x40xf32, #tpu.memory_space<vmem_shared>> -> memref<10112x40xf32, #tpu.memory_space<vmem_shared>>
      tpu.wait_indirect_dma semaphore(%arg29 : memref<!tpu.dma_semaphore, #tpu.memory_space<semaphore_mem>>) src(%arg13 : memref<128x40xf32, #tpu.memory_space<vmem>>) dst(%dma_wait3A_224 : memref<10112x40xf32, #tpu.memory_space<vmem_shared>>)
      %add3A_225 = arith.constant 8 : i32
      %add3A_226 = arith.addi %add3A_218, %add3A_225 : i32
      %lt3A_227 = arith.constant 80 : i32
      %lt3A_228 = arith.cmpi slt, %add3A_226, %lt3A_227 : i32
      %convert_element_type3A_229 = arith.extui %lt3A_228 : i1 to i32
      %cond3A_230 = arith.constant 0 : i32
      %cond3A_231 = arith.cmpi ne, %convert_element_type3A_229, %cond3A_230 : i32
      scf.if %cond3A_231 {
        %add3A_308 = arith.constant 8 : i32
        %add3A_309 = arith.addi %add3A_218, %add3A_308 : i32
        %dma_start3A_310 = arith.constant 0 : i32
        %dma_start3A_311 = tpu.memref_slice %arg9[%add3A_309, %dma_start3A_310] : memref<80x128xi32, #tpu.memory_space<vmem>> -> memref<1x128xi32, #tpu.memory_space<vmem>>
        %dma_start3A_312 = tpu.memref_squeeze %dma_start3A_311 : memref<1x128xi32, #tpu.memory_space<vmem>> -> memref<128xi32, #tpu.memory_space<vmem>>
        %dma_start3A_313 = arith.constant 0 : i32
        %dma_start3A_314 = arith.constant 0 : i32
        %dma_start3A_315 = tpu.memref_slice %arg8[%dma_start3A_313, %dma_start3A_314] : memref<10112x40xf32, #tpu.memory_space<vmem_shared>> -> memref<10112x40xf32, #tpu.memory_space<vmem_shared>>
        tpu.enqueue_indirect_dma source(%dma_start3A_315 : memref<10112x40xf32, #tpu.memory_space<vmem_shared>>) target(%arg13 : memref<128x40xf32, #tpu.memory_space<vmem>>) offsets(%dma_start3A_312 : memref<128xi32, #tpu.memory_space<vmem>>) semaphore(%arg21 : memref<!tpu.dma_semaphore, #tpu.memory_space<semaphore_mem>>)
      } else {
      }
      %add3A_232 = arith.constant 3 : i32
      %add3A_233 = arith.addi %mul3A_78, %add3A_232 : i32
      %dma_wait3A_234 = arith.constant 0 : i32
      %dma_wait3A_235 = tpu.memref_slice %arg10[%add3A_233, %dma_wait3A_234] : memref<80x128xi32, #tpu.memory_space<vmem>> -> memref<1x128xi32, #tpu.memory_space<vmem>>
      %dma_wait3A_236 = tpu.memref_squeeze %dma_wait3A_235 : memref<1x128xi32, #tpu.memory_space<vmem>> -> memref<128xi32, #tpu.memory_space<vmem>>
      %dma_wait3A_237 = arith.constant 0 : i32
      %dma_wait3A_238 = arith.constant 0 : i32
      %dma_wait3A_239 = tpu.memref_slice %arg7[%dma_wait3A_237, %dma_wait3A_238] : memref<10112x40xf32, #tpu.memory_space<vmem_shared>> -> memref<10112x40xf32, #tpu.memory_space<vmem_shared>>
      tpu.wait_indirect_dma semaphore(%arg30 : memref<!tpu.dma_semaphore, #tpu.memory_space<semaphore_mem>>) src(%arg14 : memref<128x40xf32, #tpu.memory_space<vmem>>) dst(%dma_wait3A_239 : memref<10112x40xf32, #tpu.memory_space<vmem_shared>>)
      %add3A_240 = arith.constant 8 : i32
      %add3A_241 = arith.addi %add3A_233, %add3A_240 : i32
      %lt3A_242 = arith.constant 80 : i32
      %lt3A_243 = arith.cmpi slt, %add3A_241, %lt3A_242 : i32
      %convert_element_type3A_244 = arith.extui %lt3A_243 : i1 to i32
      %cond3A_245 = arith.constant 0 : i32
      %cond3A_246 = arith.cmpi ne, %convert_element_type3A_244, %cond3A_245 : i32
      scf.if %cond3A_246 {
        %add3A_308 = arith.constant 8 : i32
        %add3A_309 = arith.addi %add3A_233, %add3A_308 : i32
        %dma_start3A_310 = arith.constant 0 : i32
        %dma_start3A_311 = tpu.memref_slice %arg9[%add3A_309, %dma_start3A_310] : memref<80x128xi32, #tpu.memory_space<vmem>> -> memref<1x128xi32, #tpu.memory_space<vmem>>
        %dma_start3A_312 = tpu.memref_squeeze %dma_start3A_311 : memref<1x128xi32, #tpu.memory_space<vmem>> -> memref<128xi32, #tpu.memory_space<vmem>>
        %dma_start3A_313 = arith.constant 0 : i32
        %dma_start3A_314 = arith.constant 0 : i32
        %dma_start3A_315 = tpu.memref_slice %arg8[%dma_start3A_313, %dma_start3A_314] : memref<10112x40xf32, #tpu.memory_space<vmem_shared>> -> memref<10112x40xf32, #tpu.memory_space<vmem_shared>>
        tpu.enqueue_indirect_dma source(%dma_start3A_315 : memref<10112x40xf32, #tpu.memory_space<vmem_shared>>) target(%arg14 : memref<128x40xf32, #tpu.memory_space<vmem>>) offsets(%dma_start3A_312 : memref<128xi32, #tpu.memory_space<vmem>>) semaphore(%arg22 : memref<!tpu.dma_semaphore, #tpu.memory_space<semaphore_mem>>)
      } else {
      }
      %add3A_247 = arith.constant 4 : i32
      %add3A_248 = arith.addi %mul3A_78, %add3A_247 : i32
      %dma_wait3A_249 = arith.constant 0 : i32
      %dma_wait3A_250 = tpu.memref_slice %arg10[%add3A_248, %dma_wait3A_249] : memref<80x128xi32, #tpu.memory_space<vmem>> -> memref<1x128xi32, #tpu.memory_space<vmem>>
      %dma_wait3A_251 = tpu.memref_squeeze %dma_wait3A_250 : memref<1x128xi32, #tpu.memory_space<vmem>> -> memref<128xi32, #tpu.memory_space<vmem>>
      %dma_wait3A_252 = arith.constant 0 : i32
      %dma_wait3A_253 = arith.constant 0 : i32
      %dma_wait3A_254 = tpu.memref_slice %arg7[%dma_wait3A_252, %dma_wait3A_253] : memref<10112x40xf32, #tpu.memory_space<vmem_shared>> -> memref<10112x40xf32, #tpu.memory_space<vmem_shared>>
      tpu.wait_indirect_dma semaphore(%arg31 : memref<!tpu.dma_semaphore, #tpu.memory_space<semaphore_mem>>) src(%arg15 : memref<128x40xf32, #tpu.memory_space<vmem>>) dst(%dma_wait3A_254 : memref<10112x40xf32, #tpu.memory_space<vmem_shared>>)
      %add3A_255 = arith.constant 8 : i32
      %add3A_256 = arith.addi %add3A_248, %add3A_255 : i32
      %lt3A_257 = arith.constant 80 : i32
      %lt3A_258 = arith.cmpi slt, %add3A_256, %lt3A_257 : i32
      %convert_element_type3A_259 = arith.extui %lt3A_258 : i1 to i32
      %cond3A_260 = arith.constant 0 : i32
      %cond3A_261 = arith.cmpi ne, %convert_element_type3A_259, %cond3A_260 : i32
      scf.if %cond3A_261 {
        %add3A_308 = arith.constant 8 : i32
        %add3A_309 = arith.addi %add3A_248, %add3A_308 : i32
        %dma_start3A_310 = arith.constant 0 : i32
        %dma_start3A_311 = tpu.memref_slice %arg9[%add3A_309, %dma_start3A_310] : memref<80x128xi32, #tpu.memory_space<vmem>> -> memref<1x128xi32, #tpu.memory_space<vmem>>
        %dma_start3A_312 = tpu.memref_squeeze %dma_start3A_311 : memref<1x128xi32, #tpu.memory_space<vmem>> -> memref<128xi32, #tpu.memory_space<vmem>>
        %dma_start3A_313 = arith.constant 0 : i32
        %dma_start3A_314 = arith.constant 0 : i32
        %dma_start3A_315 = tpu.memref_slice %arg8[%dma_start3A_313, %dma_start3A_314] : memref<10112x40xf32, #tpu.memory_space<vmem_shared>> -> memref<10112x40xf32, #tpu.memory_space<vmem_shared>>
        tpu.enqueue_indirect_dma source(%dma_start3A_315 : memref<10112x40xf32, #tpu.memory_space<vmem_shared>>) target(%arg15 : memref<128x40xf32, #tpu.memory_space<vmem>>) offsets(%dma_start3A_312 : memref<128xi32, #tpu.memory_space<vmem>>) semaphore(%arg23 : memref<!tpu.dma_semaphore, #tpu.memory_space<semaphore_mem>>)
      } else {
      }
      %add3A_262 = arith.constant 5 : i32
      %add3A_263 = arith.addi %mul3A_78, %add3A_262 : i32
      %dma_wait3A_264 = arith.constant 0 : i32
      %dma_wait3A_265 = tpu.memref_slice %arg10[%add3A_263, %dma_wait3A_264] : memref<80x128xi32, #tpu.memory_space<vmem>> -> memref<1x128xi32, #tpu.memory_space<vmem>>
      %dma_wait3A_266 = tpu.memref_squeeze %dma_wait3A_265 : memref<1x128xi32, #tpu.memory_space<vmem>> -> memref<128xi32, #tpu.memory_space<vmem>>
      %dma_wait3A_267 = arith.constant 0 : i32
      %dma_wait3A_268 = arith.constant 0 : i32
      %dma_wait3A_269 = tpu.memref_slice %arg7[%dma_wait3A_267, %dma_wait3A_268] : memref<10112x40xf32, #tpu.memory_space<vmem_shared>> -> memref<10112x40xf32, #tpu.memory_space<vmem_shared>>
      tpu.wait_indirect_dma semaphore(%arg32 : memref<!tpu.dma_semaphore, #tpu.memory_space<semaphore_mem>>) src(%arg16 : memref<128x40xf32, #tpu.memory_space<vmem>>) dst(%dma_wait3A_269 : memref<10112x40xf32, #tpu.memory_space<vmem_shared>>)
      %add3A_270 = arith.constant 8 : i32
      %add3A_271 = arith.addi %add3A_263, %add3A_270 : i32
      %lt3A_272 = arith.constant 80 : i32
      %lt3A_273 = arith.cmpi slt, %add3A_271, %lt3A_272 : i32
      %convert_element_type3A_274 = arith.extui %lt3A_273 : i1 to i32
      %cond3A_275 = arith.constant 0 : i32
      %cond3A_276 = arith.cmpi ne, %convert_element_type3A_274, %cond3A_275 : i32
      scf.if %cond3A_276 {
        %add3A_308 = arith.constant 8 : i32
        %add3A_309 = arith.addi %add3A_263, %add3A_308 : i32
        %dma_start3A_310 = arith.constant 0 : i32
        %dma_start3A_311 = tpu.memref_slice %arg9[%add3A_309, %dma_start3A_310] : memref<80x128xi32, #tpu.memory_space<vmem>> -> memref<1x128xi32, #tpu.memory_space<vmem>>
        %dma_start3A_312 = tpu.memref_squeeze %dma_start3A_311 : memref<1x128xi32, #tpu.memory_space<vmem>> -> memref<128xi32, #tpu.memory_space<vmem>>
        %dma_start3A_313 = arith.constant 0 : i32
        %dma_start3A_314 = arith.constant 0 : i32
        %dma_start3A_315 = tpu.memref_slice %arg8[%dma_start3A_313, %dma_start3A_314] : memref<10112x40xf32, #tpu.memory_space<vmem_shared>> -> memref<10112x40xf32, #tpu.memory_space<vmem_shared>>
        tpu.enqueue_indirect_dma source(%dma_start3A_315 : memref<10112x40xf32, #tpu.memory_space<vmem_shared>>) target(%arg16 : memref<128x40xf32, #tpu.memory_space<vmem>>) offsets(%dma_start3A_312 : memref<128xi32, #tpu.memory_space<vmem>>) semaphore(%arg24 : memref<!tpu.dma_semaphore, #tpu.memory_space<semaphore_mem>>)
      } else {
      }
      %add3A_277 = arith.constant 6 : i32
      %add3A_278 = arith.addi %mul3A_78, %add3A_277 : i32
      %dma_wait3A_279 = arith.constant 0 : i32
      %dma_wait3A_280 = tpu.memref_slice %arg10[%add3A_278, %dma_wait3A_279] : memref<80x128xi32, #tpu.memory_space<vmem>> -> memref<1x128xi32, #tpu.memory_space<vmem>>
      %dma_wait3A_281 = tpu.memref_squeeze %dma_wait3A_280 : memref<1x128xi32, #tpu.memory_space<vmem>> -> memref<128xi32, #tpu.memory_space<vmem>>
      %dma_wait3A_282 = arith.constant 0 : i32
      %dma_wait3A_283 = arith.constant 0 : i32
      %dma_wait3A_284 = tpu.memref_slice %arg7[%dma_wait3A_282, %dma_wait3A_283] : memref<10112x40xf32, #tpu.memory_space<vmem_shared>> -> memref<10112x40xf32, #tpu.memory_space<vmem_shared>>
      tpu.wait_indirect_dma semaphore(%arg33 : memref<!tpu.dma_semaphore, #tpu.memory_space<semaphore_mem>>) src(%arg17 : memref<128x40xf32, #tpu.memory_space<vmem>>) dst(%dma_wait3A_284 : memref<10112x40xf32, #tpu.memory_space<vmem_shared>>)
      %add3A_285 = arith.constant 8 : i32
      %add3A_286 = arith.addi %add3A_278, %add3A_285 : i32
      %lt3A_287 = arith.constant 80 : i32
      %lt3A_288 = arith.cmpi slt, %add3A_286, %lt3A_287 : i32
      %convert_element_type3A_289 = arith.extui %lt3A_288 : i1 to i32
      %cond3A_290 = arith.constant 0 : i32
      %cond3A_291 = arith.cmpi ne, %convert_element_type3A_289, %cond3A_290 : i32
      scf.if %cond3A_291 {
        %add3A_308 = arith.constant 8 : i32
        %add3A_309 = arith.addi %add3A_278, %add3A_308 : i32
        %dma_start3A_310 = arith.constant 0 : i32
        %dma_start3A_311 = tpu.memref_slice %arg9[%add3A_309, %dma_start3A_310] : memref<80x128xi32, #tpu.memory_space<vmem>> -> memref<1x128xi32, #tpu.memory_space<vmem>>
        %dma_start3A_312 = tpu.memref_squeeze %dma_start3A_311 : memref<1x128xi32, #tpu.memory_space<vmem>> -> memref<128xi32, #tpu.memory_space<vmem>>
        %dma_start3A_313 = arith.constant 0 : i32
        %dma_start3A_314 = arith.constant 0 : i32
        %dma_start3A_315 = tpu.memref_slice %arg8[%dma_start3A_313, %dma_start3A_314] : memref<10112x40xf32, #tpu.memory_space<vmem_shared>> -> memref<10112x40xf32, #tpu.memory_space<vmem_shared>>
        tpu.enqueue_indirect_dma source(%dma_start3A_315 : memref<10112x40xf32, #tpu.memory_space<vmem_shared>>) target(%arg17 : memref<128x40xf32, #tpu.memory_space<vmem>>) offsets(%dma_start3A_312 : memref<128xi32, #tpu.memory_space<vmem>>) semaphore(%arg25 : memref<!tpu.dma_semaphore, #tpu.memory_space<semaphore_mem>>)
      } else {
      }
      %add3A_292 = arith.constant 7 : i32
      %add3A_293 = arith.addi %mul3A_78, %add3A_292 : i32
      %dma_wait3A_294 = arith.constant 0 : i32
      %dma_wait3A_295 = tpu.memref_slice %arg10[%add3A_293, %dma_wait3A_294] : memref<80x128xi32, #tpu.memory_space<vmem>> -> memref<1x128xi32, #tpu.memory_space<vmem>>
      %dma_wait3A_296 = tpu.memref_squeeze %dma_wait3A_295 : memref<1x128xi32, #tpu.memory_space<vmem>> -> memref<128xi32, #tpu.memory_space<vmem>>
      %dma_wait3A_297 = arith.constant 0 : i32
      %dma_wait3A_298 = arith.constant 0 : i32
      %dma_wait3A_299 = tpu.memref_slice %arg7[%dma_wait3A_297, %dma_wait3A_298] : memref<10112x40xf32, #tpu.memory_space<vmem_shared>> -> memref<10112x40xf32, #tpu.memory_space<vmem_shared>>
      tpu.wait_indirect_dma semaphore(%arg34 : memref<!tpu.dma_semaphore, #tpu.memory_space<semaphore_mem>>) src(%arg18 : memref<128x40xf32, #tpu.memory_space<vmem>>) dst(%dma_wait3A_299 : memref<10112x40xf32, #tpu.memory_space<vmem_shared>>)
      %add3A_300 = arith.constant 8 : i32
      %add3A_301 = arith.addi %add3A_293, %add3A_300 : i32
      %lt3A_302 = arith.constant 80 : i32
      %lt3A_303 = arith.cmpi slt, %add3A_301, %lt3A_302 : i32
      %convert_element_type3A_304 = arith.extui %lt3A_303 : i1 to i32
      %cond3A_305 = arith.constant 0 : i32
      %cond3A_306 = arith.cmpi ne, %convert_element_type3A_304, %cond3A_305 : i32
      scf.if %cond3A_306 {
        %add3A_308 = arith.constant 8 : i32
        %add3A_309 = arith.addi %add3A_293, %add3A_308 : i32
        %dma_start3A_310 = arith.constant 0 : i32
        %dma_start3A_311 = tpu.memref_slice %arg9[%add3A_309, %dma_start3A_310] : memref<80x128xi32, #tpu.memory_space<vmem>> -> memref<1x128xi32, #tpu.memory_space<vmem>>
        %dma_start3A_312 = tpu.memref_squeeze %dma_start3A_311 : memref<1x128xi32, #tpu.memory_space<vmem>> -> memref<128xi32, #tpu.memory_space<vmem>>
        %dma_start3A_313 = arith.constant 0 : i32
        %dma_start3A_314 = arith.constant 0 : i32
        %dma_start3A_315 = tpu.memref_slice %arg8[%dma_start3A_313, %dma_start3A_314] : memref<10112x40xf32, #tpu.memory_space<vmem_shared>> -> memref<10112x40xf32, #tpu.memory_space<vmem_shared>>
        tpu.enqueue_indirect_dma source(%dma_start3A_315 : memref<10112x40xf32, #tpu.memory_space<vmem_shared>>) target(%arg18 : memref<128x40xf32, #tpu.memory_space<vmem>>) offsets(%dma_start3A_312 : memref<128xi32, #tpu.memory_space<vmem>>) semaphore(%arg26 : memref<!tpu.dma_semaphore, #tpu.memory_space<semaphore_mem>>)
      } else {
      }
      %scan3A_307 = arith.constant 0 : i32
      scf.yield %scan3A_307 : i32
    }
    %scan3A_69 = arith.constant 10 : i32
    %barrier3A_70 = arith.constant 0 : index
    tpu.barrier barrier_id(%barrier3A_70)
    %mul3A_71 = arith.constant 632 : i32
    %mul3A_72 = arith.muli %arg1, %mul3A_71 : i32
    %mul3A_73 = arith.constant 632 : i32
    %mul3A_74 = arith.muli %arg1, %mul3A_73 : i32
    "tpu.region"() ({
      %run_scoped3A = tpu.sem_alloc : memref<!tpu.dma_semaphore, #tpu.memory_space<semaphore_mem>>
      %dma_start3A_75 = arith.constant 0 : i32
      %dma_start3A_76 = tpu.memref_slice %arg6[%arg0, %mul3A_74, %dma_start3A_75] : memref<2x10112x40xf32, #tpu.memory_space<hbm>> -> memref<1x632x40xf32, #tpu.memory_space<hbm>>
      %dma_start3A_77 = tpu.memref_squeeze %dma_start3A_76 : memref<1x632x40xf32, #tpu.memory_space<hbm>> -> memref<632x40xf32, #tpu.memory_space<hbm>>
      %dma_start3A_78 = arith.constant 0 : i32
      %dma_start3A_79 = tpu.memref_slice %arg7[%mul3A_72, %dma_start3A_78] : memref<10112x40xf32, #tpu.memory_space<vmem_shared>> -> memref<632x40xf32, #tpu.memory_space<vmem_shared>>
      tpu.enqueue_dma source(%dma_start3A_79 : memref<632x40xf32, #tpu.memory_space<vmem_shared>>) target(%dma_start3A_77 : memref<632x40xf32, #tpu.memory_space<hbm>>) target_semaphore(%run_scoped3A : memref<!tpu.dma_semaphore, #tpu.memory_space<semaphore_mem>>)
      %dma_wait3A = arith.constant 0 : i32
      %dma_wait3A_80 = tpu.memref_slice %arg6[%arg0, %mul3A_74, %dma_wait3A] : memref<2x10112x40xf32, #tpu.memory_space<hbm>> -> memref<1x632x40xf32, #tpu.memory_space<hbm>>
      %dma_wait3A_81 = tpu.memref_squeeze %dma_wait3A_80 : memref<1x632x40xf32, #tpu.memory_space<hbm>> -> memref<632x40xf32, #tpu.memory_space<hbm>>
      %dma_wait3A_82 = arith.constant 0 : i32
      %dma_wait3A_83 = tpu.memref_slice %arg7[%mul3A_72, %dma_wait3A_82] : memref<10112x40xf32, #tpu.memory_space<vmem_shared>> -> memref<632x40xf32, #tpu.memory_space<vmem_shared>>
      tpu.wait_dma2 semaphore(%run_scoped3A : memref<!tpu.dma_semaphore, #tpu.memory_space<semaphore_mem>>) src(%dma_wait3A_83 : memref<632x40xf32, #tpu.memory_space<vmem_shared>>) dst(%dma_wait3A_81 : memref<632x40xf32, #tpu.memory_space<hbm>>)
      tpu.yield
    }) : () -> ()
    return
  }
}

module attributes {stable_mosaic.version = 14 : i64} {
  func.func @_proj_body(%arg0: i32, %arg1: memref<4x128x2048xf32, #tpu.memory_space<vmem>>, %arg2: memref<128x10xf32, #tpu.memory_space<vmem>>, %arg3: memref<32x2x2048xf32, #tpu.memory_space<vmem>>, %arg4: memref<2048x40xf32, #tpu.memory_space<vmem>>, %arg5: memref<2x2048xf32, #tpu.memory_space<vmem>>) attributes {dimension_semantics = [#tpu.dimension_semantics<arbitrary>], iteration_bounds = array<i64: 5>, scalar_prefetch = 0 : i64, scratch_operands = 0 : i64, tpu.core_type = #tpu.core_type<tc>, window_params = [{transform_indices = @transform_0, window_bounds = array<i64: 4, 128, 2048>}, {pipeline_mode = #tpu.pipeline_mode<synchronous>, transform_indices = @transform_1, window_bounds = array<i64: 128, 10>}, {transform_indices = @transform_2, window_bounds = array<i64: 32, 2, 2048>}, {transform_indices = @transform_3, window_bounds = array<i64: 2048, 40>}, {transform_indices = @transform_4, window_bounds = array<i64: 2, 2048>}]} {
    %get3A = arith.constant 0 : index
    %get3A_0 = arith.constant 0 : index
    %get3A_1 = arith.constant 0 : index
    %get3A_2 = vector.load %arg3[%get3A, %get3A_0, %get3A_1] : memref<32x2x2048xf32, #tpu.memory_space<vmem>>, vector<32x2x2048xf32>
    %reduce_sum3A = arith.constant dense<0.000000e+00> : vector<2x2048xf32>
    %reduce_sum3A_3 = vector.multi_reduction <add>, %get3A_2, %reduce_sum3A [0] : vector<32x2x2048xf32> to vector<2x2048xf32>
    %max3A = arith.constant 1.000000e+00 : f32
    %max3A_4 = vector.broadcast %max3A : f32 to vector<2x2048xf32>
    %max3A_5 = arith.maximumf %reduce_sum3A_3, %max3A_4 : vector<2x2048xf32>
    %rsqrt3A = math.rsqrt %max3A_5 : vector<2x2048xf32>
    %swap3A = arith.constant 0 : index
    %swap3A_6 = arith.constant 0 : index
    %swap3A_7 = vector.load %arg5[%swap3A, %swap3A_6] : memref<2x2048xf32, #tpu.memory_space<vmem>>, vector<2x2048xf32>
    tpu.vector_store %arg5[%swap3A, %swap3A_6], %rsqrt3A {strides = array<i32>} : memref<2x2048xf32, #tpu.memory_space<vmem>>, vector<2x2048xf32>,
    %slice3A = vector.extract_strided_slice %rsqrt3A {offsets = [0, 0], sizes = [1, 2048], strides = [1, 1]} : vector<2x2048xf32> to vector<1x2048xf32>
    %squeeze3A = vector.shape_cast %slice3A : vector<1x2048xf32> to vector<2048xf32>
    %get3A_8 = arith.constant 0 : index
    %get3A_9 = arith.constant 0 : index
    %get3A_10 = vector.load %arg2[%get3A_8, %get3A_9] : memref<128x10xf32, #tpu.memory_space<vmem>>, vector<128x10xf32>
    %get3A_11 = arith.constant 0 : index
    %get3A_12 = arith.constant 0 : index
    %get3A_13 = arith.constant 0 : index
    %get3A_14 = vector.load %arg1[%get3A_11, %get3A_12, %get3A_13] : memref<4x128x2048xf32, #tpu.memory_space<vmem>>, vector<1x128x2048xf32>
    %get3A_15 = vector.shape_cast %get3A_14 : vector<1x128x2048xf32> to vector<128x2048xf32>
    %broadcast_in_dim3A = vector.shape_cast %squeeze3A : vector<2048xf32> to vector<1x2048xf32>
    %mul3A = vector.broadcast %broadcast_in_dim3A : vector<1x2048xf32> to vector<128x2048xf32>
    %mul3A_16 = arith.mulf %get3A_15, %mul3A : vector<128x2048xf32>
    %dot_general3A = arith.constant dense<0.000000e+00> : vector<2048x10xf32>
    %dot_general3A_17 = tpu.matmul %mul3A_16, %get3A_10, %dot_general3A {dimension_numbers = #tpu.dot_dimension_numbers<[0], [0], [1], [1], [0, 1, 1, 1], [], []>, transpose_lhs_hint = false} : vector<128x2048xf32>, vector<128x10xf32>, vector<2048x10xf32> -> vector<2048x10xf32>
    %get3A_18 = arith.constant 1 : index
    %get3A_19 = arith.constant 0 : index
    %get3A_20 = arith.constant 0 : index
    %get3A_21 = vector.load %arg1[%get3A_18, %get3A_19, %get3A_20] : memref<4x128x2048xf32, #tpu.memory_space<vmem>>, vector<1x128x2048xf32>
    %get3A_22 = vector.shape_cast %get3A_21 : vector<1x128x2048xf32> to vector<128x2048xf32>
    %broadcast_in_dim3A_23 = vector.shape_cast %squeeze3A : vector<2048xf32> to vector<1x2048xf32>
    %mul3A_24 = vector.broadcast %broadcast_in_dim3A_23 : vector<1x2048xf32> to vector<128x2048xf32>
    %mul3A_25 = arith.mulf %get3A_22, %mul3A_24 : vector<128x2048xf32>
    %dot_general3A_26 = arith.constant dense<0.000000e+00> : vector<2048x10xf32>
    %dot_general3A_27 = tpu.matmul %mul3A_25, %get3A_10, %dot_general3A_26 {dimension_numbers = #tpu.dot_dimension_numbers<[0], [0], [1], [1], [0, 1, 1, 1], [], []>, transpose_lhs_hint = false} : vector<128x2048xf32>, vector<128x10xf32>, vector<2048x10xf32> -> vector<2048x10xf32>
    %get3A_28 = arith.constant 2 : index
    %get3A_29 = arith.constant 0 : index
    %get3A_30 = arith.constant 0 : index
    %get3A_31 = vector.load %arg1[%get3A_28, %get3A_29, %get3A_30] : memref<4x128x2048xf32, #tpu.memory_space<vmem>>, vector<1x128x2048xf32>
    %get3A_32 = vector.shape_cast %get3A_31 : vector<1x128x2048xf32> to vector<128x2048xf32>
    %broadcast_in_dim3A_33 = vector.shape_cast %squeeze3A : vector<2048xf32> to vector<1x2048xf32>
    %mul3A_34 = vector.broadcast %broadcast_in_dim3A_33 : vector<1x2048xf32> to vector<128x2048xf32>
    %mul3A_35 = arith.mulf %get3A_32, %mul3A_34 : vector<128x2048xf32>
    %dot_general3A_36 = arith.constant dense<0.000000e+00> : vector<2048x10xf32>
    %dot_general3A_37 = tpu.matmul %mul3A_35, %get3A_10, %dot_general3A_36 {dimension_numbers = #tpu.dot_dimension_numbers<[0], [0], [1], [1], [0, 1, 1, 1], [], []>, transpose_lhs_hint = false} : vector<128x2048xf32>, vector<128x10xf32>, vector<2048x10xf32> -> vector<2048x10xf32>
    %get3A_38 = arith.constant 3 : index
    %get3A_39 = arith.constant 0 : index
    %get3A_40 = arith.constant 0 : index
    %get3A_41 = vector.load %arg1[%get3A_38, %get3A_39, %get3A_40] : memref<4x128x2048xf32, #tpu.memory_space<vmem>>, vector<1x128x2048xf32>
    %get3A_42 = vector.shape_cast %get3A_41 : vector<1x128x2048xf32> to vector<128x2048xf32>
    %broadcast_in_dim3A_43 = vector.shape_cast %squeeze3A : vector<2048xf32> to vector<1x2048xf32>
    %mul3A_44 = vector.broadcast %broadcast_in_dim3A_43 : vector<1x2048xf32> to vector<128x2048xf32>
    %mul3A_45 = arith.mulf %get3A_42, %mul3A_44 : vector<128x2048xf32>
    %dot_general3A_46 = arith.constant dense<0.000000e+00> : vector<2048x10xf32>
    %dot_general3A_47 = tpu.matmul %mul3A_45, %get3A_10, %dot_general3A_46 {dimension_numbers = #tpu.dot_dimension_numbers<[0], [0], [1], [1], [0, 1, 1, 1], [], []>, transpose_lhs_hint = false} : vector<128x2048xf32>, vector<128x10xf32>, vector<2048x10xf32> -> vector<2048x10xf32>
    %concatenate3A = tpu.concatenate %dot_general3A_17, %dot_general3A_27, %dot_general3A_37, %dot_general3A_47 in 1 : vector<2048x10xf32>, vector<2048x10xf32>, vector<2048x10xf32>, vector<2048x10xf32> -> vector<2048x40xf32>
    %swap3A_48 = arith.constant 0 : index
    %swap3A_49 = arith.constant 0 : index
    %swap3A_50 = vector.load %arg4[%swap3A_48, %swap3A_49] : memref<2048x40xf32, #tpu.memory_space<vmem>>, vector<2048x40xf32>
    tpu.vector_store %arg4[%swap3A_48, %swap3A_49], %concatenate3A {strides = array<i32>} : memref<2048x40xf32, #tpu.memory_space<vmem>>, vector<2048x40xf32>,
    return
  }
  func.func @transform_0(%arg0: i32) -> (i32, i32, i32) {
    %c0_i32 = arith.constant 0 : i32
    %c0_i32_0 = arith.constant 0 : i32
    %c0_i32_1 = arith.constant 0 : i32
    return %c0_i32, %c0_i32_0, %arg0 : i32, i32, i32
  }
  func.func @transform_1(%arg0: i32) -> (i32, i32) {
    %c0_i32 = arith.constant 0 : i32
    %c0_i32_0 = arith.constant 0 : i32
    %c0_i32_1 = arith.constant 0 : i32
    return %c0_i32, %c0_i32_0 : i32, i32
  }
  func.func @transform_2(%arg0: i32) -> (i32, i32, i32) {
    %c0_i32 = arith.constant 0 : i32
    %c0_i32_0 = arith.constant 0 : i32
    %c0_i32_1 = arith.constant 0 : i32
    return %c0_i32, %c0_i32_0, %arg0 : i32, i32, i32
  }
  func.func @transform_3(%arg0: i32) -> (i32, i32) {
    %c0_i32 = arith.constant 0 : i32
    %c0_i32_0 = arith.constant 0 : i32
    return %arg0, %c0_i32 : i32, i32
  }
  func.func @transform_4(%arg0: i32) -> (i32, i32) {
    %c0_i32 = arith.constant 0 : i32
    %c0_i32_0 = arith.constant 0 : i32
    return %c0_i32, %arg0 : i32, i32
  }
}

module attributes {stable_mosaic.version = 14 : i64} {
  func.func @_mid_body(%arg0: memref<2x10112x40xf32, #tpu.memory_space<vmem>>, %arg1: memref<2x10112xf32, #tpu.memory_space<vmem>>, %arg2: memref<40x40xf32, #tpu.memory_space<vmem>>, %arg3: memref<40xf32, #tpu.memory_space<vmem>>, %arg4: memref<40xf32, #tpu.memory_space<vmem>>, %arg5: memref<40xf32, #tpu.memory_space<vmem>>, %arg6: memref<10112x40xf32, #tpu.memory_space<vmem>>) attributes {dimension_semantics = [], scalar_prefetch = 0 : i64, scratch_operands = 0 : i64, tpu.core_type = #tpu.core_type<tc>} {
    %get3A = arith.constant 0 : index
    %get3A_0 = arith.constant 0 : index
    %get3A_1 = arith.constant 0 : index
    %get3A_2 = vector.load %arg0[%get3A, %get3A_0, %get3A_1] : memref<2x10112x40xf32, #tpu.memory_space<vmem>>, vector<1x10000x40xf32>
    %get3A_3 = vector.shape_cast %get3A_2 : vector<1x10000x40xf32> to vector<10000x40xf32>
    %get3A_4 = arith.constant 1 : index
    %get3A_5 = arith.constant 0 : index
    %get3A_6 = arith.constant 0 : index
    %get3A_7 = vector.load %arg0[%get3A_4, %get3A_5, %get3A_6] : memref<2x10112x40xf32, #tpu.memory_space<vmem>>, vector<1x10000x40xf32>
    %get3A_8 = vector.shape_cast %get3A_7 : vector<1x10000x40xf32> to vector<10000x40xf32>
    %add3A = arith.addf %get3A_3, %get3A_8 : vector<10000x40xf32>
    %get3A_9 = arith.constant 0 : index
    %get3A_10 = arith.constant 0 : index
    %get3A_11 = vector.load %arg1[%get3A_9, %get3A_10] : memref<2x10112xf32, #tpu.memory_space<vmem>>, vector<1x10000xf32>
    %get3A_12 = vector.shape_cast %get3A_11 : vector<1x10000xf32> to vector<10000xf32>
    %get3A_13 = arith.constant 1 : index
    %get3A_14 = arith.constant 0 : index
    %get3A_15 = vector.load %arg1[%get3A_13, %get3A_14] : memref<2x10112xf32, #tpu.memory_space<vmem>>, vector<1x10000xf32>
    %get3A_16 = vector.shape_cast %get3A_15 : vector<1x10000xf32> to vector<10000xf32>
    %broadcast_in_dim3A = vector.shape_cast %get3A_16 : vector<10000xf32> to vector<10000x1xf32>
    %mul3A = vector.broadcast %broadcast_in_dim3A : vector<10000x1xf32> to vector<10000x40xf32>
    %mul3A_17 = arith.mulf %add3A, %mul3A : vector<10000x40xf32>
    %get3A_18 = arith.constant 0 : index
    %get3A_19 = vector.load %arg3[%get3A_18] : memref<40xf32, #tpu.memory_space<vmem>>, vector<40xf32>
    %broadcast_in_dim3A_20 = vector.shape_cast %get3A_19 : vector<40xf32> to vector<1x40xf32>
    %add3A_21 = vector.broadcast %broadcast_in_dim3A_20 : vector<1x40xf32> to vector<10000x40xf32>
    %add3A_22 = arith.addf %mul3A_17, %add3A_21 : vector<10000x40xf32>
    %broadcast_in_dim3A_23 = arith.constant 0.000000e+00 : f32
    %broadcast_in_dim3A_24 = vector.broadcast %broadcast_in_dim3A_23 : f32 to vector<6384x40xf32>
    %concatenate3A = tpu.concatenate %add3A_22, %broadcast_in_dim3A_24 in 0 : vector<10000x40xf32>, vector<6384x40xf32> -> vector<16384x40xf32>
    %slice3A = vector.extract_strided_slice %concatenate3A {offsets = [0, 0], sizes = [8192, 40], strides = [1, 1]} : vector<16384x40xf32> to vector<8192x40xf32>
    %slice3A_25 = vector.extract_strided_slice %concatenate3A {offsets = [8192, 0], sizes = [8192, 40], strides = [1, 1]} : vector<16384x40xf32> to vector<8192x40xf32>
    %add3A_26 = arith.addf %slice3A, %slice3A_25 : vector<8192x40xf32>
    %slice3A_27 = vector.extract_strided_slice %add3A_26 {offsets = [0, 0], sizes = [4096, 40], strides = [1, 1]} : vector<8192x40xf32> to vector<4096x40xf32>
    %slice3A_28 = vector.extract_strided_slice %add3A_26 {offsets = [4096, 0], sizes = [4096, 40], strides = [1, 1]} : vector<8192x40xf32> to vector<4096x40xf32>
    %add3A_29 = arith.addf %slice3A_27, %slice3A_28 : vector<4096x40xf32>
    %slice3A_30 = vector.extract_strided_slice %add3A_29 {offsets = [0, 0], sizes = [2048, 40], strides = [1, 1]} : vector<4096x40xf32> to vector<2048x40xf32>
    %slice3A_31 = vector.extract_strided_slice %add3A_29 {offsets = [2048, 0], sizes = [2048, 40], strides = [1, 1]} : vector<4096x40xf32> to vector<2048x40xf32>
    %add3A_32 = arith.addf %slice3A_30, %slice3A_31 : vector<2048x40xf32>
    %slice3A_33 = vector.extract_strided_slice %add3A_32 {offsets = [0, 0], sizes = [1024, 40], strides = [1, 1]} : vector<2048x40xf32> to vector<1024x40xf32>
    %slice3A_34 = vector.extract_strided_slice %add3A_32 {offsets = [1024, 0], sizes = [1024, 40], strides = [1, 1]} : vector<2048x40xf32> to vector<1024x40xf32>
    %add3A_35 = arith.addf %slice3A_33, %slice3A_34 : vector<1024x40xf32>
    %slice3A_36 = vector.extract_strided_slice %add3A_35 {offsets = [0, 0], sizes = [512, 40], strides = [1, 1]} : vector<1024x40xf32> to vector<512x40xf32>
    %slice3A_37 = vector.extract_strided_slice %add3A_35 {offsets = [512, 0], sizes = [512, 40], strides = [1, 1]} : vector<1024x40xf32> to vector<512x40xf32>
    %add3A_38 = arith.addf %slice3A_36, %slice3A_37 : vector<512x40xf32>
    %slice3A_39 = vector.extract_strided_slice %add3A_38 {offsets = [0, 0], sizes = [256, 40], strides = [1, 1]} : vector<512x40xf32> to vector<256x40xf32>
    %slice3A_40 = vector.extract_strided_slice %add3A_38 {offsets = [256, 0], sizes = [256, 40], strides = [1, 1]} : vector<512x40xf32> to vector<256x40xf32>
    %add3A_41 = arith.addf %slice3A_39, %slice3A_40 : vector<256x40xf32>
    %slice3A_42 = vector.extract_strided_slice %add3A_41 {offsets = [0, 0], sizes = [128, 40], strides = [1, 1]} : vector<256x40xf32> to vector<128x40xf32>
    %slice3A_43 = vector.extract_strided_slice %add3A_41 {offsets = [128, 0], sizes = [128, 40], strides = [1, 1]} : vector<256x40xf32> to vector<128x40xf32>
    %add3A_44 = arith.addf %slice3A_42, %slice3A_43 : vector<128x40xf32>
    %slice3A_45 = vector.extract_strided_slice %add3A_44 {offsets = [0, 0], sizes = [64, 40], strides = [1, 1]} : vector<128x40xf32> to vector<64x40xf32>
    %slice3A_46 = vector.extract_strided_slice %add3A_44 {offsets = [64, 0], sizes = [64, 40], strides = [1, 1]} : vector<128x40xf32> to vector<64x40xf32>
    %add3A_47 = arith.addf %slice3A_45, %slice3A_46 : vector<64x40xf32>
    %slice3A_48 = vector.extract_strided_slice %add3A_47 {offsets = [0, 0], sizes = [32, 40], strides = [1, 1]} : vector<64x40xf32> to vector<32x40xf32>
    %slice3A_49 = vector.extract_strided_slice %add3A_47 {offsets = [32, 0], sizes = [32, 40], strides = [1, 1]} : vector<64x40xf32> to vector<32x40xf32>
    %add3A_50 = arith.addf %slice3A_48, %slice3A_49 : vector<32x40xf32>
    %slice3A_51 = vector.extract_strided_slice %add3A_50 {offsets = [0, 0], sizes = [16, 40], strides = [1, 1]} : vector<32x40xf32> to vector<16x40xf32>
    %slice3A_52 = vector.extract_strided_slice %add3A_50 {offsets = [16, 0], sizes = [16, 40], strides = [1, 1]} : vector<32x40xf32> to vector<16x40xf32>
    %add3A_53 = arith.addf %slice3A_51, %slice3A_52 : vector<16x40xf32>
    %slice3A_54 = vector.extract_strided_slice %add3A_53 {offsets = [0, 0], sizes = [8, 40], strides = [1, 1]} : vector<16x40xf32> to vector<8x40xf32>
    %slice3A_55 = vector.extract_strided_slice %add3A_53 {offsets = [8, 0], sizes = [8, 40], strides = [1, 1]} : vector<16x40xf32> to vector<8x40xf32>
    %add3A_56 = arith.addf %slice3A_54, %slice3A_55 : vector<8x40xf32>
    %reduce_sum3A = arith.constant dense<0.000000e+00> : vector<40xf32>
    %reduce_sum3A_57 = vector.multi_reduction <add>, %add3A_56, %reduce_sum3A [0] : vector<8x40xf32> to vector<40xf32>
    %mul3A_58 = arith.constant 9.99999974E-5 : f32
    %mul3A_59 = vector.broadcast %mul3A_58 : f32 to vector<40xf32>
    %mul3A_60 = arith.mulf %reduce_sum3A_57, %mul3A_59 : vector<40xf32>
    %broadcast_in_dim3A_61 = vector.shape_cast %mul3A_60 : vector<40xf32> to vector<1x40xf32>
    %sub3A = vector.broadcast %broadcast_in_dim3A_61 : vector<1x40xf32> to vector<10000x40xf32>
    %sub3A_62 = arith.subf %add3A_22, %sub3A : vector<10000x40xf32>
    %mul3A_63 = arith.mulf %sub3A_62, %sub3A_62 : vector<10000x40xf32>
    %broadcast_in_dim3A_64 = arith.constant 0.000000e+00 : f32
    %broadcast_in_dim3A_65 = vector.broadcast %broadcast_in_dim3A_64 : f32 to vector<6384x40xf32>
    %concatenate3A_66 = tpu.concatenate %mul3A_63, %broadcast_in_dim3A_65 in 0 : vector<10000x40xf32>, vector<6384x40xf32> -> vector<16384x40xf32>
    %slice3A_67 = vector.extract_strided_slice %concatenate3A_66 {offsets = [0, 0], sizes = [8192, 40], strides = [1, 1]} : vector<16384x40xf32> to vector<8192x40xf32>
    %slice3A_68 = vector.extract_strided_slice %concatenate3A_66 {offsets = [8192, 0], sizes = [8192, 40], strides = [1, 1]} : vector<16384x40xf32> to vector<8192x40xf32>
    %add3A_69 = arith.addf %slice3A_67, %slice3A_68 : vector<8192x40xf32>
    %slice3A_70 = vector.extract_strided_slice %add3A_69 {offsets = [0, 0], sizes = [4096, 40], strides = [1, 1]} : vector<8192x40xf32> to vector<4096x40xf32>
    %slice3A_71 = vector.extract_strided_slice %add3A_69 {offsets = [4096, 0], sizes = [4096, 40], strides = [1, 1]} : vector<8192x40xf32> to vector<4096x40xf32>
    %add3A_72 = arith.addf %slice3A_70, %slice3A_71 : vector<4096x40xf32>
    %slice3A_73 = vector.extract_strided_slice %add3A_72 {offsets = [0, 0], sizes = [2048, 40], strides = [1, 1]} : vector<4096x40xf32> to vector<2048x40xf32>
    %slice3A_74 = vector.extract_strided_slice %add3A_72 {offsets = [2048, 0], sizes = [2048, 40], strides = [1, 1]} : vector<4096x40xf32> to vector<2048x40xf32>
    %add3A_75 = arith.addf %slice3A_73, %slice3A_74 : vector<2048x40xf32>
    %slice3A_76 = vector.extract_strided_slice %add3A_75 {offsets = [0, 0], sizes = [1024, 40], strides = [1, 1]} : vector<2048x40xf32> to vector<1024x40xf32>
    %slice3A_77 = vector.extract_strided_slice %add3A_75 {offsets = [1024, 0], sizes = [1024, 40], strides = [1, 1]} : vector<2048x40xf32> to vector<1024x40xf32>
    %add3A_78 = arith.addf %slice3A_76, %slice3A_77 : vector<1024x40xf32>
    %slice3A_79 = vector.extract_strided_slice %add3A_78 {offsets = [0, 0], sizes = [512, 40], strides = [1, 1]} : vector<1024x40xf32> to vector<512x40xf32>
    %slice3A_80 = vector.extract_strided_slice %add3A_78 {offsets = [512, 0], sizes = [512, 40], strides = [1, 1]} : vector<1024x40xf32> to vector<512x40xf32>
    %add3A_81 = arith.addf %slice3A_79, %slice3A_80 : vector<512x40xf32>
    %slice3A_82 = vector.extract_strided_slice %add3A_81 {offsets = [0, 0], sizes = [256, 40], strides = [1, 1]} : vector<512x40xf32> to vector<256x40xf32>
    %slice3A_83 = vector.extract_strided_slice %add3A_81 {offsets = [256, 0], sizes = [256, 40], strides = [1, 1]} : vector<512x40xf32> to vector<256x40xf32>
    %add3A_84 = arith.addf %slice3A_82, %slice3A_83 : vector<256x40xf32>
    %slice3A_85 = vector.extract_strided_slice %add3A_84 {offsets = [0, 0], sizes = [128, 40], strides = [1, 1]} : vector<256x40xf32> to vector<128x40xf32>
    %slice3A_86 = vector.extract_strided_slice %add3A_84 {offsets = [128, 0], sizes = [128, 40], strides = [1, 1]} : vector<256x40xf32> to vector<128x40xf32>
    %add3A_87 = arith.addf %slice3A_85, %slice3A_86 : vector<128x40xf32>
    %slice3A_88 = vector.extract_strided_slice %add3A_87 {offsets = [0, 0], sizes = [64, 40], strides = [1, 1]} : vector<128x40xf32> to vector<64x40xf32>
    %slice3A_89 = vector.extract_strided_slice %add3A_87 {offsets = [64, 0], sizes = [64, 40], strides = [1, 1]} : vector<128x40xf32> to vector<64x40xf32>
    %add3A_90 = arith.addf %slice3A_88, %slice3A_89 : vector<64x40xf32>
    %slice3A_91 = vector.extract_strided_slice %add3A_90 {offsets = [0, 0], sizes = [32, 40], strides = [1, 1]} : vector<64x40xf32> to vector<32x40xf32>
    %slice3A_92 = vector.extract_strided_slice %add3A_90 {offsets = [32, 0], sizes = [32, 40], strides = [1, 1]} : vector<64x40xf32> to vector<32x40xf32>
    %add3A_93 = arith.addf %slice3A_91, %slice3A_92 : vector<32x40xf32>
    %slice3A_94 = vector.extract_strided_slice %add3A_93 {offsets = [0, 0], sizes = [16, 40], strides = [1, 1]} : vector<32x40xf32> to vector<16x40xf32>
    %slice3A_95 = vector.extract_strided_slice %add3A_93 {offsets = [16, 0], sizes = [16, 40], strides = [1, 1]} : vector<32x40xf32> to vector<16x40xf32>
    %add3A_96 = arith.addf %slice3A_94, %slice3A_95 : vector<16x40xf32>
    %slice3A_97 = vector.extract_strided_slice %add3A_96 {offsets = [0, 0], sizes = [8, 40], strides = [1, 1]} : vector<16x40xf32> to vector<8x40xf32>
    %slice3A_98 = vector.extract_strided_slice %add3A_96 {offsets = [8, 0], sizes = [8, 40], strides = [1, 1]} : vector<16x40xf32> to vector<8x40xf32>
    %add3A_99 = arith.addf %slice3A_97, %slice3A_98 : vector<8x40xf32>
    %reduce_sum3A_100 = arith.constant dense<0.000000e+00> : vector<40xf32>
    %reduce_sum3A_101 = vector.multi_reduction <add>, %add3A_99, %reduce_sum3A_100 [0] : vector<8x40xf32> to vector<40xf32>
    %mul3A_102 = arith.constant 9.99999974E-5 : f32
    %mul3A_103 = vector.broadcast %mul3A_102 : f32 to vector<40xf32>
    %mul3A_104 = arith.mulf %reduce_sum3A_101, %mul3A_103 : vector<40xf32>
    %get3A_105 = arith.constant 0 : index
    %get3A_106 = vector.load %arg4[%get3A_105] : memref<40xf32, #tpu.memory_space<vmem>>, vector<40xf32>
    %broadcast_in_dim3A_107 = vector.shape_cast %get3A_106 : vector<40xf32> to vector<1x40xf32>
    %mul3A_108 = vector.broadcast %broadcast_in_dim3A_107 : vector<1x40xf32> to vector<10000x40xf32>
    %mul3A_109 = arith.mulf %mul3A_108, %sub3A_62 : vector<10000x40xf32>
    %add3A_110 = arith.constant 9.99999974E-6 : f32
    %add3A_111 = vector.broadcast %add3A_110 : f32 to vector<40xf32>
    %add3A_112 = arith.addf %mul3A_104, %add3A_111 : vector<40xf32>
    %sqrt3A = math.sqrt %add3A_112 : vector<40xf32>
    %broadcast_in_dim3A_113 = vector.shape_cast %sqrt3A : vector<40xf32> to vector<1x40xf32>
    %div3A = vector.broadcast %broadcast_in_dim3A_113 : vector<1x40xf32> to vector<10000x40xf32>
    %div3A_114 = arith.divf %mul3A_109, %div3A : vector<10000x40xf32>
    %get3A_115 = arith.constant 0 : index
    %get3A_116 = vector.load %arg5[%get3A_115] : memref<40xf32, #tpu.memory_space<vmem>>, vector<40xf32>
    %broadcast_in_dim3A_117 = vector.shape_cast %get3A_116 : vector<40xf32> to vector<1x40xf32>
    %add3A_118 = vector.broadcast %broadcast_in_dim3A_117 : vector<1x40xf32> to vector<10000x40xf32>
    %add3A_119 = arith.addf %div3A_114, %add3A_118 : vector<10000x40xf32>
    %max3A = arith.constant 0.000000e+00 : f32
    %max3A_120 = vector.broadcast %max3A : f32 to vector<10000x40xf32>
    %max3A_121 = arith.maximumf %add3A_119, %max3A_120 : vector<10000x40xf32>
    %broadcast_in_dim3A_122 = vector.shape_cast %get3A_12 : vector<10000xf32> to vector<10000x1xf32>
    %mul3A_123 = vector.broadcast %broadcast_in_dim3A_122 : vector<10000x1xf32> to vector<10000x40xf32>
    %mul3A_124 = arith.mulf %max3A_121, %mul3A_123 : vector<10000x40xf32>
    %get3A_125 = arith.constant 0 : index
    %get3A_126 = arith.constant 0 : index
    %get3A_127 = vector.load %arg2[%get3A_125, %get3A_126] : memref<40x40xf32, #tpu.memory_space<vmem>>, vector<40x40xf32>
    %dot_general3A = arith.constant dense<0.000000e+00> : vector<10000x40xf32>
    %dot_general3A_128 = tpu.matmul %mul3A_124, %get3A_127, %dot_general3A {dimension_numbers = #tpu.dot_dimension_numbers<[1], [0], [0], [1], [0, 0, 1, 1], [], []>, transpose_lhs_hint = false} : vector<10000x40xf32>, vector<40x40xf32>, vector<10000x40xf32> -> vector<10000x40xf32>
    %broadcast_in_dim3A_129 = arith.constant 0.000000e+00 : f32
    %broadcast_in_dim3A_130 = vector.broadcast %broadcast_in_dim3A_129 : f32 to vector<112x40xf32>
    %concatenate3A_131 = tpu.concatenate %dot_general3A_128, %broadcast_in_dim3A_130 in 0 : vector<10000x40xf32>, vector<112x40xf32> -> vector<10112x40xf32>
    %swap3A = arith.constant 0 : index
    %swap3A_132 = arith.constant 0 : index
    %swap3A_133 = vector.load %arg6[%swap3A, %swap3A_132] : memref<10112x40xf32, #tpu.memory_space<vmem>>, vector<10112x40xf32>
    tpu.vector_store %arg6[%swap3A, %swap3A_132], %concatenate3A_131 {strides = array<i32>} : memref<10112x40xf32, #tpu.memory_space<vmem>>, vector<10112x40xf32>,
    return
  }
}

module attributes {stable_mosaic.version = 14 : i64} {
  func.func @_final_body(%arg0: memref<2x10112x40xf32, #tpu.memory_space<vmem>>, %arg1: memref<2x10112xf32, #tpu.memory_space<vmem>>, %arg2: memref<40xf32, #tpu.memory_space<vmem>>, %arg3: memref<40xf32, #tpu.memory_space<vmem>>, %arg4: memref<40xf32, #tpu.memory_space<vmem>>, %arg5: memref<10xf32, #tpu.memory_space<vmem>>, %arg6: memref<10xf32, #tpu.memory_space<vmem>>, %arg7: memref<4x40xf32, #tpu.memory_space<vmem>>, %arg8: memref<40x10xf32, #tpu.memory_space<vmem>>, %arg9: memref<4x10xf32, #tpu.memory_space<vmem>>) attributes {dimension_semantics = [], scalar_prefetch = 0 : i64, scratch_operands = 0 : i64, tpu.core_type = #tpu.core_type<tc>} {
    %get3A = arith.constant 0 : index
    %get3A_0 = arith.constant 0 : index
    %get3A_1 = arith.constant 0 : index
    %get3A_2 = vector.load %arg0[%get3A, %get3A_0, %get3A_1] : memref<2x10112x40xf32, #tpu.memory_space<vmem>>, vector<1x10000x40xf32>
    %get3A_3 = vector.shape_cast %get3A_2 : vector<1x10000x40xf32> to vector<10000x40xf32>
    %get3A_4 = arith.constant 1 : index
    %get3A_5 = arith.constant 0 : index
    %get3A_6 = arith.constant 0 : index
    %get3A_7 = vector.load %arg0[%get3A_4, %get3A_5, %get3A_6] : memref<2x10112x40xf32, #tpu.memory_space<vmem>>, vector<1x10000x40xf32>
    %get3A_8 = vector.shape_cast %get3A_7 : vector<1x10000x40xf32> to vector<10000x40xf32>
    %add3A = arith.addf %get3A_3, %get3A_8 : vector<10000x40xf32>
    %get3A_9 = arith.constant 1 : index
    %get3A_10 = arith.constant 0 : index
    %get3A_11 = vector.load %arg1[%get3A_9, %get3A_10] : memref<2x10112xf32, #tpu.memory_space<vmem>>, vector<1x10000xf32>
    %get3A_12 = vector.shape_cast %get3A_11 : vector<1x10000xf32> to vector<10000xf32>
    %broadcast_in_dim3A = vector.shape_cast %get3A_12 : vector<10000xf32> to vector<10000x1xf32>
    %mul3A = vector.broadcast %broadcast_in_dim3A : vector<10000x1xf32> to vector<10000x40xf32>
    %mul3A_13 = arith.mulf %add3A, %mul3A : vector<10000x40xf32>
    %get3A_14 = arith.constant 0 : index
    %get3A_15 = vector.load %arg2[%get3A_14] : memref<40xf32, #tpu.memory_space<vmem>>, vector<40xf32>
    %broadcast_in_dim3A_16 = vector.shape_cast %get3A_15 : vector<40xf32> to vector<1x40xf32>
    %add3A_17 = vector.broadcast %broadcast_in_dim3A_16 : vector<1x40xf32> to vector<10000x40xf32>
    %add3A_18 = arith.addf %mul3A_13, %add3A_17 : vector<10000x40xf32>
    %broadcast_in_dim3A_19 = arith.constant 0.000000e+00 : f32
    %broadcast_in_dim3A_20 = vector.broadcast %broadcast_in_dim3A_19 : f32 to vector<6384x40xf32>
    %concatenate3A = tpu.concatenate %add3A_18, %broadcast_in_dim3A_20 in 0 : vector<10000x40xf32>, vector<6384x40xf32> -> vector<16384x40xf32>
    %slice3A = vector.extract_strided_slice %concatenate3A {offsets = [0, 0], sizes = [8192, 40], strides = [1, 1]} : vector<16384x40xf32> to vector<8192x40xf32>
    %slice3A_21 = vector.extract_strided_slice %concatenate3A {offsets = [8192, 0], sizes = [8192, 40], strides = [1, 1]} : vector<16384x40xf32> to vector<8192x40xf32>
    %add3A_22 = arith.addf %slice3A, %slice3A_21 : vector<8192x40xf32>
    %slice3A_23 = vector.extract_strided_slice %add3A_22 {offsets = [0, 0], sizes = [4096, 40], strides = [1, 1]} : vector<8192x40xf32> to vector<4096x40xf32>
    %slice3A_24 = vector.extract_strided_slice %add3A_22 {offsets = [4096, 0], sizes = [4096, 40], strides = [1, 1]} : vector<8192x40xf32> to vector<4096x40xf32>
    %add3A_25 = arith.addf %slice3A_23, %slice3A_24 : vector<4096x40xf32>
    %slice3A_26 = vector.extract_strided_slice %add3A_25 {offsets = [0, 0], sizes = [2048, 40], strides = [1, 1]} : vector<4096x40xf32> to vector<2048x40xf32>
    %slice3A_27 = vector.extract_strided_slice %add3A_25 {offsets = [2048, 0], sizes = [2048, 40], strides = [1, 1]} : vector<4096x40xf32> to vector<2048x40xf32>
    %add3A_28 = arith.addf %slice3A_26, %slice3A_27 : vector<2048x40xf32>
    %slice3A_29 = vector.extract_strided_slice %add3A_28 {offsets = [0, 0], sizes = [1024, 40], strides = [1, 1]} : vector<2048x40xf32> to vector<1024x40xf32>
    %slice3A_30 = vector.extract_strided_slice %add3A_28 {offsets = [1024, 0], sizes = [1024, 40], strides = [1, 1]} : vector<2048x40xf32> to vector<1024x40xf32>
    %add3A_31 = arith.addf %slice3A_29, %slice3A_30 : vector<1024x40xf32>
    %slice3A_32 = vector.extract_strided_slice %add3A_31 {offsets = [0, 0], sizes = [512, 40], strides = [1, 1]} : vector<1024x40xf32> to vector<512x40xf32>
    %slice3A_33 = vector.extract_strided_slice %add3A_31 {offsets = [512, 0], sizes = [512, 40], strides = [1, 1]} : vector<1024x40xf32> to vector<512x40xf32>
    %add3A_34 = arith.addf %slice3A_32, %slice3A_33 : vector<512x40xf32>
    %slice3A_35 = vector.extract_strided_slice %add3A_34 {offsets = [0, 0], sizes = [256, 40], strides = [1, 1]} : vector<512x40xf32> to vector<256x40xf32>
    %slice3A_36 = vector.extract_strided_slice %add3A_34 {offsets = [256, 0], sizes = [256, 40], strides = [1, 1]} : vector<512x40xf32> to vector<256x40xf32>
    %add3A_37 = arith.addf %slice3A_35, %slice3A_36 : vector<256x40xf32>
    %slice3A_38 = vector.extract_strided_slice %add3A_37 {offsets = [0, 0], sizes = [128, 40], strides = [1, 1]} : vector<256x40xf32> to vector<128x40xf32>
    %slice3A_39 = vector.extract_strided_slice %add3A_37 {offsets = [128, 0], sizes = [128, 40], strides = [1, 1]} : vector<256x40xf32> to vector<128x40xf32>
    %add3A_40 = arith.addf %slice3A_38, %slice3A_39 : vector<128x40xf32>
    %slice3A_41 = vector.extract_strided_slice %add3A_40 {offsets = [0, 0], sizes = [64, 40], strides = [1, 1]} : vector<128x40xf32> to vector<64x40xf32>
    %slice3A_42 = vector.extract_strided_slice %add3A_40 {offsets = [64, 0], sizes = [64, 40], strides = [1, 1]} : vector<128x40xf32> to vector<64x40xf32>
    %add3A_43 = arith.addf %slice3A_41, %slice3A_42 : vector<64x40xf32>
    %slice3A_44 = vector.extract_strided_slice %add3A_43 {offsets = [0, 0], sizes = [32, 40], strides = [1, 1]} : vector<64x40xf32> to vector<32x40xf32>
    %slice3A_45 = vector.extract_strided_slice %add3A_43 {offsets = [32, 0], sizes = [32, 40], strides = [1, 1]} : vector<64x40xf32> to vector<32x40xf32>
    %add3A_46 = arith.addf %slice3A_44, %slice3A_45 : vector<32x40xf32>
    %slice3A_47 = vector.extract_strided_slice %add3A_46 {offsets = [0, 0], sizes = [16, 40], strides = [1, 1]} : vector<32x40xf32> to vector<16x40xf32>
    %slice3A_48 = vector.extract_strided_slice %add3A_46 {offsets = [16, 0], sizes = [16, 40], strides = [1, 1]} : vector<32x40xf32> to vector<16x40xf32>
    %add3A_49 = arith.addf %slice3A_47, %slice3A_48 : vector<16x40xf32>
    %slice3A_50 = vector.extract_strided_slice %add3A_49 {offsets = [0, 0], sizes = [8, 40], strides = [1, 1]} : vector<16x40xf32> to vector<8x40xf32>
    %slice3A_51 = vector.extract_strided_slice %add3A_49 {offsets = [8, 0], sizes = [8, 40], strides = [1, 1]} : vector<16x40xf32> to vector<8x40xf32>
    %add3A_52 = arith.addf %slice3A_50, %slice3A_51 : vector<8x40xf32>
    %reduce_sum3A = arith.constant dense<0.000000e+00> : vector<40xf32>
    %reduce_sum3A_53 = vector.multi_reduction <add>, %add3A_52, %reduce_sum3A [0] : vector<8x40xf32> to vector<40xf32>
    %mul3A_54 = arith.constant 9.99999974E-5 : f32
    %mul3A_55 = vector.broadcast %mul3A_54 : f32 to vector<40xf32>
    %mul3A_56 = arith.mulf %reduce_sum3A_53, %mul3A_55 : vector<40xf32>
    %broadcast_in_dim3A_57 = vector.shape_cast %mul3A_56 : vector<40xf32> to vector<1x40xf32>
    %sub3A = vector.broadcast %broadcast_in_dim3A_57 : vector<1x40xf32> to vector<10000x40xf32>
    %sub3A_58 = arith.subf %add3A_18, %sub3A : vector<10000x40xf32>
    %mul3A_59 = arith.mulf %sub3A_58, %sub3A_58 : vector<10000x40xf32>
    %broadcast_in_dim3A_60 = arith.constant 0.000000e+00 : f32
    %broadcast_in_dim3A_61 = vector.broadcast %broadcast_in_dim3A_60 : f32 to vector<6384x40xf32>
    %concatenate3A_62 = tpu.concatenate %mul3A_59, %broadcast_in_dim3A_61 in 0 : vector<10000x40xf32>, vector<6384x40xf32> -> vector<16384x40xf32>
    %slice3A_63 = vector.extract_strided_slice %concatenate3A_62 {offsets = [0, 0], sizes = [8192, 40], strides = [1, 1]} : vector<16384x40xf32> to vector<8192x40xf32>
    %slice3A_64 = vector.extract_strided_slice %concatenate3A_62 {offsets = [8192, 0], sizes = [8192, 40], strides = [1, 1]} : vector<16384x40xf32> to vector<8192x40xf32>
    %add3A_65 = arith.addf %slice3A_63, %slice3A_64 : vector<8192x40xf32>
    %slice3A_66 = vector.extract_strided_slice %add3A_65 {offsets = [0, 0], sizes = [4096, 40], strides = [1, 1]} : vector<8192x40xf32> to vector<4096x40xf32>
    %slice3A_67 = vector.extract_strided_slice %add3A_65 {offsets = [4096, 0], sizes = [4096, 40], strides = [1, 1]} : vector<8192x40xf32> to vector<4096x40xf32>
    %add3A_68 = arith.addf %slice3A_66, %slice3A_67 : vector<4096x40xf32>
    %slice3A_69 = vector.extract_strided_slice %add3A_68 {offsets = [0, 0], sizes = [2048, 40], strides = [1, 1]} : vector<4096x40xf32> to vector<2048x40xf32>
    %slice3A_70 = vector.extract_strided_slice %add3A_68 {offsets = [2048, 0], sizes = [2048, 40], strides = [1, 1]} : vector<4096x40xf32> to vector<2048x40xf32>
    %add3A_71 = arith.addf %slice3A_69, %slice3A_70 : vector<2048x40xf32>
    %slice3A_72 = vector.extract_strided_slice %add3A_71 {offsets = [0, 0], sizes = [1024, 40], strides = [1, 1]} : vector<2048x40xf32> to vector<1024x40xf32>
    %slice3A_73 = vector.extract_strided_slice %add3A_71 {offsets = [1024, 0], sizes = [1024, 40], strides = [1, 1]} : vector<2048x40xf32> to vector<1024x40xf32>
    %add3A_74 = arith.addf %slice3A_72, %slice3A_73 : vector<1024x40xf32>
    %slice3A_75 = vector.extract_strided_slice %add3A_74 {offsets = [0, 0], sizes = [512, 40], strides = [1, 1]} : vector<1024x40xf32> to vector<512x40xf32>
    %slice3A_76 = vector.extract_strided_slice %add3A_74 {offsets = [512, 0], sizes = [512, 40], strides = [1, 1]} : vector<1024x40xf32> to vector<512x40xf32>
    %add3A_77 = arith.addf %slice3A_75, %slice3A_76 : vector<512x40xf32>
    %slice3A_78 = vector.extract_strided_slice %add3A_77 {offsets = [0, 0], sizes = [256, 40], strides = [1, 1]} : vector<512x40xf32> to vector<256x40xf32>
    %slice3A_79 = vector.extract_strided_slice %add3A_77 {offsets = [256, 0], sizes = [256, 40], strides = [1, 1]} : vector<512x40xf32> to vector<256x40xf32>
    %add3A_80 = arith.addf %slice3A_78, %slice3A_79 : vector<256x40xf32>
    %slice3A_81 = vector.extract_strided_slice %add3A_80 {offsets = [0, 0], sizes = [128, 40], strides = [1, 1]} : vector<256x40xf32> to vector<128x40xf32>
    %slice3A_82 = vector.extract_strided_slice %add3A_80 {offsets = [128, 0], sizes = [128, 40], strides = [1, 1]} : vector<256x40xf32> to vector<128x40xf32>
    %add3A_83 = arith.addf %slice3A_81, %slice3A_82 : vector<128x40xf32>
    %slice3A_84 = vector.extract_strided_slice %add3A_83 {offsets = [0, 0], sizes = [64, 40], strides = [1, 1]} : vector<128x40xf32> to vector<64x40xf32>
    %slice3A_85 = vector.extract_strided_slice %add3A_83 {offsets = [64, 0], sizes = [64, 40], strides = [1, 1]} : vector<128x40xf32> to vector<64x40xf32>
    %add3A_86 = arith.addf %slice3A_84, %slice3A_85 : vector<64x40xf32>
    %slice3A_87 = vector.extract_strided_slice %add3A_86 {offsets = [0, 0], sizes = [32, 40], strides = [1, 1]} : vector<64x40xf32> to vector<32x40xf32>
    %slice3A_88 = vector.extract_strided_slice %add3A_86 {offsets = [32, 0], sizes = [32, 40], strides = [1, 1]} : vector<64x40xf32> to vector<32x40xf32>
    %add3A_89 = arith.addf %slice3A_87, %slice3A_88 : vector<32x40xf32>
    %slice3A_90 = vector.extract_strided_slice %add3A_89 {offsets = [0, 0], sizes = [16, 40], strides = [1, 1]} : vector<32x40xf32> to vector<16x40xf32>
    %slice3A_91 = vector.extract_strided_slice %add3A_89 {offsets = [16, 0], sizes = [16, 40], strides = [1, 1]} : vector<32x40xf32> to vector<16x40xf32>
    %add3A_92 = arith.addf %slice3A_90, %slice3A_91 : vector<16x40xf32>
    %slice3A_93 = vector.extract_strided_slice %add3A_92 {offsets = [0, 0], sizes = [8, 40], strides = [1, 1]} : vector<16x40xf32> to vector<8x40xf32>
    %slice3A_94 = vector.extract_strided_slice %add3A_92 {offsets = [8, 0], sizes = [8, 40], strides = [1, 1]} : vector<16x40xf32> to vector<8x40xf32>
    %add3A_95 = arith.addf %slice3A_93, %slice3A_94 : vector<8x40xf32>
    %reduce_sum3A_96 = arith.constant dense<0.000000e+00> : vector<40xf32>
    %reduce_sum3A_97 = vector.multi_reduction <add>, %add3A_95, %reduce_sum3A_96 [0] : vector<8x40xf32> to vector<40xf32>
    %mul3A_98 = arith.constant 9.99999974E-5 : f32
    %mul3A_99 = vector.broadcast %mul3A_98 : f32 to vector<40xf32>
    %mul3A_100 = arith.mulf %reduce_sum3A_97, %mul3A_99 : vector<40xf32>
    %get3A_101 = arith.constant 0 : index
    %get3A_102 = vector.load %arg3[%get3A_101] : memref<40xf32, #tpu.memory_space<vmem>>, vector<40xf32>
    %broadcast_in_dim3A_103 = vector.shape_cast %get3A_102 : vector<40xf32> to vector<1x40xf32>
    %mul3A_104 = vector.broadcast %broadcast_in_dim3A_103 : vector<1x40xf32> to vector<10000x40xf32>
    %mul3A_105 = arith.mulf %mul3A_104, %sub3A_58 : vector<10000x40xf32>
    %add3A_106 = arith.constant 9.99999974E-6 : f32
    %add3A_107 = vector.broadcast %add3A_106 : f32 to vector<40xf32>
    %add3A_108 = arith.addf %mul3A_100, %add3A_107 : vector<40xf32>
    %sqrt3A = math.sqrt %add3A_108 : vector<40xf32>
    %broadcast_in_dim3A_109 = vector.shape_cast %sqrt3A : vector<40xf32> to vector<1x40xf32>
    %div3A = vector.broadcast %broadcast_in_dim3A_109 : vector<1x40xf32> to vector<10000x40xf32>
    %div3A_110 = arith.divf %mul3A_105, %div3A : vector<10000x40xf32>
    %get3A_111 = arith.constant 0 : index
    %get3A_112 = vector.load %arg4[%get3A_111] : memref<40xf32, #tpu.memory_space<vmem>>, vector<40xf32>
    %broadcast_in_dim3A_113 = vector.shape_cast %get3A_112 : vector<40xf32> to vector<1x40xf32>
    %add3A_114 = vector.broadcast %broadcast_in_dim3A_113 : vector<1x40xf32> to vector<10000x40xf32>
    %add3A_115 = arith.addf %div3A_110, %add3A_114 : vector<10000x40xf32>
    %max3A = arith.constant 0.000000e+00 : f32
    %max3A_116 = vector.broadcast %max3A : f32 to vector<10000x40xf32>
    %max3A_117 = arith.maximumf %add3A_115, %max3A_116 : vector<10000x40xf32>
    %broadcast_in_dim3A_118 = arith.constant 0.000000e+00 : f32
    %broadcast_in_dim3A_119 = vector.broadcast %broadcast_in_dim3A_118 : f32 to vector<6384x40xf32>
    %concatenate3A_120 = tpu.concatenate %max3A_117, %broadcast_in_dim3A_119 in 0 : vector<10000x40xf32>, vector<6384x40xf32> -> vector<16384x40xf32>
    %slice3A_121 = vector.extract_strided_slice %concatenate3A_120 {offsets = [0, 0], sizes = [8192, 40], strides = [1, 1]} : vector<16384x40xf32> to vector<8192x40xf32>
    %slice3A_122 = vector.extract_strided_slice %concatenate3A_120 {offsets = [8192, 0], sizes = [8192, 40], strides = [1, 1]} : vector<16384x40xf32> to vector<8192x40xf32>
    %add3A_123 = arith.addf %slice3A_121, %slice3A_122 : vector<8192x40xf32>
    %slice3A_124 = vector.extract_strided_slice %add3A_123 {offsets = [0, 0], sizes = [4096, 40], strides = [1, 1]} : vector<8192x40xf32> to vector<4096x40xf32>
    %slice3A_125 = vector.extract_strided_slice %add3A_123 {offsets = [4096, 0], sizes = [4096, 40], strides = [1, 1]} : vector<8192x40xf32> to vector<4096x40xf32>
    %add3A_126 = arith.addf %slice3A_124, %slice3A_125 : vector<4096x40xf32>
    %slice3A_127 = vector.extract_strided_slice %add3A_126 {offsets = [0, 0], sizes = [2048, 40], strides = [1, 1]} : vector<4096x40xf32> to vector<2048x40xf32>
    %slice3A_128 = vector.extract_strided_slice %add3A_126 {offsets = [2048, 0], sizes = [2048, 40], strides = [1, 1]} : vector<4096x40xf32> to vector<2048x40xf32>
    %add3A_129 = arith.addf %slice3A_127, %slice3A_128 : vector<2048x40xf32>
    %slice3A_130 = vector.extract_strided_slice %add3A_129 {offsets = [0, 0], sizes = [1024, 40], strides = [1, 1]} : vector<2048x40xf32> to vector<1024x40xf32>
    %slice3A_131 = vector.extract_strided_slice %add3A_129 {offsets = [1024, 0], sizes = [1024, 40], strides = [1, 1]} : vector<2048x40xf32> to vector<1024x40xf32>
    %add3A_132 = arith.addf %slice3A_130, %slice3A_131 : vector<1024x40xf32>
    %slice3A_133 = vector.extract_strided_slice %add3A_132 {offsets = [0, 0], sizes = [512, 40], strides = [1, 1]} : vector<1024x40xf32> to vector<512x40xf32>
    %slice3A_134 = vector.extract_strided_slice %add3A_132 {offsets = [512, 0], sizes = [512, 40], strides = [1, 1]} : vector<1024x40xf32> to vector<512x40xf32>
    %add3A_135 = arith.addf %slice3A_133, %slice3A_134 : vector<512x40xf32>
    %slice3A_136 = vector.extract_strided_slice %add3A_135 {offsets = [0, 0], sizes = [256, 40], strides = [1, 1]} : vector<512x40xf32> to vector<256x40xf32>
    %slice3A_137 = vector.extract_strided_slice %add3A_135 {offsets = [256, 0], sizes = [256, 40], strides = [1, 1]} : vector<512x40xf32> to vector<256x40xf32>
    %add3A_138 = arith.addf %slice3A_136, %slice3A_137 : vector<256x40xf32>
    %slice3A_139 = vector.extract_strided_slice %add3A_138 {offsets = [0, 0], sizes = [128, 40], strides = [1, 1]} : vector<256x40xf32> to vector<128x40xf32>
    %slice3A_140 = vector.extract_strided_slice %add3A_138 {offsets = [128, 0], sizes = [128, 40], strides = [1, 1]} : vector<256x40xf32> to vector<128x40xf32>
    %add3A_141 = arith.addf %slice3A_139, %slice3A_140 : vector<128x40xf32>
    %slice3A_142 = vector.extract_strided_slice %add3A_141 {offsets = [0, 0], sizes = [64, 40], strides = [1, 1]} : vector<128x40xf32> to vector<64x40xf32>
    %slice3A_143 = vector.extract_strided_slice %add3A_141 {offsets = [64, 0], sizes = [64, 40], strides = [1, 1]} : vector<128x40xf32> to vector<64x40xf32>
    %add3A_144 = arith.addf %slice3A_142, %slice3A_143 : vector<64x40xf32>
    %slice3A_145 = vector.extract_strided_slice %add3A_144 {offsets = [0, 0], sizes = [32, 40], strides = [1, 1]} : vector<64x40xf32> to vector<32x40xf32>
    %slice3A_146 = vector.extract_strided_slice %add3A_144 {offsets = [32, 0], sizes = [32, 40], strides = [1, 1]} : vector<64x40xf32> to vector<32x40xf32>
    %add3A_147 = arith.addf %slice3A_145, %slice3A_146 : vector<32x40xf32>
    %slice3A_148 = vector.extract_strided_slice %add3A_147 {offsets = [0, 0], sizes = [16, 40], strides = [1, 1]} : vector<32x40xf32> to vector<16x40xf32>
    %slice3A_149 = vector.extract_strided_slice %add3A_147 {offsets = [16, 0], sizes = [16, 40], strides = [1, 1]} : vector<32x40xf32> to vector<16x40xf32>
    %add3A_150 = arith.addf %slice3A_148, %slice3A_149 : vector<16x40xf32>
    %slice3A_151 = vector.extract_strided_slice %add3A_150 {offsets = [0, 0], sizes = [8, 40], strides = [1, 1]} : vector<16x40xf32> to vector<8x40xf32>
    %slice3A_152 = vector.extract_strided_slice %add3A_150 {offsets = [8, 0], sizes = [8, 40], strides = [1, 1]} : vector<16x40xf32> to vector<8x40xf32>
    %add3A_153 = arith.addf %slice3A_151, %slice3A_152 : vector<8x40xf32>
    %reduce_sum3A_154 = arith.constant dense<0.000000e+00> : vector<40xf32>
    %reduce_sum3A_155 = vector.multi_reduction <add>, %add3A_153, %reduce_sum3A_154 [0] : vector<8x40xf32> to vector<40xf32>
    %mul3A_156 = arith.constant 9.99999974E-5 : f32
    %mul3A_157 = vector.broadcast %mul3A_156 : f32 to vector<40xf32>
    %mul3A_158 = arith.mulf %reduce_sum3A_155, %mul3A_157 : vector<40xf32>
    %get3A_159 = arith.constant 0 : index
    %get3A_160 = arith.constant 0 : index
    %get3A_161 = vector.load %arg7[%get3A_159, %get3A_160] : memref<4x40xf32, #tpu.memory_space<vmem>>, vector<4x40xf32>
    %broadcast_in_dim3A_162 = vector.shape_cast %mul3A_158 : vector<40xf32> to vector<1x40xf32>
    %mul3A_163 = vector.broadcast %broadcast_in_dim3A_162 : vector<1x40xf32> to vector<4x40xf32>
    %mul3A_164 = arith.mulf %get3A_161, %mul3A_163 : vector<4x40xf32>
    %get3A_165 = arith.constant 0 : index
    %get3A_166 = arith.constant 0 : index
    %get3A_167 = vector.load %arg8[%get3A_165, %get3A_166] : memref<40x10xf32, #tpu.memory_space<vmem>>, vector<40x10xf32>
    %dot_general3A = arith.constant dense<0.000000e+00> : vector<4x10xf32>
    %dot_general3A_168 = tpu.matmul %mul3A_164, %get3A_167, %dot_general3A {dimension_numbers = #tpu.dot_dimension_numbers<[1], [0], [0], [1], [0, 0, 1, 1], [], []>, precision = #tpu.contract_precision<fp32>, transpose_lhs_hint = false} : vector<4x40xf32>, vector<40x10xf32>, vector<4x10xf32> -> vector<4x10xf32>
    %reduce_sum3A_169 = arith.constant dense<0.000000e+00> : vector<10xf32>
    %reduce_sum3A_170 = vector.multi_reduction <add>, %dot_general3A_168, %reduce_sum3A_169 [0] : vector<4x10xf32> to vector<10xf32>
    %div3A_171 = arith.constant 4.000000e+00 : f32
    %div3A_172 = vector.broadcast %div3A_171 : f32 to vector<10xf32>
    %div3A_173 = arith.divf %reduce_sum3A_170, %div3A_172 : vector<10xf32>
    %broadcast_in_dim3A_174 = vector.shape_cast %div3A_173 : vector<10xf32> to vector<1x10xf32>
    %sub3A_175 = vector.broadcast %broadcast_in_dim3A_174 : vector<1x10xf32> to vector<4x10xf32>
    %sub3A_176 = arith.subf %dot_general3A_168, %sub3A_175 : vector<4x10xf32>
    %mul3A_177 = arith.mulf %sub3A_176, %sub3A_176 : vector<4x10xf32>
    %reduce_sum3A_178 = arith.constant dense<0.000000e+00> : vector<10xf32>
    %reduce_sum3A_179 = vector.multi_reduction <add>, %mul3A_177, %reduce_sum3A_178 [0] : vector<4x10xf32> to vector<10xf32>
    %div3A_180 = arith.constant 4.000000e+00 : f32
    %div3A_181 = vector.broadcast %div3A_180 : f32 to vector<10xf32>
    %div3A_182 = arith.divf %reduce_sum3A_179, %div3A_181 : vector<10xf32>
    %get3A_183 = arith.constant 0 : index
    %get3A_184 = vector.load %arg5[%get3A_183] : memref<10xf32, #tpu.memory_space<vmem>>, vector<10xf32>
    %broadcast_in_dim3A_185 = vector.shape_cast %get3A_184 : vector<10xf32> to vector<1x10xf32>
    %mul3A_186 = vector.broadcast %broadcast_in_dim3A_185 : vector<1x10xf32> to vector<4x10xf32>
    %mul3A_187 = arith.mulf %mul3A_186, %sub3A_176 : vector<4x10xf32>
    %add3A_188 = arith.constant 9.99999974E-6 : f32
    %add3A_189 = vector.broadcast %add3A_188 : f32 to vector<10xf32>
    %add3A_190 = arith.addf %div3A_182, %add3A_189 : vector<10xf32>
    %sqrt3A_191 = math.sqrt %add3A_190 : vector<10xf32>
    %broadcast_in_dim3A_192 = vector.shape_cast %sqrt3A_191 : vector<10xf32> to vector<1x10xf32>
    %div3A_193 = vector.broadcast %broadcast_in_dim3A_192 : vector<1x10xf32> to vector<4x10xf32>
    %div3A_194 = arith.divf %mul3A_187, %div3A_193 : vector<4x10xf32>
    %get3A_195 = arith.constant 0 : index
    %get3A_196 = vector.load %arg6[%get3A_195] : memref<10xf32, #tpu.memory_space<vmem>>, vector<10xf32>
    %broadcast_in_dim3A_197 = vector.shape_cast %get3A_196 : vector<10xf32> to vector<1x10xf32>
    %add3A_198 = vector.broadcast %broadcast_in_dim3A_197 : vector<1x10xf32> to vector<4x10xf32>
    %add3A_199 = arith.addf %div3A_194, %add3A_198 : vector<4x10xf32>
    %swap3A = arith.constant 0 : index
    %swap3A_200 = arith.constant 0 : index
    %swap3A_201 = vector.load %arg9[%swap3A, %swap3A_200] : memref<4x10xf32, #tpu.memory_space<vmem>>, vector<4x10xf32>
    tpu.vector_store %arg9[%swap3A, %swap3A_200], %add3A_199 {strides = array<i32>} : memref<4x10xf32, #tpu.memory_space<vmem>>, vector<4x10xf32>,
    return
  }
}

</mosaic_0001>

<sc_bundles>
// kernel: kernel.11.cloned.1.call-start
scs
__scs_entry_jumppad:
0x0: {  	(pc) =	sbr.rel $0x88, $3  }
0x1: {  	(tag) =	ssettag $0x0;
	lr =	simm.s32 $0x1  }
0x2: {  	[smem:$0x3F95] =	sst lr;
	_ =	strace $0xD0000000  }
0x3: {  	_ = 	snop  }
0x4: {  	_ = 	snop  }
0x5: {  	_ = 	snop  }
0x6: {  	_ = 	snop  }
0x7: {  	_ = 	snop  }
__scs_overlays_trampoline_lowered:
0x8: {  	[smem:$0x3FA4] =	sst s0  }
0x9: {  	[smem:$0x3FA5] =	sst s1  }
0xa: {  	[smem:$0x3FA6] =	sst s2  }
0xb: {  	[smem:$0x3FA7] =	sst s3  }
0xc: {  	[smem:$0x3FA8] =	sst s4  }
0xd: {  	[smem:$0x3FA9] =	sst s5  }
0xe: {  	[smem:$0x3FAA] =	sst s6  }
0xf: {  	[smem:$0x3FAB] =	sst s7  }
0x10: {  	[smem:$0x3FAC] =	sst s8  }
0x11: {  	[smem:$0x3FAD] =	sst s9;
	s0 =	simm.s32 @!p0 $0x0  }
0x12: {  	s1 =	sld [smem:$0x3F93];
	s0 =	simm.s32 @p0 $0x1  }
0x13: {  	[smem:$0x3FAE] =	sst s0;
	s0 =	simm.s32 @!p1 $0x0  }
0x14: {  	s2 =	sld [smem:$0x3F92];
	s0 =	simm.s32 @p1 $0x1  }
0x15: {  	[smem:$0x3FAF] =	sst s0;
	s0 =	simm.s32 @!p2 $0x0  }
0x16: {  	s3 =	sld [smem:$0x3FDB];
	s0 =	simm.s32 @p2 $0x1  }
0x17: {  	s4 =	simm.s32 $0x1BF5;
	[smem:$0x3FB1] =	sst s0  }
0x18: {  	s0 =	sld [smem:$0x3F94];
	_ =	swait.ge [sflag:s4], $0x0  }
0x19: {  	s7 =	sld [smem:$0x3F95]  }
0x1a: {  	s8 =	sadd.s32 $0xFFFFE003, lr  }
0x1b: {  	s9 =	sadd.s32 $0xFFFFFEF7, lr;
	s5 =	simm.s32 $0xFFFFFFFF;
	p2 =	slt.u32 s8, $0xFFFFF086  }
0x1c: {  	p1 =	slt.u32 s9, $0xF7A;
	s5 =	simm.s32 @!p2 $0x0  }
0x1d: {  	s5 =	simm.s32 @p1 $0x1;
	p0 =	seq.s32 s7, s2  }
0x1e: {  	s7 =	smul.u32 @!p0 $0xF7A, s2;
	p2 =	seq.s32 @!p0 s5, $0x0  }
0x1f: {  	s9 =	smul.u32 $0xF7A, s1;
	s8 =	simm.s32 @!p0 $0x1BF5;
	p2 =	por !p2, p0  }
0x20: {  	[sflag:s8] =	ssyncset.s32 @!p0 $0xFFFFF086;
	s6 =	sadd.s32 @!p0 s3, s7;
	s7 =	simm.s32 @!p0 $0x108  }
0x21: {  	s3 =	sadd.s32 s3, s9;
	s6 =	sadd.s32 @!p0 $0x88, s6;
	s7 =	simm.s32 @p2 $0x1082  }
0x22: {  	[simem:s7], [sflag:s8] =	dma.local @!p0 [hbm:s6], $0xF7A  }
0x23: {  	s9 =	sor.u32 $0xD0000000, s2;
	s6 =	simm.s32 $0x108;
	_ =	swait.ge @!p0 [sflag:s8], $0x0  }
0x24: {  	s3 =	sadd.s32 $0x88, s3;
	s6 =	simm.s32 @!p1 $0x1082;
	[sflag:s4] =	ssyncset.s32 $0xFFFFF086  }
0x25: {  	[simem:s6], [sflag:s4] =	dma.local [hbm:s3], $0xF7A  }
0x26: {  	[smem:$0x3F95] =	sst s1;
	(tag) =	ssettag s2;
	_ =	strace s9  }
0x27: {  	s1 =	sld [smem:$0x3FA5]  }
0x28: {  	s2 =	sld [smem:$0x3FA6]  }
0x29: {  	s4 =	sld [smem:$0x3FA8]  }
0x2a: {  	p0 =	seq.s32 s5, $0x0;
	s5 =	sld [smem:$0x3FA9]  }
0x2b: {  	s6 =	sld [smem:$0x3FAA]  }
0x2c: {  	s7 =	sld [smem:$0x3FAB]  }
0x2d: {  	s3 =	simm.s32 $0x108;
	s8 =	sld [smem:$0x3FAC]  }
0x2e: {  	s3 =	simm.s32 @!p0 $0x1082;
	s9 =	sld [smem:$0x3FAD]  }
0x2f: {  	lr =	sadd.s32 s0, s3;
	s0 =	sld [smem:$0x3FA4]  }
0x30: {  	s3 =	sld [smem:$0x3FA7]  }
0x31: {  	[smem:$0x3FB0] =	sst s10  }
0x32: {  	s10 =	sld [smem:$0x3FAE];
	_ =	sdelay $0x3  }
0x33: {  	p0 =	seq.s32 s10, $0x1;
	s10 =	sld [smem:$0x3FB0];
	_ =	sdelay $0x3  }
0x34: {  	[smem:$0x3FB0] =	sst s10  }
0x35: {  	s10 =	sld [smem:$0x3FAF];
	_ =	sdelay $0x3  }
0x36: {  	p1 =	seq.s32 s10, $0x1;
	s10 =	sld [smem:$0x3FB0];
	_ =	sdelay $0x3  }
0x37: {  	[smem:$0x3FB0] =	sst s10  }
0x38: {  	s10 =	sld [smem:$0x3FB1]  }
0x39: {  	_ = 	snop;
	(pc) =	sbr.ind lr, $3  }
0x3a: {  	_ = 	snop  }
0x3b: {  	_ = 	snop  }
0x3c: {  	p2 =	seq.s32 s10, $0x1;
	s10 =	sld [smem:$0x3FB0]  }
0x3d: {  	_ =	shalt  }
0x3e: {  	_ =	shalt  }
0x3f: {  	_ =	shalt  }
0x40: {  	_ =	shalt  }
0x41: {  	_ =	shalt  }
0x42: {  	_ =	shalt  }
0x43: {  	_ =	shalt  }
0x44: {  	_ =	shalt  }
0x45: {  	_ =	shalt  }
0x46: {  	_ =	shalt  }
0x47: {  	_ =	shalt  }
0x48: {  	_ =	shalt  }
0x49: {  	_ =	shalt  }
0x4a: {  	_ =	shalt  }
0x4b: {  	_ =	shalt  }
0x4c: {  	_ =	shalt  }
0x4d: {  	_ =	shalt  }
0x4e: {  	_ =	shalt  }
0x4f: {  	_ =	shalt  }
0x50: {  	_ =	shalt  }
0x51: {  	_ =	shalt  }
0x52: {  	_ =	shalt  }
0x53: {  	_ =	shalt  }
0x54: {  	_ =	shalt  }
0x55: {  	_ =	shalt  }
0x56: {  	_ =	shalt  }
0x57: {  	_ =	shalt  }
0x58: {  	_ =	shalt  }
0x59: {  	_ =	shalt  }
0x5a: {  	_ =	shalt  }
0x5b: {  	_ =	shalt  }
0x5c: {  	_ =	shalt  }
0x5d: {  	_ =	shalt  }
0x5e: {  	_ =	shalt  }
0x5f: {  	_ =	shalt  }
0x60: {  	_ =	shalt  }
0x61: {  	_ =	shalt  }
0x62: {  	_ =	shalt  }
0x63: {  	_ =	shalt  }
0x64: {  	_ =	shalt  }
0x65: {  	_ =	shalt  }
0x66: {  	_ =	shalt  }
0x67: {  	_ =	shalt  }
0x68: {  	_ =	shalt  }
0x69: {  	_ =	shalt  }
0x6a: {  	_ =	shalt  }
0x6b: {  	_ =	shalt  }
0x6c: {  	_ =	shalt  }
0x6d: {  	_ =	shalt  }
0x6e: {  	_ =	shalt  }
0x6f: {  	_ =	shalt  }
0x70: {  	_ =	shalt  }
0x71: {  	_ =	shalt  }
0x72: {  	_ =	shalt  }
0x73: {  	_ =	shalt  }
0x74: {  	_ =	shalt  }
0x75: {  	_ =	shalt  }
0x76: {  	_ =	shalt  }
0x77: {  	_ =	shalt  }
0x78: {  	_ =	shalt  }
0x79: {  	_ =	shalt  }
0x7a: {  	_ =	shalt  }
0x7b: {  	_ =	shalt  }
0x7c: {  	_ =	shalt  }
0x7d: {  	_ =	shalt  }
0x7e: {  	_ =	shalt  }
0x7f: {  	_ =	shalt  }
0x80: {  	_ =	shalt  }
0x81: {  	_ =	shalt  }
0x82: {  	_ =	shalt  }
0x83: {  	_ =	shalt  }
0x84: {  	_ =	shalt  }
0x85: {  	_ =	shalt  }
0x86: {  	_ =	shalt  }
0x87: {  	_ =	shalt  }
.Lfunc_end0:
.L_simem_size_0:
called_computation.1_lowered:
.L_overlay_start_0:
0x88: {  	s2 =	sld [smem:$0x3FD9]  }
0x89: {  	s3 =	sld [smem:$0x3FFE];
	_ =	sdelay $0x1  }
0x8a: {  	s1 =	srdreg.scid  }
0x8b: {  	s0 =	sand.u32 $0x1, s1  }
0x8c: {  	s16 =	sshll.u32 s0, $0xA;
	s2 =	sadd.s32 s3, s2  }
0x8d: {  	s2 =	sadd.s32 s2, s16  }
0x8e: {  	[smem:$0x3FBC] =	sst s2  }
0x8f: {  	_ = 	snop  }
0x90: {  	(tm) =	ssettm $0x1  }
0x91: {  	s17 =	sld [smem:$0x3FFB];
	_ =	sdelay $0x3  }
0x92: {  	_ =	strace s17  }
0x93: {  	s2 =	sld [smem:$0x3FFC];
	_ =	sdelay $0x3  }
0x94: {  	_ =	strace s2  }
0x95: {  	s2 =	sld [smem:$0x3FFD];
	_ =	sdelay $0x3  }
0x96: {  	_ =	strace s2  }
0x97: {  	_ =	strace $0x8FFFFFFF  }
0x98: {  	s18 =	sld [smem:$0x3FDB];
	_ =	sdelay $0x1  }
0x99: {  	s19 =	simm.s32 $_scs_section_size  }
0x9a: {  	s4 =	simm.s32 $_size__tile_overlayer_lowered;
	s5 =	simm.s32 $_tile_overlayer_lowered  }
0x9b: {  	s22 =	simm.s32 $0x1BFF;
	s21 =	sshll.u32 s5, $0x1;
	s2 =	sadd.s32 s19, s18  }
0x9c: {  	s6 =	simm.s32 $0x0;
	s20 =	sshll.u32 s4, $0x1;
	s4 =	sadd.s32 s21, s2  }
0x9d: {  	[timem:s6], [sflag:s22] =	dma.local [hbm:s4], s20  }
0x9e: {  	_ =	swait.ge [sflag:s22], s20  }
0x9f: {  	s3 =	ssub.s32 $0x0, s20;
	[sflag:s22] =	ssyncset.done $0x0  }
0xa0: {  	[sflag:s22] =	ssyncadd.s32 s3;
	_ =	sdelay $0x1  }
0xa1: {  	s23 =	simm.s32 $0x1B8B  }
0xa2: {  	_ =	swait.ge [sflag:s23], $0x1  }
0xa3: {  	[sflag:s23] =	ssyncset.done $0x0  }
0xa4: {  	s25 =	simm.s32 $0x1B8E;
	s24 =	sld [smem:$0x3FFE];
	[sflag:s23] =	ssyncadd.s32 $0xFFFFFFFF  }
0xa5: {  	s26 =	simm.s32 $execute0_lowered;
	[smem:$0x3FD2] =	sst s25  }
0xa6: {  	s4 =	sshll.u32 s26, $0x1;
	_ =	strace $0x80000049;
	[dreg:$0x1] =	wrdreg $0xFFFFFFFF  }
0xa7: {  	s28 =	simm.s32 $_size_execute0_lowered;
	s2 =	sadd.s32 s2, s4;
	[dreg:$0x0] =	wrdreg $0x0  }
0xa8: {  	s4 =	sshll.u32 s28, $0x1;
	[dreg:$0x2] =	wrdreg s2  }
0xa9: {  	[dreg:$0x3] =	wrdreg s4  }
0xaa: {  	[dreg:$0x4] =	wrdreg $0xC0  }
0xab: {  	_ =	task [dreg:s6], $0x5FFFF  }
0xac: {  	[dreg:$0x1] =	wrdreg $0xFFFFFFFF  }
0xad: {  	[dreg:$0x0] =	wrdreg $0x60  }
0xae: {  	[dreg:$0x2] =	wrdreg s24  }
0xaf: {  	[dreg:$0x3] =	wrdreg $0x0  }
0xb0: {  	[dreg:$0x4] =	wrdreg $0x62C00  }
0xb1: {  	[dreg:$0x5] =	wrdreg $0x9  }
0xb2: {  	_ =	task.clear_ibuf [dreg:s6], $0x6FFFF;
	_ =	strace $0x90000049  }
0xb3: {  	s29 =	simm.s32 $0x9;
	_ =	strace $0x8000004B  }
0xb4: {  	_ =	swait.ge [sflag:s29], $0x1  }
0xb5: {  	[sflag:s29] =	ssyncadd.s32 $0xFFFFFFFF  }
0xb6: {  	_ =	strace $0x9000004B  }
0xb7: {  	_ =	sfence  }
0xb8: {  	s30 =	sld [smem:$0x0];
	_ =	sdelay $0x2  }
0xb9: {  	s31 =	sshll.u32 s1, $0xD;
	s1 =	sshrl.u32 s1, $0x2  }
0xba: {  	s3 =	sand.u32 $0x4000, s31;
	s1 =	sadd.s32 s1, s30  }
0xbb: {  	s0 =	sor.u32 s3, s0;
	s1 =	sshll.u32 s1, $0x11  }
0xbc: {  	s0 =	sor.u32 s1, s0  }
0xbd: {  	s0 =	sadd.s32 $0x8F2B, s0  }
0xbe: {  	[sflag:s0] =	ssyncadd.remote.s32 $0x1  }
0xbf: {  	_ =	sfence.sel $0xFFFF  }
0xc0: {  	[dreg:$0x0] =	wrdreg $0xFFFFFFFF;
	(pc) =	sbr.abs _section_cstart, $3  }
0xc1: {  	[dreg:$0x1] =	wrdreg $0xFFFFFFFF  }
0xc2: {  	_ =	task.clear_ibuf [dreg:s6], $0x2FFFF;
	_ =	strace $0x9FFFFFFF  }
0xc3: {  	(tm) =	ssettm $0x7FFFFFFF  }
tec
execute0_lowered:
.L_overlay_start_1:
0x0: {  	(tag) =	ssettag $0x1  }
0x1: {  	s0 =	rddreg [dreg:$0x0]  }
0x2: {  	s2 =	rddreg [dreg:$0x1]  }
0x3: {  	s3 =	rddreg [dreg:$0x2]  }
0x4: {  	s9 =	stileid.u32;
	s1 =	srdreg.scid  }
0x5: {  	s5 =	simm.s32 $0x0;
	s17 =	simm.s32 $0x80;
	s18 =	simm.s32 $0x11580  }
0x6: {  	s29 =	simm.s32 $0x17980;
	s31 =	simm.s32 $0x18D80;
	s16 =	simm.s32 $0x1  }
0x7: {  	s19 =	simm.s32 $0x2;
	s28 =	simm.s32 $0x6;
	s30 =	simm.s32 $0x7  }
0x8: {  	s10 =	simm.s32 $0xE;
	s11 =	simm.s32 $0xF;
	s15 =	simm.s32 $0x10  }
0x9: {  	s14 =	simm.s32 $0x0;
	s4 =	smul.u32 $0x62C0, s9;
	s1 =	sand.u32 $0x1, s1  }
0xa: {  	[smem:$0x7FF] =	sst s5;
	s20 =	sshll.u32 s9, $0x1;
	s23 =	sshll.u32 s9, $0x6  }
0xb: {  	s9 =	simm.s32 $0xD;
	s6 =	smul.u32 $0x62C00, s1;
	_ =	strace $0x8000004A  }
0xc: {  	s5 =	sor.u32 s1, s20;
	s1 =	ssub.s32 $0x2, s1;
	s12 =	sor.u32 $0x1C11, s23  }
0xd: {  	s20 =	simm.s32 $0x12980;
	s23 =	simm.s32 $0x4;
	s7 =	sshrl.u32 s4, $0x3  }
0xe: {  	s5 =	smul.u32 $0x500, s5;
	s8 =	sshrl.u32 s1, $0x1;
	s21 =	sadd.s32 s4, s2  }
0xf: {  	[dreg:$0x5] =	wrdreg s12;
	s6 =	sadd.s32 s4, s6;
	s7 =	sadd.s32 s7, s0  }
0x10: {  	s1 =	ssub.s32 s1, s8;
	s4 =	sadd.s32 s4, s3;
	s13 =	sshrl.u32 s21, $0x3  }
0x11: {  	s21 =	simm.s32 $0x3;
	s8 =	simm.s32 $0xC;
	s6 =	sshrl.u32 s6, $0x3  }
0x12: {  	s5 =	sadd.s32 s5, s0;
	s22 =	sadd.s32 $0x21C00, s7;
	s7 =	sadd.s32 $0x15600, s7  }
0x13: {  	s25 =	smax.u32 s1, $0x1;
	s26 =	sshrl.u32 s4, $0x3;
	[dreg:$0xb] =	wrdreg s13  }
0x14: {  	s1 =	simm.s32 $0x1A180;
	s4 =	simm.s32 $0x9;
	[dreg:$0x4] =	wrdreg s22  }
0x15: {  	s0 =	sadd.s32 s6, s0;
	[dreg:$0x6] =	wrdreg s7;
	s24 =	sadd.s32 $0x1600, s5  }
.Ltmp0:
0x16: {  	s5 =	sadd.s32 $0xB600, s5;
	[dreg:$0xa] =	wrdreg s25;
	(pc) =	sbr.rel .LBB2_1-.Ltmp0, $4  }
0x17: {  	[dreg:$0xc] =	wrdreg s26;
	s22 =	simm.s32 $0x13D80;
	s26 =	simm.s32 $0x16580  }
0x18: {  	s25 =	simm.s32 $0x5;
	s7 =	simm.s32 $0xB;
	[dreg:$0x7] =	wrdreg s24  }
0x19: {  	[dreg:$0x8] =	wrdreg s5;
	s0 =	sadd.s32 $0x2E200, s0;
	s24 =	simm.s32 $0x15180  }
0x1a: {  	s5 =	simm.s32 $0xA;
	[dreg:$0x9] =	wrdreg s0;
	s0 =	simm.s32 $0x8  }
.LBB2_4:
0x1b: {  	_ =	swait.ge [sflag:s5], $0x1400  }
0x1c: {  	[sflag:s5] =	ssyncset.done $0x0  }
0x1d: {  	[sflag:s5] =	ssyncadd.s32 $0xFFFFEC00  }
0x1e: {  	_ =	swait.ge [sflag:s7], $0x1400  }
0x1f: {  	[sflag:s7] =	ssyncset.done $0x0  }
0x20: {  	[sflag:s7] =	ssyncadd.s32 $0xFFFFEC00  }
0x21: {  	_ =	swait.ge [sflag:s8], $0x1400  }
0x22: {  	[sflag:s8] =	ssyncset.done $0x0  }
0x23: {  	[sflag:s8] =	ssyncadd.s32 $0xFFFFEC00  }
0x24: {  	_ =	swait.ge [sflag:s9], $0x1400  }
0x25: {  	[sflag:s9] =	ssyncset.done $0x0  }
0x26: {  	[sflag:s9] =	ssyncadd.s32 $0xFFFFEC00  }
0x27: {  	_ =	swait.ge [sflag:s10], $0x1400  }
0x28: {  	[sflag:s10] =	ssyncset.done $0x0  }
0x29: {  	[sflag:s10] =	ssyncadd.s32 $0xFFFFEC00  }
0x2a: {  	_ =	swait.ge [sflag:s11], $0x1400  }
0x2b: {  	[sflag:s11] =	ssyncset.done $0x0  }
0x2c: {  	[sflag:s11] =	ssyncadd.s32 $0xFFFFEC00  }
0x2d: {  	_ =	swait.ge [sflag:s15], $0x1400  }
0x2e: {  	[sflag:s15] =	ssyncset.done $0x0  }
0x2f: {  	[sflag:s15] =	ssyncadd.s32 $0xFFFFEC00  }
0x30: {  	[bflag:$0x0] =	sbarrier.arrive $0xFFFF  }
0x31: {  	s12 =	rddreg [dreg:$0x5]  }
0x32: {  	s6 =	rddreg [dreg:$0x9]  }
0x33: {  	s13 =	rddreg [dreg:$0xb]  }
0x34: {  	[hbm:s6], [sflag:s12] =	dma.local [spmem:s13], $0xC58  }
0x35: {  	s6 =	simm.s32 $0x11  }
0x36: {  	_ =	swait.ge [sflag:s6], $0xC58  }
0x37: {  	s14 =	sadd.s32 $0x1, s14;
	[sflag:s6] =	ssyncset.done $0x0;
	s6 =	rddreg [dreg:$0xa]  }
0x38: {  	p0 =	sne.s32 s14, s6  }
.Ltmp1:
0x39: {  	_ = 	snop;
	(pc) =	sbr.rel @!p0 .LBB2_5-.Ltmp1, $3  }
0x3a: {  	_ =	sdelay $0x1  }
0x3b: {  	s6 =	simm.s32 $0x11  }
0x3c: {  	[sflag:s6] =	ssyncadd.s32 $0xFFFFF3A8  }
.LBB2_1:
0x3d: {  	[dreg:$0xd] =	wrdreg s14  }
0x3e: {  	s14 =	simm.s32 $0x11;
	s6 =	rddreg [dreg:$0x4]  }
0x3f: {  	[spmem:s13], [sflag:s12] =	dma.local [hbm:s6], $0xC58  }
0x40: {  	_ =	swait.ge [sflag:s14], $0xC58  }
0x41: {  	[sflag:s14] =	ssyncset.done $0x0;
	s6 =	rddreg [dreg:$0x6]  }
0x42: {  	s13 =	rddreg [dreg:$0xc];
	[sflag:s14] =	ssyncadd.s32 $0xFFFFF3A8  }
0x43: {  	[spmem:s13], [sflag:s12] =	dma.local [hbm:s6], $0xC58  }
0x44: {  	_ =	swait.ge [sflag:s14], $0xC58  }
0x45: {  	[sflag:s14] =	ssyncset.done $0x0  }
0x46: {  	[sflag:s14] =	ssyncadd.s32 $0xFFFFF3A8  }
0x47: {  	[bflag:$0x0] =	sbarrier.arrive $0xFFFF  }
0x48: {  	s6 =	simm.s32 $0x0;
	s13 =	simm.s32 $0xC580;
	s12 =	rddreg [dreg:$0x7]  }
0x49: {  	[tilespmem:s13], [sflag:$0x11] =	stream.linear.gather [hbm4b:s12+s6], $0x2800, $0x38;
	[tilespmem:$0x1B580] =	vst v63  }
0x4a: {  	_ =	swait.ge [sflag:s14], $0x2800  }
0x4b: {  	[sflag:s14] =	ssyncset.done $0x0  }
0x4c: {  	s13 =	simm.s32 $0xED80;
	s12 =	rddreg [dreg:$0x8];
	[sflag:s14] =	ssyncadd.s32 $0xFFFFD800  }
0x4d: {  	[tilespmem:s13], [sflag:$0x11] =	stream.linear.gather [hbm4b:s12+s6], $0x2800, $0x38;
	[tilespmem:$0x1B580] =	vst v63  }
0x4e: {  	_ =	swait.ge [sflag:s14], $0x2800  }
0x4f: {  	[sflag:s14] =	ssyncset.done $0x0  }
0x50: {  	s12 =	simm.s32 $0xC580;
	[sflag:s14] =	ssyncadd.s32 $0xFFFFD800  }
0x51: {  	[tilespmem:s18], [sflag:$0x1] =	stream.indirect.gather [spmem:s3], $0x28, s12, s17, $0xb8;
	[tilespmem:$0x1B580] =	vst v63  }
0x52: {  	s13 =	simm.s32 $0xC600  }
0x53: {  	[tilespmem:s20], [sflag:$0x2] =	stream.indirect.gather [spmem:s3], $0x28, s13, s17, $0xb8;
	[tilespmem:$0x1B580] =	vst v63  }
0x54: {  	s12 =	simm.s32 $0xC680  }
0x55: {  	[tilespmem:s22], [sflag:$0x3] =	stream.indirect.gather [spmem:s3], $0x28, s12, s17, $0xb8;
	[tilespmem:$0x1B580] =	vst v63  }
0x56: {  	s13 =	simm.s32 $0xC700  }
0x57: {  	[tilespmem:s24], [sflag:$0x4] =	stream.indirect.gather [spmem:s3], $0x28, s13, s17, $0xb8;
	[tilespmem:$0x1B580] =	vst v63  }
0x58: {  	s12 =	simm.s32 $0xC780  }
0x59: {  	[tilespmem:s26], [sflag:$0x5] =	stream.indirect.gather [spmem:s3], $0x28, s12, s17, $0xb8;
	[tilespmem:$0x1B580] =	vst v63  }
0x5a: {  	s13 =	simm.s32 $0xC800  }
0x5b: {  	[tilespmem:s29], [sflag:$0x6] =	stream.indirect.gather [spmem:s3], $0x28, s13, s17, $0xb8;
	[tilespmem:$0x1B580] =	vst v63  }
0x5c: {  	s12 =	simm.s32 $0xC880  }
0x5d: {  	[tilespmem:s31], [sflag:$0x7] =	stream.indirect.gather [spmem:s3], $0x28, s12, s17, $0xb8;
	[tilespmem:$0x1B580] =	vst v63  }
0x5e: {  	s14 =	rddreg [dreg:$0xd];
	s13 =	simm.s32 $0xC900;
	s12 =	simm.s32 $0x0  }
0x5f: {  	[tilespmem:s1], [sflag:$0x8] =	stream.indirect.gather [spmem:s3], $0x28, s13, s17, $0xb8;
	[tilespmem:$0x1B580] =	vst v63  }
.LBB2_2:
0x60: {  	_ =	swait.ge [sflag:s16], $0x1400  }
0x61: {  	s6 =	sshra.s32 s12, $0x2;
	[sflag:s16] =	ssyncset.done $0x0  }
0x62: {  	s13 =	sadd.s32 $0xED80, s6;
	[sflag:s16] =	ssyncadd.s32 $0xFFFFEC00  }
0x63: {  	[spmem:s2] =	stream.indirect.scatter.add.f32 [tilespmem:s18], [sflag:$0x9], $0x28, s13, s17, $0xb8;
	[tilespmem:$0x1B580] =	vst v63  }
0x64: {  	_ =	swait.ge [sflag:s19], $0x1400  }
0x65: {  	[sflag:s19] =	ssyncset.done $0x0  }
0x66: {  	s13 =	sadd.s32 $0xEE00, s6;
	[sflag:s19] =	ssyncadd.s32 $0xFFFFEC00  }
0x67: {  	[spmem:s2] =	stream.indirect.scatter.add.f32 [tilespmem:s20], [sflag:$0xA], $0x28, s13, s17, $0xb8;
	[tilespmem:$0x1B580] =	vst v63  }
0x68: {  	_ =	swait.ge [sflag:s21], $0x1400  }
0x69: {  	[sflag:s21] =	ssyncset.done $0x0  }
0x6a: {  	s13 =	sadd.s32 $0xEE80, s6;
	[sflag:s21] =	ssyncadd.s32 $0xFFFFEC00  }
0x6b: {  	[spmem:s2] =	stream.indirect.scatter.add.f32 [tilespmem:s22], [sflag:$0xB], $0x28, s13, s17, $0xb8;
	[tilespmem:$0x1B580] =	vst v63  }
0x6c: {  	_ =	swait.ge [sflag:s23], $0x1400  }
0x6d: {  	[sflag:s23] =	ssyncset.done $0x0  }
0x6e: {  	s13 =	sadd.s32 $0xEF00, s6;
	[sflag:s23] =	ssyncadd.s32 $0xFFFFEC00  }
0x6f: {  	[spmem:s2] =	stream.indirect.scatter.add.f32 [tilespmem:s24], [sflag:$0xC], $0x28, s13, s17, $0xb8;
	[tilespmem:$0x1B580] =	vst v63  }
0x70: {  	_ =	swait.ge [sflag:s25], $0x1400  }
0x71: {  	[sflag:s25] =	ssyncset.done $0x0  }
0x72: {  	s13 =	sadd.s32 $0xEF80, s6;
	[sflag:s25] =	ssyncadd.s32 $0xFFFFEC00  }
0x73: {  	[spmem:s2] =	stream.indirect.scatter.add.f32 [tilespmem:s26], [sflag:$0xD], $0x28, s13, s17, $0xb8;
	[tilespmem:$0x1B580] =	vst v63  }
0x74: {  	_ =	swait.ge [sflag:s28], $0x1400  }
0x75: {  	[sflag:s28] =	ssyncset.done $0x0  }
0x76: {  	s13 =	sadd.s32 $0xF000, s6;
	[sflag:s28] =	ssyncadd.s32 $0xFFFFEC00  }
0x77: {  	[spmem:s2] =	stream.indirect.scatter.add.f32 [tilespmem:s29], [sflag:$0xE], $0x28, s13, s17, $0xb8;
	[tilespmem:$0x1B580] =	vst v63  }
0x78: {  	_ =	swait.ge [sflag:s30], $0x1400  }
0x79: {  	[sflag:s30] =	ssyncset.done $0x0  }
0x7a: {  	s13 =	sadd.s32 $0xF080, s6;
	[sflag:s30] =	ssyncadd.s32 $0xFFFFEC00  }
0x7b: {  	[spmem:s2] =	stream.indirect.scatter.add.f32 [tilespmem:s31], [sflag:$0xF], $0x28, s13, s17, $0xb8;
	[tilespmem:$0x1B580] =	vst v63  }
0x7c: {  	_ =	swait.ge [sflag:s0], $0x1400  }
0x7d: {  	p0 =	seq.s32 s12, $0x9000;
	[sflag:s0] =	ssyncset.done $0x0  }
.Ltmp2:
0x7e: {  	s13 =	sadd.s32 $0xF100, s6;
	[sflag:s0] =	ssyncadd.s32 $0xFFFFEC00;
	(pc) =	sbr.rel @p0 .LBB2_4-.Ltmp2, $4  }
0x7f: {  	[spmem:s2] =	stream.indirect.scatter.add.f32 [tilespmem:s1], [sflag:$0x10], $0x28, s13, s17, $0xb8;
	[tilespmem:$0x1B580] =	vst v63  }
0x80: {  	_ =	swait.ge [sflag:s4], $0x1400  }
0x81: {  	[sflag:s4] =	ssyncset.done $0x0  }
0x82: {  	[sflag:s4] =	ssyncadd.s32 $0xFFFFEC00  }
0x83: {  	s13 =	sadd.s32 $0xC980, s6  }
0x84: {  	[tilespmem:s18], [sflag:$0x1] =	stream.indirect.gather [spmem:s3], $0x28, s13, s17, $0xb8;
	[tilespmem:$0x1B580] =	vst v63  }
0x85: {  	_ =	swait.ge [sflag:s5], $0x1400  }
0x86: {  	[sflag:s5] =	ssyncset.done $0x0  }
0x87: {  	s13 =	sadd.s32 $0xCA00, s6;
	[sflag:s5] =	ssyncadd.s32 $0xFFFFEC00  }
0x88: {  	[tilespmem:s20], [sflag:$0x2] =	stream.indirect.gather [spmem:s3], $0x28, s13, s17, $0xb8;
	[tilespmem:$0x1B580] =	vst v63  }
0x89: {  	_ =	swait.ge [sflag:s7], $0x1400  }
0x8a: {  	[sflag:s7] =	ssyncset.done $0x0  }
0x8b: {  	s13 =	sadd.s32 $0xCA80, s6;
	[sflag:s7] =	ssyncadd.s32 $0xFFFFEC00  }
0x8c: {  	[tilespmem:s22], [sflag:$0x3] =	stream.indirect.gather [spmem:s3], $0x28, s13, s17, $0xb8;
	[tilespmem:$0x1B580] =	vst v63  }
0x8d: {  	_ =	swait.ge [sflag:s8], $0x1400  }
0x8e: {  	[sflag:s8] =	ssyncset.done $0x0  }
0x8f: {  	s13 =	sadd.s32 $0xCB00, s6;
	[sflag:s8] =	ssyncadd.s32 $0xFFFFEC00  }
0x90: {  	[tilespmem:s24], [sflag:$0x4] =	stream.indirect.gather [spmem:s3], $0x28, s13, s17, $0xb8;
	[tilespmem:$0x1B580] =	vst v63  }
0x91: {  	_ =	swait.ge [sflag:s9], $0x1400  }
0x92: {  	[sflag:s9] =	ssyncset.done $0x0  }
0x93: {  	s13 =	sadd.s32 $0xCB80, s6;
	[sflag:s9] =	ssyncadd.s32 $0xFFFFEC00  }
0x94: {  	[tilespmem:s26], [sflag:$0x5] =	stream.indirect.gather [spmem:s3], $0x28, s13, s17, $0xb8;
	[tilespmem:$0x1B580] =	vst v63  }
0x95: {  	_ =	swait.ge [sflag:s10], $0x1400  }
0x96: {  	[sflag:s10] =	ssyncset.done $0x0  }
0x97: {  	s13 =	sadd.s32 $0xCC00, s6;
	[sflag:s10] =	ssyncadd.s32 $0xFFFFEC00  }
0x98: {  	[tilespmem:s29], [sflag:$0x6] =	stream.indirect.gather [spmem:s3], $0x28, s13, s17, $0xb8;
	[tilespmem:$0x1B580] =	vst v63  }
0x99: {  	_ =	swait.ge [sflag:s11], $0x1400  }
0x9a: {  	[sflag:s11] =	ssyncset.done $0x0  }
0x9b: {  	s13 =	sadd.s32 $0xCC80, s6;
	[sflag:s11] =	ssyncadd.s32 $0xFFFFEC00  }
0x9c: {  	[tilespmem:s31], [sflag:$0x7] =	stream.indirect.gather [spmem:s3], $0x28, s13, s17, $0xb8;
	[tilespmem:$0x1B580] =	vst v63  }
.Ltmp3:
0x9d: {  	_ = 	snop;
	(pc) =	sbr.rel .LBB2_2-.Ltmp3, $4  }
0x9e: {  	_ =	swait.ge [sflag:s15], $0x1400  }
0x9f: {  	[sflag:s15] =	ssyncset.done $0x0  }
0xa0: {  	s12 =	sadd.s32 $0x1000, s12;
	s13 =	sadd.s32 $0xCD00, s6;
	[sflag:s15] =	ssyncadd.s32 $0xFFFFEC00  }
0xa1: {  	[tilespmem:s1], [sflag:$0x8] =	stream.indirect.gather [spmem:s3], $0x28, s13, s17, $0xb8;
	[tilespmem:$0x1B580] =	vst v63  }
.LBB2_5:
0xa2: {  	_ =	sfence.sel $0x180000  }
0xa3: {  	[bflag:$0x0] =	sbarrier.arrive $0xFFFF  }
0xa4: {  	_ =	strace $0x9000004A  }
0xa5: {  	s0 =	stileid.u32;
	[bflag:$0x2] =	sbarrier.arrive $0xFFFF  }
0xa6: {  	p0 =	sne.s32 s0, $0x0;
	s0 =	rddreg [dreg:$0x3]  }
0xa7: {  	s0 =	sadd.s32 @!p0 $0x100000, s0  }
0xa8: {  	[sflag:s0] =	ssyncadd.tile.s32 @!p0 $0x1;
	_ =	shalt  }
.Lfunc_end2:
_tile_overlayer_lowered:
.L_overlay_start_2:
0xa9: {  	(tag) =	ssettag $0x2  }
0xaa: {  	s0 =	rddreg [dreg:$0x0];
	s2 =	stileid.u32  }
0xab: {  	s1 =	rddreg [dreg:$0x1];
	p0 =	sne.s32 s2, $0x0  }
0xac: {  	s3 =	rddreg [dreg:$0x2];
	[bflag:$0x3] =	sbarrier.arrive $0xFFFF;
	s2 =	simm.s32 @!p0 $0x1C11  }
0xad: {  	[timem:s3], [sflag:s2] =	dma.local @!p0 [hbm:s0], s1  }
0xae: {  	s0 =	simm.s32 @!p0 $0x11  }
0xaf: {  	_ =	swait.ge @!p0 [sflag:s0], s1  }
0xb0: {  	s1 =	ssub.s32 @!p0 $0x0, s1;
	[sflag:s0] =	ssyncset.done @!p0 $0x0  }
0xb1: {  	[sflag:s0] =	ssyncadd.s32 @!p0 s1  }
0xb2: {  	[bflag:$0x3] =	sbarrier.arrive $0xFFFF  }
0xb3: {  	_ =	shalt  }

// kernel: kernel.14.cloned.1.call-start
scs
__scs_entry_jumppad:
0x0: {  	(pc) =	sbr.rel $0x88, $3  }
0x1: {  	(tag) =	ssettag $0x0;
	lr =	simm.s32 $0x1  }
0x2: {  	[smem:$0x3F95] =	sst lr;
	_ =	strace $0xD0000000  }
0x3: {  	_ = 	snop  }
0x4: {  	_ = 	snop  }
0x5: {  	_ = 	snop  }
0x6: {  	_ = 	snop  }
0x7: {  	_ = 	snop  }
__scs_overlays_trampoline_lowered:
0x8: {  	[smem:$0x3FA4] =	sst s0  }
0x9: {  	[smem:$0x3FA5] =	sst s1  }
0xa: {  	[smem:$0x3FA6] =	sst s2  }
0xb: {  	[smem:$0x3FA7] =	sst s3  }
0xc: {  	[smem:$0x3FA8] =	sst s4  }
0xd: {  	[smem:$0x3FA9] =	sst s5  }
0xe: {  	[smem:$0x3FAA] =	sst s6  }
0xf: {  	[smem:$0x3FAB] =	sst s7  }
0x10: {  	[smem:$0x3FAC] =	sst s8  }
0x11: {  	[smem:$0x3FAD] =	sst s9;
	s0 =	simm.s32 @!p0 $0x0  }
0x12: {  	s1 =	sld [smem:$0x3F93];
	s0 =	simm.s32 @p0 $0x1  }
0x13: {  	[smem:$0x3FAE] =	sst s0;
	s0 =	simm.s32 @!p1 $0x0  }
0x14: {  	s2 =	sld [smem:$0x3F92];
	s0 =	simm.s32 @p1 $0x1  }
0x15: {  	[smem:$0x3FAF] =	sst s0;
	s0 =	simm.s32 @!p2 $0x0  }
0x16: {  	s3 =	sld [smem:$0x3FDB];
	s0 =	simm.s32 @p2 $0x1  }
0x17: {  	s4 =	simm.s32 $0x1BF5;
	[smem:$0x3FB1] =	sst s0  }
0x18: {  	s0 =	sld [smem:$0x3F94];
	_ =	swait.ge [sflag:s4], $0x0  }
0x19: {  	s7 =	sld [smem:$0x3F95]  }
0x1a: {  	s8 =	sadd.s32 $0xFFFFE003, lr  }
0x1b: {  	s9 =	sadd.s32 $0xFFFFFEF7, lr;
	s5 =	simm.s32 $0xFFFFFFFF;
	p2 =	slt.u32 s8, $0xFFFFF086  }
0x1c: {  	p1 =	slt.u32 s9, $0xF7A;
	s5 =	simm.s32 @!p2 $0x0  }
0x1d: {  	s5 =	simm.s32 @p1 $0x1;
	p0 =	seq.s32 s7, s2  }
0x1e: {  	s7 =	smul.u32 @!p0 $0xF7A, s2;
	p2 =	seq.s32 @!p0 s5, $0x0  }
0x1f: {  	s9 =	smul.u32 $0xF7A, s1;
	s8 =	simm.s32 @!p0 $0x1BF5;
	p2 =	por !p2, p0  }
0x20: {  	[sflag:s8] =	ssyncset.s32 @!p0 $0xFFFFF086;
	s6 =	sadd.s32 @!p0 s3, s7;
	s7 =	simm.s32 @!p0 $0x108  }
0x21: {  	s3 =	sadd.s32 s3, s9;
	s6 =	sadd.s32 @!p0 $0x88, s6;
	s7 =	simm.s32 @p2 $0x1082  }
0x22: {  	[simem:s7], [sflag:s8] =	dma.local @!p0 [hbm:s6], $0xF7A  }
0x23: {  	s9 =	sor.u32 $0xD0000000, s2;
	s6 =	simm.s32 $0x108;
	_ =	swait.ge @!p0 [sflag:s8], $0x0  }
0x24: {  	s3 =	sadd.s32 $0x88, s3;
	s6 =	simm.s32 @!p1 $0x1082;
	[sflag:s4] =	ssyncset.s32 $0xFFFFF086  }
0x25: {  	[simem:s6], [sflag:s4] =	dma.local [hbm:s3], $0xF7A  }
0x26: {  	[smem:$0x3F95] =	sst s1;
	(tag) =	ssettag s2;
	_ =	strace s9  }
0x27: {  	s1 =	sld [smem:$0x3FA5]  }
0x28: {  	s2 =	sld [smem:$0x3FA6]  }
0x29: {  	s4 =	sld [smem:$0x3FA8]  }
0x2a: {  	p0 =	seq.s32 s5, $0x0;
	s5 =	sld [smem:$0x3FA9]  }
0x2b: {  	s6 =	sld [smem:$0x3FAA]  }
0x2c: {  	s7 =	sld [smem:$0x3FAB]  }
0x2d: {  	s3 =	simm.s32 $0x108;
	s8 =	sld [smem:$0x3FAC]  }
0x2e: {  	s3 =	simm.s32 @!p0 $0x1082;
	s9 =	sld [smem:$0x3FAD]  }
0x2f: {  	lr =	sadd.s32 s0, s3;
	s0 =	sld [smem:$0x3FA4]  }
0x30: {  	s3 =	sld [smem:$0x3FA7]  }
0x31: {  	[smem:$0x3FB0] =	sst s10  }
0x32: {  	s10 =	sld [smem:$0x3FAE];
	_ =	sdelay $0x3  }
0x33: {  	p0 =	seq.s32 s10, $0x1;
	s10 =	sld [smem:$0x3FB0];
	_ =	sdelay $0x3  }
0x34: {  	[smem:$0x3FB0] =	sst s10  }
0x35: {  	s10 =	sld [smem:$0x3FAF];
	_ =	sdelay $0x3  }
0x36: {  	p1 =	seq.s32 s10, $0x1;
	s10 =	sld [smem:$0x3FB0];
	_ =	sdelay $0x3  }
0x37: {  	[smem:$0x3FB0] =	sst s10  }
0x38: {  	s10 =	sld [smem:$0x3FB1]  }
0x39: {  	_ = 	snop;
	(pc) =	sbr.ind lr, $3  }
0x3a: {  	_ = 	snop  }
0x3b: {  	_ = 	snop  }
0x3c: {  	p2 =	seq.s32 s10, $0x1;
	s10 =	sld [smem:$0x3FB0]  }
0x3d: {  	_ =	shalt  }
0x3e: {  	_ =	shalt  }
0x3f: {  	_ =	shalt  }
0x40: {  	_ =	shalt  }
0x41: {  	_ =	shalt  }
0x42: {  	_ =	shalt  }
0x43: {  	_ =	shalt  }
0x44: {  	_ =	shalt  }
0x45: {  	_ =	shalt  }
0x46: {  	_ =	shalt  }
0x47: {  	_ =	shalt  }
0x48: {  	_ =	shalt  }
0x49: {  	_ =	shalt  }
0x4a: {  	_ =	shalt  }
0x4b: {  	_ =	shalt  }
0x4c: {  	_ =	shalt  }
0x4d: {  	_ =	shalt  }
0x4e: {  	_ =	shalt  }
0x4f: {  	_ =	shalt  }
0x50: {  	_ =	shalt  }
0x51: {  	_ =	shalt  }
0x52: {  	_ =	shalt  }
0x53: {  	_ =	shalt  }
0x54: {  	_ =	shalt  }
0x55: {  	_ =	shalt  }
0x56: {  	_ =	shalt  }
0x57: {  	_ =	shalt  }
0x58: {  	_ =	shalt  }
0x59: {  	_ =	shalt  }
0x5a: {  	_ =	shalt  }
0x5b: {  	_ =	shalt  }
0x5c: {  	_ =	shalt  }
0x5d: {  	_ =	shalt  }
0x5e: {  	_ =	shalt  }
0x5f: {  	_ =	shalt  }
0x60: {  	_ =	shalt  }
0x61: {  	_ =	shalt  }
0x62: {  	_ =	shalt  }
0x63: {  	_ =	shalt  }
0x64: {  	_ =	shalt  }
0x65: {  	_ =	shalt  }
0x66: {  	_ =	shalt  }
0x67: {  	_ =	shalt  }
0x68: {  	_ =	shalt  }
0x69: {  	_ =	shalt  }
0x6a: {  	_ =	shalt  }
0x6b: {  	_ =	shalt  }
0x6c: {  	_ =	shalt  }
0x6d: {  	_ =	shalt  }
0x6e: {  	_ =	shalt  }
0x6f: {  	_ =	shalt  }
0x70: {  	_ =	shalt  }
0x71: {  	_ =	shalt  }
0x72: {  	_ =	shalt  }
0x73: {  	_ =	shalt  }
0x74: {  	_ =	shalt  }
0x75: {  	_ =	shalt  }
0x76: {  	_ =	shalt  }
0x77: {  	_ =	shalt  }
0x78: {  	_ =	shalt  }
0x79: {  	_ =	shalt  }
0x7a: {  	_ =	shalt  }
0x7b: {  	_ =	shalt  }
0x7c: {  	_ =	shalt  }
0x7d: {  	_ =	shalt  }
0x7e: {  	_ =	shalt  }
0x7f: {  	_ =	shalt  }
0x80: {  	_ =	shalt  }
0x81: {  	_ =	shalt  }
0x82: {  	_ =	shalt  }
0x83: {  	_ =	shalt  }
0x84: {  	_ =	shalt  }
0x85: {  	_ =	shalt  }
0x86: {  	_ =	shalt  }
0x87: {  	_ =	shalt  }
.Lfunc_end0:
.L_simem_size_0:
called_computation.2_lowered:
.L_overlay_start_0:
0x88: {  	s2 =	sld [smem:$0x3FD9]  }
0x89: {  	s3 =	sld [smem:$0x3FFE];
	_ =	sdelay $0x1  }
0x8a: {  	s1 =	srdreg.scid  }
0x8b: {  	s0 =	sand.u32 $0x1, s1  }
0x8c: {  	s16 =	sshll.u32 s0, $0xA;
	s2 =	sadd.s32 s3, s2  }
0x8d: {  	s2 =	sadd.s32 s2, s16  }
0x8e: {  	[smem:$0x3FBC] =	sst s2  }
0x8f: {  	_ = 	snop  }
0x90: {  	(tm) =	ssettm $0x1  }
0x91: {  	s17 =	sld [smem:$0x3FFB];
	_ =	sdelay $0x3  }
0x92: {  	_ =	strace s17  }
0x93: {  	s2 =	sld [smem:$0x3FFC];
	_ =	sdelay $0x3  }
0x94: {  	_ =	strace s2  }
0x95: {  	s2 =	sld [smem:$0x3FFD];
	_ =	sdelay $0x3  }
0x96: {  	_ =	strace s2  }
0x97: {  	_ =	strace $0x8FFFFFFF  }
0x98: {  	s18 =	sld [smem:$0x3FDB];
	_ =	sdelay $0x1  }
0x99: {  	s19 =	simm.s32 $_scs_section_size  }
0x9a: {  	s4 =	simm.s32 $_size__tile_overlayer_lowered;
	s5 =	simm.s32 $_tile_overlayer_lowered  }
0x9b: {  	s22 =	simm.s32 $0x1BFF;
	s21 =	sshll.u32 s5, $0x1;
	s2 =	sadd.s32 s19, s18  }
0x9c: {  	s6 =	simm.s32 $0x0;
	s20 =	sshll.u32 s4, $0x1;
	s4 =	sadd.s32 s21, s2  }
0x9d: {  	[timem:s6], [sflag:s22] =	dma.local [hbm:s4], s20  }
0x9e: {  	_ =	swait.ge [sflag:s22], s20  }
0x9f: {  	s3 =	ssub.s32 $0x0, s20;
	[sflag:s22] =	ssyncset.done $0x0  }
0xa0: {  	[sflag:s22] =	ssyncadd.s32 s3;
	_ =	sdelay $0x1  }
0xa1: {  	s23 =	simm.s32 $0x1B8B  }
0xa2: {  	_ =	swait.ge [sflag:s23], $0x1  }
0xa3: {  	[sflag:s23] =	ssyncset.done $0x0  }
0xa4: {  	s25 =	simm.s32 $0x1B8E;
	s24 =	sld [smem:$0x3FFE];
	[sflag:s23] =	ssyncadd.s32 $0xFFFFFFFF  }
0xa5: {  	s26 =	simm.s32 $execute0_lowered;
	[smem:$0x3FD2] =	sst s25  }
0xa6: {  	s4 =	sshll.u32 s26, $0x1;
	_ =	strace $0x8000004C;
	[dreg:$0x1] =	wrdreg $0xFFFFFFFF  }
0xa7: {  	s28 =	simm.s32 $_size_execute0_lowered;
	s2 =	sadd.s32 s2, s4;
	[dreg:$0x0] =	wrdreg $0x0  }
0xa8: {  	s4 =	sshll.u32 s28, $0x1;
	[dreg:$0x2] =	wrdreg s2  }
0xa9: {  	[dreg:$0x3] =	wrdreg s4  }
0xaa: {  	[dreg:$0x4] =	wrdreg $0xC0  }
0xab: {  	_ =	task [dreg:s6], $0x5FFFF  }
0xac: {  	[dreg:$0x1] =	wrdreg $0xFFFFFFFF  }
0xad: {  	[dreg:$0x0] =	wrdreg $0x60  }
0xae: {  	[dreg:$0x2] =	wrdreg s24  }
0xaf: {  	[dreg:$0x3] =	wrdreg $0x0  }
0xb0: {  	[dreg:$0x4] =	wrdreg $0x62C00  }
0xb1: {  	[dreg:$0x5] =	wrdreg $0x9  }
0xb2: {  	_ =	task.clear_ibuf [dreg:s6], $0x6FFFF;
	_ =	strace $0x9000004C  }
0xb3: {  	s29 =	simm.s32 $0x9;
	_ =	strace $0x8000004E  }
0xb4: {  	_ =	swait.ge [sflag:s29], $0x1  }
0xb5: {  	[sflag:s29] =	ssyncadd.s32 $0xFFFFFFFF  }
0xb6: {  	_ =	strace $0x9000004E  }
0xb7: {  	_ =	sfence  }
0xb8: {  	s30 =	sld [smem:$0x0];
	_ =	sdelay $0x2  }
0xb9: {  	s31 =	sshll.u32 s1, $0xD;
	s1 =	sshrl.u32 s1, $0x2  }
0xba: {  	s3 =	sand.u32 $0x4000, s31;
	s1 =	sadd.s32 s1, s30  }
0xbb: {  	s0 =	sor.u32 s3, s0;
	s1 =	sshll.u32 s1, $0x11  }
0xbc: {  	s0 =	sor.u32 s1, s0  }
0xbd: {  	s0 =	sadd.s32 $0x8F2B, s0  }
0xbe: {  	[sflag:s0] =	ssyncadd.remote.s32 $0x1  }
0xbf: {  	_ =	sfence.sel $0xFFFF  }
0xc0: {  	[dreg:$0x0] =	wrdreg $0xFFFFFFFF;
	(pc) =	sbr.abs _section_cstart, $3  }
0xc1: {  	[dreg:$0x1] =	wrdreg $0xFFFFFFFF  }
0xc2: {  	_ =	task.clear_ibuf [dreg:s6], $0x2FFFF;
	_ =	strace $0x9FFFFFFF  }
0xc3: {  	(tm) =	ssettm $0x7FFFFFFF  }
tec
execute0_lowered:
.L_overlay_start_1:
0x0: {  	(tag) =	ssettag $0x1  }
0x1: {  	s0 =	rddreg [dreg:$0x0]  }
0x2: {  	s2 =	rddreg [dreg:$0x1]  }
0x3: {  	s3 =	rddreg [dreg:$0x2]  }
0x4: {  	s9 =	stileid.u32;
	s1 =	srdreg.scid  }
0x5: {  	s5 =	simm.s32 $0x0;
	s17 =	simm.s32 $0x80;
	s18 =	simm.s32 $0x11580  }
0x6: {  	s29 =	simm.s32 $0x17980;
	s31 =	simm.s32 $0x18D80;
	s16 =	simm.s32 $0x1  }
0x7: {  	s19 =	simm.s32 $0x2;
	s28 =	simm.s32 $0x6;
	s30 =	simm.s32 $0x7  }
0x8: {  	s10 =	simm.s32 $0xE;
	s11 =	simm.s32 $0xF;
	s15 =	simm.s32 $0x10  }
0x9: {  	s14 =	simm.s32 $0x0;
	s4 =	smul.u32 $0x62C0, s9;
	s1 =	sand.u32 $0x1, s1  }
0xa: {  	[smem:$0x7FF] =	sst s5;
	s20 =	sshll.u32 s9, $0x1;
	s23 =	sshll.u32 s9, $0x6  }
0xb: {  	s9 =	simm.s32 $0xD;
	s6 =	smul.u32 $0x62C00, s1;
	_ =	strace $0x8000004D  }
0xc: {  	s5 =	sor.u32 s1, s20;
	s1 =	ssub.s32 $0x2, s1;
	s12 =	sor.u32 $0x1C11, s23  }
0xd: {  	s20 =	simm.s32 $0x12980;
	s23 =	simm.s32 $0x4;
	s7 =	sshrl.u32 s4, $0x3  }
0xe: {  	s5 =	smul.u32 $0x500, s5;
	s8 =	sshrl.u32 s1, $0x1;
	s21 =	sadd.s32 s4, s2  }
0xf: {  	[dreg:$0x5] =	wrdreg s12;
	s6 =	sadd.s32 s4, s6;
	s7 =	sadd.s32 s7, s0  }
0x10: {  	s1 =	ssub.s32 s1, s8;
	s4 =	sadd.s32 s4, s3;
	s13 =	sshrl.u32 s21, $0x3  }
0x11: {  	s21 =	simm.s32 $0x3;
	s8 =	simm.s32 $0xC;
	s6 =	sshrl.u32 s6, $0x3  }
0x12: {  	s5 =	sadd.s32 s5, s0;
	s22 =	sadd.s32 $0x21C00, s7;
	s7 =	sadd.s32 $0x15600, s7  }
0x13: {  	s25 =	smax.u32 s1, $0x1;
	s26 =	sshrl.u32 s4, $0x3;
	[dreg:$0xb] =	wrdreg s13  }
0x14: {  	s1 =	simm.s32 $0x1A180;
	s4 =	simm.s32 $0x9;
	[dreg:$0x4] =	wrdreg s22  }
0x15: {  	s0 =	sadd.s32 s6, s0;
	[dreg:$0x6] =	wrdreg s7;
	s24 =	sadd.s32 $0x1600, s5  }
.Ltmp0:
0x16: {  	s5 =	sadd.s32 $0xB600, s5;
	[dreg:$0xa] =	wrdreg s25;
	(pc) =	sbr.rel .LBB2_1-.Ltmp0, $4  }
0x17: {  	[dreg:$0xc] =	wrdreg s26;
	s22 =	simm.s32 $0x13D80;
	s26 =	simm.s32 $0x16580  }
0x18: {  	s25 =	simm.s32 $0x5;
	s7 =	simm.s32 $0xB;
	[dreg:$0x7] =	wrdreg s24  }
0x19: {  	[dreg:$0x8] =	wrdreg s5;
	s0 =	sadd.s32 $0x2E200, s0;
	s24 =	simm.s32 $0x15180  }
0x1a: {  	s5 =	simm.s32 $0xA;
	[dreg:$0x9] =	wrdreg s0;
	s0 =	simm.s32 $0x8  }
.LBB2_4:
0x1b: {  	_ =	swait.ge [sflag:s5], $0x1400  }
0x1c: {  	[sflag:s5] =	ssyncset.done $0x0  }
0x1d: {  	[sflag:s5] =	ssyncadd.s32 $0xFFFFEC00  }
0x1e: {  	_ =	swait.ge [sflag:s7], $0x1400  }
0x1f: {  	[sflag:s7] =	ssyncset.done $0x0  }
0x20: {  	[sflag:s7] =	ssyncadd.s32 $0xFFFFEC00  }
0x21: {  	_ =	swait.ge [sflag:s8], $0x1400  }
0x22: {  	[sflag:s8] =	ssyncset.done $0x0  }
0x23: {  	[sflag:s8] =	ssyncadd.s32 $0xFFFFEC00  }
0x24: {  	_ =	swait.ge [sflag:s9], $0x1400  }
0x25: {  	[sflag:s9] =	ssyncset.done $0x0  }
0x26: {  	[sflag:s9] =	ssyncadd.s32 $0xFFFFEC00  }
0x27: {  	_ =	swait.ge [sflag:s10], $0x1400  }
0x28: {  	[sflag:s10] =	ssyncset.done $0x0  }
0x29: {  	[sflag:s10] =	ssyncadd.s32 $0xFFFFEC00  }
0x2a: {  	_ =	swait.ge [sflag:s11], $0x1400  }
0x2b: {  	[sflag:s11] =	ssyncset.done $0x0  }
0x2c: {  	[sflag:s11] =	ssyncadd.s32 $0xFFFFEC00  }
0x2d: {  	_ =	swait.ge [sflag:s15], $0x1400  }
0x2e: {  	[sflag:s15] =	ssyncset.done $0x0  }
0x2f: {  	[sflag:s15] =	ssyncadd.s32 $0xFFFFEC00  }
0x30: {  	[bflag:$0x0] =	sbarrier.arrive $0xFFFF  }
0x31: {  	s12 =	rddreg [dreg:$0x5]  }
0x32: {  	s6 =	rddreg [dreg:$0x9]  }
0x33: {  	s13 =	rddreg [dreg:$0xb]  }
0x34: {  	[hbm:s6], [sflag:s12] =	dma.local [spmem:s13], $0xC58  }
0x35: {  	s6 =	simm.s32 $0x11  }
0x36: {  	_ =	swait.ge [sflag:s6], $0xC58  }
0x37: {  	s14 =	sadd.s32 $0x1, s14;
	[sflag:s6] =	ssyncset.done $0x0;
	s6 =	rddreg [dreg:$0xa]  }
0x38: {  	p0 =	sne.s32 s14, s6  }
.Ltmp1:
0x39: {  	_ = 	snop;
	(pc) =	sbr.rel @!p0 .LBB2_5-.Ltmp1, $3  }
0x3a: {  	_ =	sdelay $0x1  }
0x3b: {  	s6 =	simm.s32 $0x11  }
0x3c: {  	[sflag:s6] =	ssyncadd.s32 $0xFFFFF3A8  }
.LBB2_1:
0x3d: {  	[dreg:$0xd] =	wrdreg s14  }
0x3e: {  	s14 =	simm.s32 $0x11;
	s6 =	rddreg [dreg:$0x4]  }
0x3f: {  	[spmem:s13], [sflag:s12] =	dma.local [hbm:s6], $0xC58  }
0x40: {  	_ =	swait.ge [sflag:s14], $0xC58  }
0x41: {  	[sflag:s14] =	ssyncset.done $0x0;
	s6 =	rddreg [dreg:$0x6]  }
0x42: {  	s13 =	rddreg [dreg:$0xc];
	[sflag:s14] =	ssyncadd.s32 $0xFFFFF3A8  }
0x43: {  	[spmem:s13], [sflag:s12] =	dma.local [hbm:s6], $0xC58  }
0x44: {  	_ =	swait.ge [sflag:s14], $0xC58  }
0x45: {  	[sflag:s14] =	ssyncset.done $0x0  }
0x46: {  	[sflag:s14] =	ssyncadd.s32 $0xFFFFF3A8  }
0x47: {  	[bflag:$0x0] =	sbarrier.arrive $0xFFFF  }
0x48: {  	s6 =	simm.s32 $0x0;
	s13 =	simm.s32 $0xC580;
	s12 =	rddreg [dreg:$0x7]  }
0x49: {  	[tilespmem:s13], [sflag:$0x11] =	stream.linear.gather [hbm4b:s12+s6], $0x2800, $0x38;
	[tilespmem:$0x1B580] =	vst v63  }
0x4a: {  	_ =	swait.ge [sflag:s14], $0x2800  }
0x4b: {  	[sflag:s14] =	ssyncset.done $0x0  }
0x4c: {  	s13 =	simm.s32 $0xED80;
	s12 =	rddreg [dreg:$0x8];
	[sflag:s14] =	ssyncadd.s32 $0xFFFFD800  }
0x4d: {  	[tilespmem:s13], [sflag:$0x11] =	stream.linear.gather [hbm4b:s12+s6], $0x2800, $0x38;
	[tilespmem:$0x1B580] =	vst v63  }
0x4e: {  	_ =	swait.ge [sflag:s14], $0x2800  }
0x4f: {  	[sflag:s14] =	ssyncset.done $0x0  }
0x50: {  	s12 =	simm.s32 $0xC580;
	[sflag:s14] =	ssyncadd.s32 $0xFFFFD800  }
0x51: {  	[tilespmem:s18], [sflag:$0x1] =	stream.indirect.gather [spmem:s3], $0x28, s12, s17, $0xb8;
	[tilespmem:$0x1B580] =	vst v63  }
0x52: {  	s13 =	simm.s32 $0xC600  }
0x53: {  	[tilespmem:s20], [sflag:$0x2] =	stream.indirect.gather [spmem:s3], $0x28, s13, s17, $0xb8;
	[tilespmem:$0x1B580] =	vst v63  }
0x54: {  	s12 =	simm.s32 $0xC680  }
0x55: {  	[tilespmem:s22], [sflag:$0x3] =	stream.indirect.gather [spmem:s3], $0x28, s12, s17, $0xb8;
	[tilespmem:$0x1B580] =	vst v63  }
0x56: {  	s13 =	simm.s32 $0xC700  }
0x57: {  	[tilespmem:s24], [sflag:$0x4] =	stream.indirect.gather [spmem:s3], $0x28, s13, s17, $0xb8;
	[tilespmem:$0x1B580] =	vst v63  }
0x58: {  	s12 =	simm.s32 $0xC780  }
0x59: {  	[tilespmem:s26], [sflag:$0x5] =	stream.indirect.gather [spmem:s3], $0x28, s12, s17, $0xb8;
	[tilespmem:$0x1B580] =	vst v63  }
0x5a: {  	s13 =	simm.s32 $0xC800  }
0x5b: {  	[tilespmem:s29], [sflag:$0x6] =	stream.indirect.gather [spmem:s3], $0x28, s13, s17, $0xb8;
	[tilespmem:$0x1B580] =	vst v63  }
0x5c: {  	s12 =	simm.s32 $0xC880  }
0x5d: {  	[tilespmem:s31], [sflag:$0x7] =	stream.indirect.gather [spmem:s3], $0x28, s12, s17, $0xb8;
	[tilespmem:$0x1B580] =	vst v63  }
0x5e: {  	s14 =	rddreg [dreg:$0xd];
	s13 =	simm.s32 $0xC900;
	s12 =	simm.s32 $0x0  }
0x5f: {  	[tilespmem:s1], [sflag:$0x8] =	stream.indirect.gather [spmem:s3], $0x28, s13, s17, $0xb8;
	[tilespmem:$0x1B580] =	vst v63  }
.LBB2_2:
0x60: {  	_ =	swait.ge [sflag:s16], $0x1400  }
0x61: {  	s6 =	sshra.s32 s12, $0x2;
	[sflag:s16] =	ssyncset.done $0x0  }
0x62: {  	s13 =	sadd.s32 $0xED80, s6;
	[sflag:s16] =	ssyncadd.s32 $0xFFFFEC00  }
0x63: {  	[spmem:s2] =	stream.indirect.scatter.add.f32 [tilespmem:s18], [sflag:$0x9], $0x28, s13, s17, $0xb8;
	[tilespmem:$0x1B580] =	vst v63  }
0x64: {  	_ =	swait.ge [sflag:s19], $0x1400  }
0x65: {  	[sflag:s19] =	ssyncset.done $0x0  }
0x66: {  	s13 =	sadd.s32 $0xEE00, s6;
	[sflag:s19] =	ssyncadd.s32 $0xFFFFEC00  }
0x67: {  	[spmem:s2] =	stream.indirect.scatter.add.f32 [tilespmem:s20], [sflag:$0xA], $0x28, s13, s17, $0xb8;
	[tilespmem:$0x1B580] =	vst v63  }
0x68: {  	_ =	swait.ge [sflag:s21], $0x1400  }
0x69: {  	[sflag:s21] =	ssyncset.done $0x0  }
0x6a: {  	s13 =	sadd.s32 $0xEE80, s6;
	[sflag:s21] =	ssyncadd.s32 $0xFFFFEC00  }
0x6b: {  	[spmem:s2] =	stream.indirect.scatter.add.f32 [tilespmem:s22], [sflag:$0xB], $0x28, s13, s17, $0xb8;
	[tilespmem:$0x1B580] =	vst v63  }
0x6c: {  	_ =	swait.ge [sflag:s23], $0x1400  }
0x6d: {  	[sflag:s23] =	ssyncset.done $0x0  }
0x6e: {  	s13 =	sadd.s32 $0xEF00, s6;
	[sflag:s23] =	ssyncadd.s32 $0xFFFFEC00  }
0x6f: {  	[spmem:s2] =	stream.indirect.scatter.add.f32 [tilespmem:s24], [sflag:$0xC], $0x28, s13, s17, $0xb8;
	[tilespmem:$0x1B580] =	vst v63  }
0x70: {  	_ =	swait.ge [sflag:s25], $0x1400  }
0x71: {  	[sflag:s25] =	ssyncset.done $0x0  }
0x72: {  	s13 =	sadd.s32 $0xEF80, s6;
	[sflag:s25] =	ssyncadd.s32 $0xFFFFEC00  }
0x73: {  	[spmem:s2] =	stream.indirect.scatter.add.f32 [tilespmem:s26], [sflag:$0xD], $0x28, s13, s17, $0xb8;
	[tilespmem:$0x1B580] =	vst v63  }
0x74: {  	_ =	swait.ge [sflag:s28], $0x1400  }
0x75: {  	[sflag:s28] =	ssyncset.done $0x0  }
0x76: {  	s13 =	sadd.s32 $0xF000, s6;
	[sflag:s28] =	ssyncadd.s32 $0xFFFFEC00  }
0x77: {  	[spmem:s2] =	stream.indirect.scatter.add.f32 [tilespmem:s29], [sflag:$0xE], $0x28, s13, s17, $0xb8;
	[tilespmem:$0x1B580] =	vst v63  }
0x78: {  	_ =	swait.ge [sflag:s30], $0x1400  }
0x79: {  	[sflag:s30] =	ssyncset.done $0x0  }
0x7a: {  	s13 =	sadd.s32 $0xF080, s6;
	[sflag:s30] =	ssyncadd.s32 $0xFFFFEC00  }
0x7b: {  	[spmem:s2] =	stream.indirect.scatter.add.f32 [tilespmem:s31], [sflag:$0xF], $0x28, s13, s17, $0xb8;
	[tilespmem:$0x1B580] =	vst v63  }
0x7c: {  	_ =	swait.ge [sflag:s0], $0x1400  }
0x7d: {  	p0 =	seq.s32 s12, $0x9000;
	[sflag:s0] =	ssyncset.done $0x0  }
.Ltmp2:
0x7e: {  	s13 =	sadd.s32 $0xF100, s6;
	[sflag:s0] =	ssyncadd.s32 $0xFFFFEC00;
	(pc) =	sbr.rel @p0 .LBB2_4-.Ltmp2, $4  }
0x7f: {  	[spmem:s2] =	stream.indirect.scatter.add.f32 [tilespmem:s1], [sflag:$0x10], $0x28, s13, s17, $0xb8;
	[tilespmem:$0x1B580] =	vst v63  }
0x80: {  	_ =	swait.ge [sflag:s4], $0x1400  }
0x81: {  	[sflag:s4] =	ssyncset.done $0x0  }
0x82: {  	[sflag:s4] =	ssyncadd.s32 $0xFFFFEC00  }
0x83: {  	s13 =	sadd.s32 $0xC980, s6  }
0x84: {  	[tilespmem:s18], [sflag:$0x1] =	stream.indirect.gather [spmem:s3], $0x28, s13, s17, $0xb8;
	[tilespmem:$0x1B580] =	vst v63  }
0x85: {  	_ =	swait.ge [sflag:s5], $0x1400  }
0x86: {  	[sflag:s5] =	ssyncset.done $0x0  }
0x87: {  	s13 =	sadd.s32 $0xCA00, s6;
	[sflag:s5] =	ssyncadd.s32 $0xFFFFEC00  }
0x88: {  	[tilespmem:s20], [sflag:$0x2] =	stream.indirect.gather [spmem:s3], $0x28, s13, s17, $0xb8;
	[tilespmem:$0x1B580] =	vst v63  }
0x89: {  	_ =	swait.ge [sflag:s7], $0x1400  }
0x8a: {  	[sflag:s7] =	ssyncset.done $0x0  }
0x8b: {  	s13 =	sadd.s32 $0xCA80, s6;
	[sflag:s7] =	ssyncadd.s32 $0xFFFFEC00  }
0x8c: {  	[tilespmem:s22], [sflag:$0x3] =	stream.indirect.gather [spmem:s3], $0x28, s13, s17, $0xb8;
	[tilespmem:$0x1B580] =	vst v63  }
0x8d: {  	_ =	swait.ge [sflag:s8], $0x1400  }
0x8e: {  	[sflag:s8] =	ssyncset.done $0x0  }
0x8f: {  	s13 =	sadd.s32 $0xCB00, s6;
	[sflag:s8] =	ssyncadd.s32 $0xFFFFEC00  }
0x90: {  	[tilespmem:s24], [sflag:$0x4] =	stream.indirect.gather [spmem:s3], $0x28, s13, s17, $0xb8;
	[tilespmem:$0x1B580] =	vst v63  }
0x91: {  	_ =	swait.ge [sflag:s9], $0x1400  }
0x92: {  	[sflag:s9] =	ssyncset.done $0x0  }
0x93: {  	s13 =	sadd.s32 $0xCB80, s6;
	[sflag:s9] =	ssyncadd.s32 $0xFFFFEC00  }
0x94: {  	[tilespmem:s26], [sflag:$0x5] =	stream.indirect.gather [spmem:s3], $0x28, s13, s17, $0xb8;
	[tilespmem:$0x1B580] =	vst v63  }
0x95: {  	_ =	swait.ge [sflag:s10], $0x1400  }
0x96: {  	[sflag:s10] =	ssyncset.done $0x0  }
0x97: {  	s13 =	sadd.s32 $0xCC00, s6;
	[sflag:s10] =	ssyncadd.s32 $0xFFFFEC00  }
0x98: {  	[tilespmem:s29], [sflag:$0x6] =	stream.indirect.gather [spmem:s3], $0x28, s13, s17, $0xb8;
	[tilespmem:$0x1B580] =	vst v63  }
0x99: {  	_ =	swait.ge [sflag:s11], $0x1400  }
0x9a: {  	[sflag:s11] =	ssyncset.done $0x0  }
0x9b: {  	s13 =	sadd.s32 $0xCC80, s6;
	[sflag:s11] =	ssyncadd.s32 $0xFFFFEC00  }
0x9c: {  	[tilespmem:s31], [sflag:$0x7] =	stream.indirect.gather [spmem:s3], $0x28, s13, s17, $0xb8;
	[tilespmem:$0x1B580] =	vst v63  }
.Ltmp3:
0x9d: {  	_ = 	snop;
	(pc) =	sbr.rel .LBB2_2-.Ltmp3, $4  }
0x9e: {  	_ =	swait.ge [sflag:s15], $0x1400  }
0x9f: {  	[sflag:s15] =	ssyncset.done $0x0  }
0xa0: {  	s12 =	sadd.s32 $0x1000, s12;
	s13 =	sadd.s32 $0xCD00, s6;
	[sflag:s15] =	ssyncadd.s32 $0xFFFFEC00  }
0xa1: {  	[tilespmem:s1], [sflag:$0x8] =	stream.indirect.gather [spmem:s3], $0x28, s13, s17, $0xb8;
	[tilespmem:$0x1B580] =	vst v63  }
.LBB2_5:
0xa2: {  	_ =	sfence.sel $0x180000  }
0xa3: {  	[bflag:$0x0] =	sbarrier.arrive $0xFFFF  }
0xa4: {  	_ =	strace $0x9000004D  }
0xa5: {  	s0 =	stileid.u32;
	[bflag:$0x2] =	sbarrier.arrive $0xFFFF  }
0xa6: {  	p0 =	sne.s32 s0, $0x0;
	s0 =	rddreg [dreg:$0x3]  }
0xa7: {  	s0 =	sadd.s32 @!p0 $0x100000, s0  }
0xa8: {  	[sflag:s0] =	ssyncadd.tile.s32 @!p0 $0x1;
	_ =	shalt  }
.Lfunc_end2:
_tile_overlayer_lowered:
.L_overlay_start_2:
0xa9: {  	(tag) =	ssettag $0x2  }
0xaa: {  	s0 =	rddreg [dreg:$0x0];
	s2 =	stileid.u32  }
0xab: {  	s1 =	rddreg [dreg:$0x1];
	p0 =	sne.s32 s2, $0x0  }
0xac: {  	s3 =	rddreg [dreg:$0x2];
	[bflag:$0x3] =	sbarrier.arrive $0xFFFF;
	s2 =	simm.s32 @!p0 $0x1C11  }
0xad: {  	[timem:s3], [sflag:s2] =	dma.local @!p0 [hbm:s0], s1  }
0xae: {  	s0 =	simm.s32 @!p0 $0x11  }
0xaf: {  	_ =	swait.ge @!p0 [sflag:s0], s1  }
0xb0: {  	s1 =	ssub.s32 @!p0 $0x0, s1;
	[sflag:s0] =	ssyncset.done @!p0 $0x0  }
0xb1: {  	[sflag:s0] =	ssyncadd.s32 @!p0 s1  }
0xb2: {  	[bflag:$0x3] =	sbarrier.arrive $0xFFFF  }
0xb3: {  	_ =	shalt  }

// kernel: kernel.8.cloned.1.call-start
scs
__scs_entry_jumppad:
0x0: {  	(pc) =	sbr.rel $0x88, $3  }
0x1: {  	(tag) =	ssettag $0x0;
	lr =	simm.s32 $0x1  }
0x2: {  	[smem:$0x3F95] =	sst lr;
	_ =	strace $0xD0000000  }
0x3: {  	_ = 	snop  }
0x4: {  	_ = 	snop  }
0x5: {  	_ = 	snop  }
0x6: {  	_ = 	snop  }
0x7: {  	_ = 	snop  }
__scs_overlays_trampoline_lowered:
0x8: {  	[smem:$0x3FA4] =	sst s0  }
0x9: {  	[smem:$0x3FA5] =	sst s1  }
0xa: {  	[smem:$0x3FA6] =	sst s2  }
0xb: {  	[smem:$0x3FA7] =	sst s3  }
0xc: {  	[smem:$0x3FA8] =	sst s4  }
0xd: {  	[smem:$0x3FA9] =	sst s5  }
0xe: {  	[smem:$0x3FAA] =	sst s6  }
0xf: {  	[smem:$0x3FAB] =	sst s7  }
0x10: {  	[smem:$0x3FAC] =	sst s8  }
0x11: {  	[smem:$0x3FAD] =	sst s9;
	s0 =	simm.s32 @!p0 $0x0  }
0x12: {  	s1 =	sld [smem:$0x3F93];
	s0 =	simm.s32 @p0 $0x1  }
0x13: {  	[smem:$0x3FAE] =	sst s0;
	s0 =	simm.s32 @!p1 $0x0  }
0x14: {  	s2 =	sld [smem:$0x3F92];
	s0 =	simm.s32 @p1 $0x1  }
0x15: {  	[smem:$0x3FAF] =	sst s0;
	s0 =	simm.s32 @!p2 $0x0  }
0x16: {  	s3 =	sld [smem:$0x3FDB];
	s0 =	simm.s32 @p2 $0x1  }
0x17: {  	s4 =	simm.s32 $0x1BF5;
	[smem:$0x3FB1] =	sst s0  }
0x18: {  	s0 =	sld [smem:$0x3F94];
	_ =	swait.ge [sflag:s4], $0x0  }
0x19: {  	s7 =	sld [smem:$0x3F95]  }
0x1a: {  	s8 =	sadd.s32 $0xFFFFE003, lr  }
0x1b: {  	s9 =	sadd.s32 $0xFFFFFEF7, lr;
	s5 =	simm.s32 $0xFFFFFFFF;
	p2 =	slt.u32 s8, $0xFFFFF086  }
0x1c: {  	p1 =	slt.u32 s9, $0xF7A;
	s5 =	simm.s32 @!p2 $0x0  }
0x1d: {  	s5 =	simm.s32 @p1 $0x1;
	p0 =	seq.s32 s7, s2  }
0x1e: {  	s7 =	smul.u32 @!p0 $0xF7A, s2;
	p2 =	seq.s32 @!p0 s5, $0x0  }
0x1f: {  	s9 =	smul.u32 $0xF7A, s1;
	s8 =	simm.s32 @!p0 $0x1BF5;
	p2 =	por !p2, p0  }
0x20: {  	[sflag:s8] =	ssyncset.s32 @!p0 $0xFFFFF086;
	s6 =	sadd.s32 @!p0 s3, s7;
	s7 =	simm.s32 @!p0 $0x108  }
0x21: {  	s3 =	sadd.s32 s3, s9;
	s6 =	sadd.s32 @!p0 $0x88, s6;
	s7 =	simm.s32 @p2 $0x1082  }
0x22: {  	[simem:s7], [sflag:s8] =	dma.local @!p0 [hbm:s6], $0xF7A  }
0x23: {  	s9 =	sor.u32 $0xD0000000, s2;
	s6 =	simm.s32 $0x108;
	_ =	swait.ge @!p0 [sflag:s8], $0x0  }
0x24: {  	s3 =	sadd.s32 $0x88, s3;
	s6 =	simm.s32 @!p1 $0x1082;
	[sflag:s4] =	ssyncset.s32 $0xFFFFF086  }
0x25: {  	[simem:s6], [sflag:s4] =	dma.local [hbm:s3], $0xF7A  }
0x26: {  	[smem:$0x3F95] =	sst s1;
	(tag) =	ssettag s2;
	_ =	strace s9  }
0x27: {  	s1 =	sld [smem:$0x3FA5]  }
0x28: {  	s2 =	sld [smem:$0x3FA6]  }
0x29: {  	s4 =	sld [smem:$0x3FA8]  }
0x2a: {  	p0 =	seq.s32 s5, $0x0;
	s5 =	sld [smem:$0x3FA9]  }
0x2b: {  	s6 =	sld [smem:$0x3FAA]  }
0x2c: {  	s7 =	sld [smem:$0x3FAB]  }
0x2d: {  	s3 =	simm.s32 $0x108;
	s8 =	sld [smem:$0x3FAC]  }
0x2e: {  	s3 =	simm.s32 @!p0 $0x1082;
	s9 =	sld [smem:$0x3FAD]  }
0x2f: {  	lr =	sadd.s32 s0, s3;
	s0 =	sld [smem:$0x3FA4]  }
0x30: {  	s3 =	sld [smem:$0x3FA7]  }
0x31: {  	[smem:$0x3FB0] =	sst s10  }
0x32: {  	s10 =	sld [smem:$0x3FAE];
	_ =	sdelay $0x3  }
0x33: {  	p0 =	seq.s32 s10, $0x1;
	s10 =	sld [smem:$0x3FB0];
	_ =	sdelay $0x3  }
0x34: {  	[smem:$0x3FB0] =	sst s10  }
0x35: {  	s10 =	sld [smem:$0x3FAF];
	_ =	sdelay $0x3  }
0x36: {  	p1 =	seq.s32 s10, $0x1;
	s10 =	sld [smem:$0x3FB0];
	_ =	sdelay $0x3  }
0x37: {  	[smem:$0x3FB0] =	sst s10  }
0x38: {  	s10 =	sld [smem:$0x3FB1]  }
0x39: {  	_ = 	snop;
	(pc) =	sbr.ind lr, $3  }
0x3a: {  	_ = 	snop  }
0x3b: {  	_ = 	snop  }
0x3c: {  	p2 =	seq.s32 s10, $0x1;
	s10 =	sld [smem:$0x3FB0]  }
0x3d: {  	_ =	shalt  }
0x3e: {  	_ =	shalt  }
0x3f: {  	_ =	shalt  }
0x40: {  	_ =	shalt  }
0x41: {  	_ =	shalt  }
0x42: {  	_ =	shalt  }
0x43: {  	_ =	shalt  }
0x44: {  	_ =	shalt  }
0x45: {  	_ =	shalt  }
0x46: {  	_ =	shalt  }
0x47: {  	_ =	shalt  }
0x48: {  	_ =	shalt  }
0x49: {  	_ =	shalt  }
0x4a: {  	_ =	shalt  }
0x4b: {  	_ =	shalt  }
0x4c: {  	_ =	shalt  }
0x4d: {  	_ =	shalt  }
0x4e: {  	_ =	shalt  }
0x4f: {  	_ =	shalt  }
0x50: {  	_ =	shalt  }
0x51: {  	_ =	shalt  }
0x52: {  	_ =	shalt  }
0x53: {  	_ =	shalt  }
0x54: {  	_ =	shalt  }
0x55: {  	_ =	shalt  }
0x56: {  	_ =	shalt  }
0x57: {  	_ =	shalt  }
0x58: {  	_ =	shalt  }
0x59: {  	_ =	shalt  }
0x5a: {  	_ =	shalt  }
0x5b: {  	_ =	shalt  }
0x5c: {  	_ =	shalt  }
0x5d: {  	_ =	shalt  }
0x5e: {  	_ =	shalt  }
0x5f: {  	_ =	shalt  }
0x60: {  	_ =	shalt  }
0x61: {  	_ =	shalt  }
0x62: {  	_ =	shalt  }
0x63: {  	_ =	shalt  }
0x64: {  	_ =	shalt  }
0x65: {  	_ =	shalt  }
0x66: {  	_ =	shalt  }
0x67: {  	_ =	shalt  }
0x68: {  	_ =	shalt  }
0x69: {  	_ =	shalt  }
0x6a: {  	_ =	shalt  }
0x6b: {  	_ =	shalt  }
0x6c: {  	_ =	shalt  }
0x6d: {  	_ =	shalt  }
0x6e: {  	_ =	shalt  }
0x6f: {  	_ =	shalt  }
0x70: {  	_ =	shalt  }
0x71: {  	_ =	shalt  }
0x72: {  	_ =	shalt  }
0x73: {  	_ =	shalt  }
0x74: {  	_ =	shalt  }
0x75: {  	_ =	shalt  }
0x76: {  	_ =	shalt  }
0x77: {  	_ =	shalt  }
0x78: {  	_ =	shalt  }
0x79: {  	_ =	shalt  }
0x7a: {  	_ =	shalt  }
0x7b: {  	_ =	shalt  }
0x7c: {  	_ =	shalt  }
0x7d: {  	_ =	shalt  }
0x7e: {  	_ =	shalt  }
0x7f: {  	_ =	shalt  }
0x80: {  	_ =	shalt  }
0x81: {  	_ =	shalt  }
0x82: {  	_ =	shalt  }
0x83: {  	_ =	shalt  }
0x84: {  	_ =	shalt  }
0x85: {  	_ =	shalt  }
0x86: {  	_ =	shalt  }
0x87: {  	_ =	shalt  }
.Lfunc_end0:
.L_simem_size_0:
called_computation_lowered:
.L_overlay_start_0:
0x88: {  	s2 =	sld [smem:$0x3FD9]  }
0x89: {  	s3 =	sld [smem:$0x3FFE];
	_ =	sdelay $0x1  }
0x8a: {  	s1 =	srdreg.scid  }
0x8b: {  	s0 =	sand.u32 $0x1, s1  }
0x8c: {  	s16 =	sshll.u32 s0, $0xA;
	s2 =	sadd.s32 s3, s2  }
0x8d: {  	s2 =	sadd.s32 s2, s16  }
0x8e: {  	[smem:$0x3FBC] =	sst s2  }
0x8f: {  	_ = 	snop  }
0x90: {  	(tm) =	ssettm $0x1  }
0x91: {  	s17 =	sld [smem:$0x3FFB];
	_ =	sdelay $0x3  }
0x92: {  	_ =	strace s17  }
0x93: {  	s2 =	sld [smem:$0x3FFC];
	_ =	sdelay $0x3  }
0x94: {  	_ =	strace s2  }
0x95: {  	s2 =	sld [smem:$0x3FFD];
	_ =	sdelay $0x3  }
0x96: {  	_ =	strace s2  }
0x97: {  	_ =	strace $0x8FFFFFFF  }
0x98: {  	s18 =	sld [smem:$0x3FDB];
	_ =	sdelay $0x1  }
0x99: {  	s19 =	simm.s32 $_scs_section_size  }
0x9a: {  	s4 =	simm.s32 $_size__tile_overlayer_lowered;
	s5 =	simm.s32 $_tile_overlayer_lowered  }
0x9b: {  	s22 =	simm.s32 $0x1BFF;
	s21 =	sshll.u32 s5, $0x1;
	s2 =	sadd.s32 s19, s18  }
0x9c: {  	s6 =	simm.s32 $0x0;
	s20 =	sshll.u32 s4, $0x1;
	s4 =	sadd.s32 s21, s2  }
0x9d: {  	[timem:s6], [sflag:s22] =	dma.local [hbm:s4], s20  }
0x9e: {  	_ =	swait.ge [sflag:s22], s20  }
0x9f: {  	s3 =	ssub.s32 $0x0, s20;
	[sflag:s22] =	ssyncset.done $0x0  }
0xa0: {  	[sflag:s22] =	ssyncadd.s32 s3;
	_ =	sdelay $0x1  }
0xa1: {  	s23 =	simm.s32 $0x1B8B  }
0xa2: {  	_ =	swait.ge [sflag:s23], $0x1  }
0xa3: {  	[sflag:s23] =	ssyncset.done $0x0  }
0xa4: {  	s25 =	simm.s32 $0x1B8E;
	s24 =	sld [smem:$0x3FFE];
	[sflag:s23] =	ssyncadd.s32 $0xFFFFFFFF  }
0xa5: {  	s26 =	simm.s32 $execute0_lowered;
	[smem:$0x3FD2] =	sst s25  }
0xa6: {  	s4 =	sshll.u32 s26, $0x1;
	_ =	strace $0x80000046;
	[dreg:$0x1] =	wrdreg $0xFFFFFFFF  }
0xa7: {  	s28 =	simm.s32 $_size_execute0_lowered;
	s2 =	sadd.s32 s2, s4;
	[dreg:$0x0] =	wrdreg $0x0  }
0xa8: {  	s4 =	sshll.u32 s28, $0x1;
	[dreg:$0x2] =	wrdreg s2  }
0xa9: {  	[dreg:$0x3] =	wrdreg s4  }
0xaa: {  	[dreg:$0x4] =	wrdreg $0xC0  }
0xab: {  	_ =	task [dreg:s6], $0x5FFFF  }
0xac: {  	[dreg:$0x1] =	wrdreg $0xFFFFFFFF  }
0xad: {  	[dreg:$0x0] =	wrdreg $0x60  }
0xae: {  	[dreg:$0x2] =	wrdreg s24  }
0xaf: {  	[dreg:$0x3] =	wrdreg $0x9  }
0xb0: {  	_ =	task.clear_ibuf [dreg:s6], $0x4FFFF;
	_ =	strace $0x90000046  }
0xb1: {  	s29 =	simm.s32 $0x9;
	_ =	strace $0x80000048  }
0xb2: {  	_ =	swait.ge [sflag:s29], $0x1  }
0xb3: {  	[sflag:s29] =	ssyncadd.s32 $0xFFFFFFFF  }
0xb4: {  	_ =	strace $0x90000048  }
0xb5: {  	_ =	sfence  }
0xb6: {  	s30 =	sld [smem:$0x0];
	_ =	sdelay $0x2  }
0xb7: {  	s31 =	sshll.u32 s1, $0xD;
	s1 =	sshrl.u32 s1, $0x2  }
0xb8: {  	s3 =	sand.u32 $0x4000, s31;
	s1 =	sadd.s32 s1, s30  }
0xb9: {  	s0 =	sor.u32 s3, s0;
	s1 =	sshll.u32 s1, $0x11  }
0xba: {  	s0 =	sor.u32 s1, s0  }
0xbb: {  	s0 =	sadd.s32 $0x8F2B, s0  }
0xbc: {  	[sflag:s0] =	ssyncadd.remote.s32 $0x1  }
0xbd: {  	_ =	sfence.sel $0xFFFF  }
0xbe: {  	[dreg:$0x0] =	wrdreg $0xFFFFFFFF;
	(pc) =	sbr.abs _section_cstart, $3  }
0xbf: {  	[dreg:$0x1] =	wrdreg $0xFFFFFFFF  }
0xc0: {  	_ =	task.clear_ibuf [dreg:s6], $0x2FFFF;
	_ =	strace $0x9FFFFFFF  }
0xc1: {  	(tm) =	ssettm $0x7FFFFFFF  }
tec
execute0_lowered:
.L_overlay_start_1:
0x0: {  	(tag) =	ssettag $0x1  }
0x1: {  	s1 =	srdreg.scid  }
0x2: {  	s0 =	stileid.u32;
	s4 =	rddreg [dreg:$0x0];
	s2 =	simm.s32 $0x0  }
0x3: {  	s9 =	simm.s32 $0x2800;
	s3 =	sand.u32 $0x1, s1;
	s31 =	sshll.u32 s0, $0x1  }
0x4: {  	s10 =	simm.s32 $0x5000;
	s11 =	simm.s32 $0x7780;
	s5 =	sor.u32 s3, s31  }
0x5: {  	s12 =	simm.s32 $0x0;
	s3 =	ssub.s32 $0x2, s3;
	s6 =	smul.u32 $0x500, s5  }
0x6: {  	[smem:$0x7FF] =	sst s2;
	s5 =	smul.u32 $0x4F00, s5;
	s7 =	sshrl.u32 s3, $0x1  }
0x7: {  	s1 =	rddreg [dreg:$0x1];
	_ =	strace $0x80000047;
	s7 =	ssub.s32 s3, s7  }
0x8: {  	s6 =	sadd.s32 s6, s4;
	s5 =	sshrl.u32 s5, $0x3;
	s7 =	smax.u32 s7, $0x1  }
0x9: {  	s8 =	sadd.s32 s5, s4;
	s3 =	sadd.s32 $0x1600, s6;
	s4 =	sadd.s32 $0xB600, s6  }
0xa: {  	v0 =	vimm.f32 $0.0e+00;
	v1 =	vimm.f32 $1.000000000e+00;
	s5 =	sadd.s32 $0x15600, s8;
	s6 =	sadd.s32 $0x15AF0, s8;
	s8 =	simm.s32 $0x1  }
.LBB2_1:
0xb: {  	[tilespmem:s2], [sflag:$0x1] =	stream.linear.gather [hbm4b:s3+s2], $0x2800, $0x38;
	[tilespmem:$0x9F00] =	vst v63  }
0xc: {  	_ =	swait.ge [sflag:s8], $0x2800  }
0xd: {  	[sflag:s8] =	ssyncset.done $0x0  }
0xe: {  	[sflag:s8] =	ssyncadd.s32 $0xFFFFD800  }
0xf: {  	[tilespmem:s9], [sflag:$0x1] =	stream.linear.gather [hbm4b:s4+s2], $0x2800, $0x38;
	[tilespmem:$0x9F00] =	vst v63  }
0x10: {  	_ =	swait.ge [sflag:s8], $0x2800  }
0x11: {  	[sflag:s8] =	ssyncset.done $0x0  }
0x12: {  	s14 =	simm.s32 $0x5020;
	[sflag:s8] =	ssyncadd.s32 $0xFFFFD800  }
0x13: {  	s16 =	simm.s32 $0x77A0;
	[tilespmem:s14+$0xFFFFFFE0] =	vst v0  }
0x14: {  	[tilespmem:s16+$0xFFFFFFE0] =	vst v0  }
0x15: {  	[tilespmem:s14+$0xFFFFFFF0] =	vst v0  }
0x16: {  	[tilespmem:s16+$0xFFFFFFF0] =	vst v0  }
0x17: {  	[tilespmem:s14+$0x0] =	vst v0  }
0x18: {  	[tilespmem:s16+$0x0] =	vst v0  }
0x19: {  	s13 =	simm.s32 $0xFFFFFFFC;
	s17 =	simm.s32 $0x0;
	[tilespmem:s14+$0x10] =	vst v0  }
0x1a: {  	s18 =	simm.s32 $0x5060;
	s15 =	simm.s32 $0x20;
	s14 =	simm.s32 $0x2820;
	[tilespmem:s16+$0x10] =	vst v0  }
.LBB2_2:
0x1b: {  	[tilespmem:s18+$0xFFFFFFE0] =	vst v0;
	s16 =	sadd.s32 $0x40, s16  }
0x1c: {  	s17 =	sadd.s32 $0x4, s17;
	[tilespmem:s16+$0xFFFFFFE0] =	vst v0  }
0x1d: {  	p0 =	slt.u32 s17, $0x274;
	[tilespmem:s18+$0xFFFFFFF0] =	vst v0  }
.Ltmp0:
0x1e: {  	[tilespmem:s16+$0xFFFFFFF0] =	vst v0;
	(pc) =	sbr.rel @p0 .LBB2_2-.Ltmp0, $4  }
0x1f: {  	[tilespmem:s18+$0x0] =	vst v0  }
0x20: {  	[tilespmem:s16+$0x0] =	vst v0  }
0x21: {  	[tilespmem:s18+$0x10] =	vst v0  }
0x22: {  	s18 =	sadd.s32 $0x40, s18;
	[tilespmem:s16+$0x10] =	vst v0  }
.LBB2_3:
0x23: {  	v2 =	vld [tilespmem:s15+$0xFFFFFFE0];
	_ =	sdelay $0x7  }
0x24: {  	[tilespmem:v2+s10+$0x0] =	vst.idx.add.f32.msk $0xffff, v1  }
0x25: {  	v2 =	vld [tilespmem:s14+$0xFFFFFFE0];
	_ =	sdelay $0x7  }
0x26: {  	[tilespmem:v2+s11+$0x0] =	vst.idx.add.f32.msk $0xffff, v1  }
0x27: {  	v2 =	vld [tilespmem:s15+$0xFFFFFFF0];
	_ =	sdelay $0x7  }
0x28: {  	[tilespmem:v2+s10+$0x0] =	vst.idx.add.f32.msk $0xffff, v1  }
0x29: {  	v2 =	vld [tilespmem:s14+$0xFFFFFFF0];
	_ =	sdelay $0x7  }
0x2a: {  	[tilespmem:v2+s11+$0x0] =	vst.idx.add.f32.msk $0xffff, v1  }
0x2b: {  	v2 =	vld [tilespmem:s15+$0x0];
	_ =	sdelay $0x7  }
0x2c: {  	[tilespmem:v2+s10+$0x0] =	vst.idx.add.f32.msk $0xffff, v1  }
0x2d: {  	v2 =	vld [tilespmem:s14+$0x0];
	_ =	sdelay $0x7  }
0x2e: {  	[tilespmem:v2+s11+$0x0] =	vst.idx.add.f32.msk $0xffff, v1  }
0x2f: {  	v2 =	vld [tilespmem:s15+$0x10];
	_ =	sdelay $0x7  }
0x30: {  	[tilespmem:v2+s10+$0x0] =	vst.idx.add.f32.msk $0xffff, v1  }
0x31: {  	v2 =	vld [tilespmem:s14+$0x10];
	_ =	sdelay $0x1  }
0x32: {  	s13 =	sadd.s32 $0x4, s13  }
0x33: {  	p0 =	slt.u32 s13, $0x27C  }
.Ltmp1:
0x34: {  	_ = 	snop;
	(pc) =	sbr.rel @p0 .LBB2_3-.Ltmp1, $2  }
0x35: {  	_ =	sdelay $0x2  }
0x36: {  	s15 =	sadd.s32 $0x40, s15;
	s14 =	sadd.s32 $0x40, s14;
	[tilespmem:v2+s11+$0x0] =	vst.idx.add.f32.msk $0xffff, v1  }
0x37: {  	[hbm4b:s5+s2] =	stream.linear.scatter [tilespmem:s10], [sflag:$0x1], $0x2780, $0x38;
	[tilespmem:$0x9F00] =	vst v63  }
0x38: {  	s12 =	sadd.s32 $0x1, s12;
	_ =	swait.ge [sflag:s8], $0x2780  }
0x39: {  	p0 =	sne.s32 s12, s7;
	[sflag:s8] =	ssyncset.done $0x0  }
.Ltmp2:
0x3a: {  	[sflag:s8] =	ssyncadd.s32 $0xFFFFD880;
	(pc) =	sbr.rel @p0 .LBB2_1-.Ltmp2, $4  }
0x3b: {  	[hbm4b:s6+s2] =	stream.linear.scatter [tilespmem:s11], [sflag:$0x1], $0x2780, $0x38;
	[tilespmem:$0x9F00] =	vst v63  }
0x3c: {  	_ =	swait.ge [sflag:s8], $0x2780  }
0x3d: {  	[sflag:s8] =	ssyncset.done $0x0  }
0x3e: {  	[sflag:s8] =	ssyncadd.s32 $0xFFFFD880  }
0x3f: {  	_ =	sfence.sel $0x180000  }
0x40: {  	[bflag:$0x0] =	sbarrier.arrive $0xFFFF  }
0x41: {  	p0 =	sne.s32 s0, $0x0;
	_ =	strace $0x90000047  }
0x42: {  	s0 =	sadd.s32 @!p0 $0x100000, s1;
	[bflag:$0x2] =	sbarrier.arrive $0xFFFF  }
0x43: {  	[sflag:s0] =	ssyncadd.tile.s32 @!p0 $0x1;
	_ =	shalt  }
.Lfunc_end2:
_tile_overlayer_lowered:
.L_overlay_start_2:
0x44: {  	(tag) =	ssettag $0x2  }
0x45: {  	s0 =	rddreg [dreg:$0x0];
	s2 =	stileid.u32  }
0x46: {  	s1 =	rddreg [dreg:$0x1];
	p0 =	sne.s32 s2, $0x0  }
0x47: {  	s3 =	rddreg [dreg:$0x2];
	[bflag:$0x3] =	sbarrier.arrive $0xFFFF;
	s2 =	simm.s32 @!p0 $0x1C01  }
0x48: {  	[timem:s3], [sflag:s2] =	dma.local @!p0 [hbm:s0], s1  }
0x49: {  	s0 =	simm.s32 @!p0 $0x1  }
0x4a: {  	_ =	swait.ge @!p0 [sflag:s0], s1  }
0x4b: {  	s1 =	ssub.s32 @!p0 $0x0, s1;
	[sflag:s0] =	ssyncset.done @!p0 $0x0  }
0x4c: {  	[sflag:s0] =	ssyncadd.s32 @!p0 s1  }
0x4d: {  	[bflag:$0x3] =	sbarrier.arrive $0xFFFF  }
0x4e: {  	_ =	shalt  }

</sc_bundles>
